<compile_context>
chip_gen: v7x
topology: tpu7x:2x2x1
jax: 0.10.2.dev20260603
libtpu: 0.0.44.dev20260713+nightly
codegen_flags: <defaults>
</compile_context>

<pallas_src>
import functools

import jax
import jax.numpy as jnp
from jax import lax
from jax.experimental import pallas as pl
from jax.experimental.pallas import tpu as pltpu
from jax.experimental.pallas import tpu_sc as plsc

_EPS = 1e-08
_B, _N, _M = 4, 2304, 2304
_NW = 32
_L = 16


def _tc_body(sx_ref, sy_ref, tx_ref, ty_ref, omin_ref, oarg_ref, *, tn, m):
    sx = sx_ref[0]
    sy = sy_ref[0]
    tx = tx_ref[0]
    ty = ty_ref[0]
    dx = jnp.abs(sx - tx) + _EPS
    dy = jnp.abs(sy - ty) + _EPS
    s = dx * dx + dy * dy
    mn = jnp.min(s, axis=1, keepdims=True)
    idx = lax.broadcasted_iota(jnp.int32, (tn, m), 1)
    am = jnp.min(jnp.where(s <= mn, idx, m), axis=1, keepdims=True)
    omin_ref[0] = mn
    oarg_ref[0] = am


def _pairwise_min_tc(sx, sy, tx, ty, *, tn):
    b, rows, _ = sx.shape
    m = tx.shape[2]
    grid = (b, rows // tn)
    src_spec = pl.BlockSpec((1, tn, 1), lambda bi, i: (bi, i, 0))
    tgt_spec = pl.BlockSpec((1, 1, m), lambda bi, i: (bi, 0, 0))
    out_spec = pl.BlockSpec((1, tn, 1), lambda bi, i: (bi, i, 0))
    mn, am = pl.pallas_call(
        functools.partial(_tc_body, tn=tn, m=m),
        grid=grid,
        in_specs=[src_spec, src_spec, tgt_spec, tgt_spec],
        out_specs=[out_spec, out_spec],
        out_shape=[
            jax.ShapeDtypeStruct((b, rows, 1), jnp.float32),
            jax.ShapeDtypeStruct((b, rows, 1), jnp.int32),
        ],
    )(sx, sy, tx, ty)
    return mn, am


def _sc_body(sxq_hbm, syq_hbm, txq_hbm, tyq_hbm, om_hbm, oa_hbm,
             qx_v, qy_v, tx_v, ty_v, om_v, oa_v, *, k):
    chunk = k // 8
    c = lax.axis_index("c")
    s = lax.axis_index("s")
    wid = s * 2 + c
    b = wid // 8
    cw = wid % 8
    qbase = b * _N + cw * chunk
    obase = b * k + cw * chunk
    pltpu.sync_copy(sxq_hbm.at[pl.ds(qbase, chunk)], qx_v)
    pltpu.sync_copy(syq_hbm.at[pl.ds(qbase, chunk)], qy_v)
    pltpu.sync_copy(txq_hbm.at[pl.ds(b * _M, _M)], tx_v)
    pltpu.sync_copy(tyq_hbm.at[pl.ds(b * _M, _M)], ty_v)

    ngroups = chunk // _L
    g = 0
    while g < ngroups:
        ng = 3 if g + 2 < ngroups else (ngroups - g)
        qs = [(qx_v[pl.ds((g + t) * _L, _L)], qy_v[pl.ds((g + t) * _L, _L)])
              for t in range(ng)]

        def body(j, carry, qs=qs, ng=ng):
            ms, ams = list(carry[0]), list(carry[1])
            tvx = tx_v[pl.ds(j * _L, _L)]
            tvy = ty_v[pl.ds(j * _L, _L)]
            tb = j * _L
            for u in range(_L):
                bx = tvx[u]
                by = tvy[u]
                ti = tb + u
                for t in range(ng):
                    qx, qy = qs[t]
                    dx = jnp.abs(qx - bx) + _EPS
                    dy = jnp.abs(qy - by) + _EPS
                    sq = dx * dx + dy * dy
                    ltm = sq < ms[t]
                    ams[t] = jnp.where(ltm, ti, ams[t])
                    ms[t] = jnp.minimum(ms[t], sq)
            return tuple(ms), tuple(ams)

        m0 = tuple(jnp.full((_L,), jnp.inf, jnp.float32) for _ in range(ng))
        am0 = tuple(jnp.zeros((_L,), jnp.int32) for _ in range(ng))
        ms, ams = lax.fori_loop(0, _M // _L, body, (m0, am0))
        for t in range(ng):
            om_v[pl.ds((g + t) * _L, _L)] = ms[t]
            oa_v[pl.ds((g + t) * _L, _L)] = ams[t]
        g += ng

    pltpu.sync_copy(om_v, om_hbm.at[pl.ds(obase, chunk)])
    pltpu.sync_copy(oa_v, oa_hbm.at[pl.ds(obase, chunk)])


def _pairwise_min_sc(sxq, syq, txq, tyq, *, k):
    chunk = k // 8
    mesh = plsc.VectorSubcoreMesh(core_axis_name="c", subcore_axis_name="s")
    run = functools.partial(
        pl.kernel,
        mesh=mesh,
        out_type=[
            jax.ShapeDtypeStruct((_B * k,), jnp.float32),
            jax.ShapeDtypeStruct((_B * k,), jnp.int32),
        ],
        scratch_types=[
            pltpu.VMEM((chunk,), jnp.float32),
            pltpu.VMEM((chunk,), jnp.float32),
            pltpu.VMEM((_M,), jnp.float32),
            pltpu.VMEM((_M,), jnp.float32),
            pltpu.VMEM((chunk,), jnp.float32),
            pltpu.VMEM((chunk,), jnp.int32),
        ],
    )(functools.partial(_sc_body, k=k))
    return run(sxq, syq, txq, tyq)


_K_SC = 768
_TN = 768


@jax.jit
def kernel(source_uv_warped, target_uv_pred):
    b = source_uv_warped.shape[0]
    src = jnp.reshape(source_uv_warped, (b, -1, 2))
    tgt = jnp.reshape(target_uv_pred, (b, -1, 2))
    n = src.shape[1]
    sxq = src[:, :, 0]
    syq = src[:, :, 1]
    txq = tgt[:, :, 0]
    tyq = tgt[:, :, 1]
    mn_sc, am_sc = _pairwise_min_sc(
        sxq.reshape(-1), syq.reshape(-1), txq.reshape(-1), tyq.reshape(-1),
        k=_K_SC)
    nk = n - _K_SC
    mn_tc, am_tc = _pairwise_min_tc(
        sxq[:, _K_SC:, None], syq[:, _K_SC:, None],
        txq[:, None, :], tyq[:, None, :], tn=_TN)
    mn = jnp.concatenate(
        [mn_sc.reshape(b, _K_SC), mn_tc.reshape(b, nk)], axis=1)
    am = jnp.concatenate(
        [am_sc.reshape(b, _K_SC), am_tc.reshape(b, nk)], axis=1)
    return (jnp.sqrt(mn), am)

# --- scband reference (transcript-rebuilt; emitter-appended) ---
"""Pipeline reference for scband-keypoint-netwith-ioloss-13889924235294 (READ-ONLY COPY).

The authoritative reference and input builder live on the scoring server;
editing this copy changes nothing except your own understanding.
"""

import jax, jax.numpy as jnp
import numpy as np


def setup_inputs(seed: int = 0) -> dict:
    key = jax.random.key(seed)
    k1, k2 = jax.random.split(key)
    B, Hc, Wc = 4, 48, 48
    # uv coordinates roughly in normalized-ish range; values only feed pairwise L2
    source_uv_warped = jax.random.uniform(k1, (B, Hc, Wc, 2), dtype=jnp.float32)
    target_uv_pred = jax.random.uniform(k2, (B, Hc, Wc, 2), dtype=jnp.float32)
    return {"source_uv_warped": source_uv_warped, "target_uv_pred": target_uv_pred}


def reference(source_uv_warped, target_uv_pred):
    # Faithful port of KeypointNetwithIOLoss._min_l2_norm (the kNN/nearest-neighbor core):
    # d_uv_mat_abs = |src[:, :, None, :] - tgt[:, None, :, :]| over flattened keypoint grids
    # d_uv_l2_mat  = euclidean norm over last axis of (abs diff + eps)
    # returns (min over axis=2, argmin over axis=2)
    epsilon = 1e-08
    B = source_uv_warped.shape[0]
    src = jnp.reshape(source_uv_warped, (B, -1, 2))  # [B, N, 2]
    tgt = jnp.reshape(target_uv_pred, (B, -1, 2))    # [B, M, 2]
    d_uv_mat_abs = jnp.abs(src[:, :, None, :] - tgt[:, None, :, :])  # [B, N, M, 2]
    d_uv_l2_mat = jnp.sqrt(jnp.sum((d_uv_mat_abs + epsilon) ** 2, axis=3))  # [B, N, M]
    min_l2 = jnp.min(d_uv_l2_mat, axis=2)
    argmin_l2 = jnp.argmin(d_uv_l2_mat, axis=2)
    return (min_l2, argmin_l2)

if __name__ == "__main__":
    import jax
    _d = setup_inputs()
    print(jax.jit(kernel)(*tuple(_d.values())))

</pallas_src>

<mosaic_0001>
#map = affine_map<(d0, d1) -> (0)>
module attributes {stable_mosaic.version = 14 : i64} {
  func.func @_sc_body(%arg0: i32, %arg1: i32, %arg2: memref<9216xf32, #tpu.memory_space<hbm>>, %arg3: memref<9216xf32, #tpu.memory_space<hbm>>, %arg4: memref<9216xf32, #tpu.memory_space<hbm>>, %arg5: memref<9216xf32, #tpu.memory_space<hbm>>, %arg6: memref<3072xf32, #tpu.memory_space<hbm>>, %arg7: memref<3072xi32, #tpu.memory_space<hbm>>, %arg8: memref<96xf32, #tpu.memory_space<vmem>>, %arg9: memref<96xf32, #tpu.memory_space<vmem>>, %arg10: memref<2304xf32, #tpu.memory_space<vmem>>, %arg11: memref<2304xf32, #tpu.memory_space<vmem>>, %arg12: memref<96xf32, #tpu.memory_space<vmem>>, %arg13: memref<96xi32, #tpu.memory_space<vmem>>) attributes {dimension_semantics = [#tpu.dimension_semantics<core_parallel>, #tpu.dimension_semantics<subcore_parallel>], iteration_bounds = array<i64: 2, 16>, scalar_prefetch = 0 : i64, scratch_operands = 6 : i64, tpu.core_type = #tpu.core_type<sc_vector_subcore>, window_params = [{transform_indices = #map}, {transform_indices = #map}, {transform_indices = #map}, {transform_indices = #map}, {transform_indices = #map}, {transform_indices = #map}]} {
    %mul3A = arith.constant 2 : i32
    %mul3A_0 = arith.muli %arg1, %mul3A : i32
    %add3A = arith.addi %mul3A_0, %arg0 : i32
    %jit3A = arith.constant 8 : i32
    %div3A = arith.divsi %add3A, %jit3A : i32
    %sign3A = arith.constant 0 : i32
    %sign3A_1 = arith.cmpi sgt, %add3A, %sign3A : i32
    %sign3A_2 = arith.extui %sign3A_1 : i1 to i32
    %sign3A_3 = arith.constant 0 : i32
    %sign3A_4 = arith.cmpi slt, %add3A, %sign3A_3 : i32
    %sign3A_5 = arith.extui %sign3A_4 : i1 to i32
    %sign3A_6 = arith.subi %sign3A_2, %sign3A_5 : i32
    %sign3A_7 = arith.constant 0 : i32
    %sign3A_8 = arith.cmpi sgt, %jit3A, %sign3A_7 : i32
    %sign3A_9 = arith.extui %sign3A_8 : i1 to i32
    %sign3A_10 = arith.constant 0 : i32
    %sign3A_11 = arith.cmpi slt, %jit3A, %sign3A_10 : i32
    %sign3A_12 = arith.extui %sign3A_11 : i1 to i32
    %sign3A_13 = arith.subi %sign3A_9, %sign3A_12 : i32
    %ne3A = arith.cmpi ne, %sign3A_6, %sign3A_13 : i32
    %rem3A = arith.remsi %add3A, %jit3A : i32
    %ne3A_14 = arith.constant 0 : i32
    %ne3A_15 = arith.cmpi ne, %rem3A, %ne3A_14 : i32
    %and3A = arith.andi %ne3A, %ne3A_15 : i1
    %sub3A = arith.constant 1 : i32
    %sub3A_16 = arith.subi %div3A, %sub3A : i32
    %select_n3A = arith.select %and3A, %sub3A_16, %div3A : i32
    %jit3A_17 = arith.constant 8 : i32
    %eq3A = arith.constant 0 : i32
    %eq3A_18 = arith.cmpi eq, %jit3A_17, %eq3A : i32
    %jit3A_19 = arith.constant 1 : i32
    %select_n3A_20 = arith.select %eq3A_18, %jit3A_19, %jit3A_17 : i32
    %rem3A_21 = arith.remsi %add3A, %select_n3A_20 : i32
    %ne3A_22 = arith.constant 0 : i32
    %ne3A_23 = arith.cmpi ne, %rem3A_21, %ne3A_22 : i32
    %lt3A = arith.constant 0 : i32
    %lt3A_24 = arith.cmpi slt, %rem3A_21, %lt3A : i32
    %lt3A_25 = arith.constant 0 : i32
    %lt3A_26 = arith.cmpi slt, %select_n3A_20, %lt3A_25 : i32
    %ne3A_27 = arith.xori %lt3A_24, %lt3A_26 : i1
    %and3A_28 = arith.andi %ne3A_27, %ne3A_23 : i1
    %add3A_29 = arith.addi %rem3A_21, %select_n3A_20 : i32
    %select_n3A_30 = arith.select %and3A_28, %add3A_29, %rem3A_21 : i32
    %mul3A_31 = arith.constant 2304 : i32
    %mul3A_32 = arith.muli %select_n3A, %mul3A_31 : i32
    %mul3A_33 = arith.constant 96 : i32
    %mul3A_34 = arith.muli %select_n3A_30, %mul3A_33 : i32
    %add3A_35 = arith.addi %mul3A_32, %mul3A_34 : i32
    %mul3A_36 = arith.constant 768 : i32
    %mul3A_37 = arith.muli %select_n3A, %mul3A_36 : i32
    %mul3A_38 = arith.constant 96 : i32
    %mul3A_39 = arith.muli %select_n3A_30, %mul3A_38 : i32
    %add3A_40 = arith.addi %mul3A_37, %mul3A_39 : i32
    "tpu.region"() ({
      %run_scoped3A = tpu.sem_alloc : memref<!tpu.dma_semaphore, #tpu.memory_space<semaphore_mem>>
      %dma_start3A = tpu.memref_slice %arg2[%add3A_35] : memref<9216xf32, #tpu.memory_space<hbm>> -> memref<96xf32, #tpu.memory_space<hbm>>
      %dma_start3A_161 = tpu.memref_slice %arg2[%add3A_35] : memref<9216xf32, #tpu.memory_space<hbm>> -> memref<96xf32, #tpu.memory_space<hbm>>
      tpu.enqueue_dma source(%dma_start3A_161 : memref<96xf32, #tpu.memory_space<hbm>>) target(%arg8 : memref<96xf32, #tpu.memory_space<vmem>>) target_semaphore(%run_scoped3A : memref<!tpu.dma_semaphore, #tpu.memory_space<semaphore_mem>>)
      %dma_wait3A = tpu.memref_slice %arg2[%add3A_35] : memref<9216xf32, #tpu.memory_space<hbm>> -> memref<96xf32, #tpu.memory_space<hbm>>
      %dma_wait3A_162 = tpu.memref_slice %arg2[%add3A_35] : memref<9216xf32, #tpu.memory_space<hbm>> -> memref<96xf32, #tpu.memory_space<hbm>>
      tpu.wait_dma2 semaphore(%run_scoped3A : memref<!tpu.dma_semaphore, #tpu.memory_space<semaphore_mem>>) src(%dma_wait3A_162 : memref<96xf32, #tpu.memory_space<hbm>>) dst(%arg8 : memref<96xf32, #tpu.memory_space<vmem>>)
      tpu.yield
    }) : () -> ()
    "tpu.region"() ({
      %run_scoped3A = tpu.sem_alloc : memref<!tpu.dma_semaphore, #tpu.memory_space<semaphore_mem>>
      %dma_start3A = tpu.memref_slice %arg3[%add3A_35] : memref<9216xf32, #tpu.memory_space<hbm>> -> memref<96xf32, #tpu.memory_space<hbm>>
      %dma_start3A_161 = tpu.memref_slice %arg3[%add3A_35] : memref<9216xf32, #tpu.memory_space<hbm>> -> memref<96xf32, #tpu.memory_space<hbm>>
      tpu.enqueue_dma source(%dma_start3A_161 : memref<96xf32, #tpu.memory_space<hbm>>) target(%arg9 : memref<96xf32, #tpu.memory_space<vmem>>) target_semaphore(%run_scoped3A : memref<!tpu.dma_semaphore, #tpu.memory_space<semaphore_mem>>)
      %dma_wait3A = tpu.memref_slice %arg3[%add3A_35] : memref<9216xf32, #tpu.memory_space<hbm>> -> memref<96xf32, #tpu.memory_space<hbm>>
      %dma_wait3A_162 = tpu.memref_slice %arg3[%add3A_35] : memref<9216xf32, #tpu.memory_space<hbm>> -> memref<96xf32, #tpu.memory_space<hbm>>
      tpu.wait_dma2 semaphore(%run_scoped3A : memref<!tpu.dma_semaphore, #tpu.memory_space<semaphore_mem>>) src(%dma_wait3A_162 : memref<96xf32, #tpu.memory_space<hbm>>) dst(%arg9 : memref<96xf32, #tpu.memory_space<vmem>>)
      tpu.yield
    }) : () -> ()
    %mul3A_41 = arith.constant 2304 : i32
    %mul3A_42 = arith.muli %select_n3A, %mul3A_41 : i32
    "tpu.region"() ({
      %run_scoped3A = tpu.sem_alloc : memref<!tpu.dma_semaphore, #tpu.memory_space<semaphore_mem>>
      %dma_start3A = tpu.memref_slice %arg4[%mul3A_42] : memref<9216xf32, #tpu.memory_space<hbm>> -> memref<2304xf32, #tpu.memory_space<hbm>>
      %dma_start3A_161 = tpu.memref_slice %arg4[%mul3A_42] : memref<9216xf32, #tpu.memory_space<hbm>> -> memref<2304xf32, #tpu.memory_space<hbm>>
      tpu.enqueue_dma source(%dma_start3A_161 : memref<2304xf32, #tpu.memory_space<hbm>>) target(%arg10 : memref<2304xf32, #tpu.memory_space<vmem>>) target_semaphore(%run_scoped3A : memref<!tpu.dma_semaphore, #tpu.memory_space<semaphore_mem>>)
      %dma_wait3A = tpu.memref_slice %arg4[%mul3A_42] : memref<9216xf32, #tpu.memory_space<hbm>> -> memref<2304xf32, #tpu.memory_space<hbm>>
      %dma_wait3A_162 = tpu.memref_slice %arg4[%mul3A_42] : memref<9216xf32, #tpu.memory_space<hbm>> -> memref<2304xf32, #tpu.memory_space<hbm>>
      tpu.wait_dma2 semaphore(%run_scoped3A : memref<!tpu.dma_semaphore, #tpu.memory_space<semaphore_mem>>) src(%dma_wait3A_162 : memref<2304xf32, #tpu.memory_space<hbm>>) dst(%arg10 : memref<2304xf32, #tpu.memory_space<vmem>>)
      tpu.yield
    }) : () -> ()
    %mul3A_43 = arith.constant 2304 : i32
    %mul3A_44 = arith.muli %select_n3A, %mul3A_43 : i32
    "tpu.region"() ({
      %run_scoped3A = tpu.sem_alloc : memref<!tpu.dma_semaphore, #tpu.memory_space<semaphore_mem>>
      %dma_start3A = tpu.memref_slice %arg5[%mul3A_44] : memref<9216xf32, #tpu.memory_space<hbm>> -> memref<2304xf32, #tpu.memory_space<hbm>>
      %dma_start3A_161 = tpu.memref_slice %arg5[%mul3A_44] : memref<9216xf32, #tpu.memory_space<hbm>> -> memref<2304xf32, #tpu.memory_space<hbm>>
      tpu.enqueue_dma source(%dma_start3A_161 : memref<2304xf32, #tpu.memory_space<hbm>>) target(%arg11 : memref<2304xf32, #tpu.memory_space<vmem>>) target_semaphore(%run_scoped3A : memref<!tpu.dma_semaphore, #tpu.memory_space<semaphore_mem>>)
      %dma_wait3A = tpu.memref_slice %arg5[%mul3A_44] : memref<9216xf32, #tpu.memory_space<hbm>> -> memref<2304xf32, #tpu.memory_space<hbm>>
      %dma_wait3A_162 = tpu.memref_slice %arg5[%mul3A_44] : memref<9216xf32, #tpu.memory_space<hbm>> -> memref<2304xf32, #tpu.memory_space<hbm>>
      tpu.wait_dma2 semaphore(%run_scoped3A : memref<!tpu.dma_semaphore, #tpu.memory_space<semaphore_mem>>) src(%dma_wait3A_162 : memref<2304xf32, #tpu.memory_space<hbm>>) dst(%arg11 : memref<2304xf32, #tpu.memory_space<vmem>>)
      tpu.yield
    }) : () -> ()
    %get3A = arith.constant 0 : index
    %get3A_45 = tpu.vector_load %arg8[%get3A] {strides = array<i32>} : memref<96xf32, #tpu.memory_space<vmem>>, vector<16xf32>,
    %get3A_46 = vector.shape_cast %get3A_45 : vector<16xf32> to vector<16xf32>
    %get3A_47 = arith.constant 0 : index
    %get3A_48 = tpu.vector_load %arg9[%get3A_47] {strides = array<i32>} : memref<96xf32, #tpu.memory_space<vmem>>, vector<16xf32>,
    %get3A_49 = vector.shape_cast %get3A_48 : vector<16xf32> to vector<16xf32>
    %get3A_50 = arith.constant 16 : index
    %get3A_51 = tpu.vector_load %arg8[%get3A_50] {strides = array<i32>} : memref<96xf32, #tpu.memory_space<vmem>>, vector<16xf32>,
    %get3A_52 = vector.shape_cast %get3A_51 : vector<16xf32> to vector<16xf32>
    %get3A_53 = arith.constant 16 : index
    %get3A_54 = tpu.vector_load %arg9[%get3A_53] {strides = array<i32>} : memref<96xf32, #tpu.memory_space<vmem>>, vector<16xf32>,
    %get3A_55 = vector.shape_cast %get3A_54 : vector<16xf32> to vector<16xf32>
    %get3A_56 = arith.constant 32 : index
    %get3A_57 = tpu.vector_load %arg8[%get3A_56] {strides = array<i32>} : memref<96xf32, #tpu.memory_space<vmem>>, vector<16xf32>,
    %get3A_58 = vector.shape_cast %get3A_57 : vector<16xf32> to vector<16xf32>
    %get3A_59 = arith.constant 32 : index
    %get3A_60 = tpu.vector_load %arg9[%get3A_59] {strides = array<i32>} : memref<96xf32, #tpu.memory_space<vmem>>, vector<16xf32>,
    %get3A_61 = vector.shape_cast %get3A_60 : vector<16xf32> to vector<16xf32>
    %broadcast_in_dim3A = arith.constant 0x7F800000 : f32
    %broadcast_in_dim3A_62 = vector.broadcast %broadcast_in_dim3A : f32 to vector<16xf32>
    %broadcast_in_dim3A_63 = arith.constant 0x7F800000 : f32
    %broadcast_in_dim3A_64 = vector.broadcast %broadcast_in_dim3A_63 : f32 to vector<16xf32>
    %broadcast_in_dim3A_65 = arith.constant 0x7F800000 : f32
    %broadcast_in_dim3A_66 = vector.broadcast %broadcast_in_dim3A_65 : f32 to vector<16xf32>
    %broadcast_in_dim3A_67 = arith.constant 0 : i32
    %broadcast_in_dim3A_68 = vector.broadcast %broadcast_in_dim3A_67 : i32 to vector<16xi32>
    %broadcast_in_dim3A_69 = arith.constant 0 : i32
    %broadcast_in_dim3A_70 = vector.broadcast %broadcast_in_dim3A_69 : i32 to vector<16xi32>
    %broadcast_in_dim3A_71 = arith.constant 0 : i32
    %broadcast_in_dim3A_72 = vector.broadcast %broadcast_in_dim3A_71 : i32 to vector<16xi32>
    %scan3A = arith.constant 0 : i32
    %scan3A_73 = arith.constant 144 : i32
    %scan3A_74 = arith.addi %scan3A, %scan3A_73 : i32
    %scan3A_75 = arith.constant 1 : i32
    %scan3A_76:6 = scf.for %scan3A_161 = %scan3A to %scan3A_74 step %scan3A_75 iter_args(%scan3A_162 = %broadcast_in_dim3A_62, %scan3A_163 = %broadcast_in_dim3A_64, %scan3A_164 = %broadcast_in_dim3A_66, %scan3A_165 = %broadcast_in_dim3A_68, %scan3A_166 = %broadcast_in_dim3A_70, %scan3A_167 = %broadcast_in_dim3A_72) -> (vector<16xf32>, vector<16xf32>, vector<16xf32>, vector<16xi32>, vector<16xi32>, vector<16xi32>)  : i32 {
      %mul3A_168 = arith.constant 16 : i32
      %mul3A_169 = arith.muli %scan3A_161, %mul3A_168 : i32
      %get3A_170 = arith.index_cast %mul3A_169 : i32 to index
      %get3A_171 = tpu.vector_load %arg10[%get3A_170] {strides = array<i32>} : memref<2304xf32, #tpu.memory_space<vmem>>, vector<16xf32>,
      %get3A_172 = vector.shape_cast %get3A_171 : vector<16xf32> to vector<16xf32>
      %mul3A_173 = arith.constant 16 : i32
      %mul3A_174 = arith.muli %scan3A_161, %mul3A_173 : i32
      %get3A_175 = arith.index_cast %mul3A_174 : i32 to index
      %get3A_176 = tpu.vector_load %arg11[%get3A_175] {strides = array<i32>} : memref<2304xf32, #tpu.memory_space<vmem>>, vector<16xf32>,
      %get3A_177 = vector.shape_cast %get3A_176 : vector<16xf32> to vector<16xf32>
      %mul3A_178 = arith.constant 16 : i32
      %mul3A_179 = arith.muli %scan3A_161, %mul3A_178 : i32
      %slice3A = vector.extract_strided_slice %get3A_172 {offsets = [0], sizes = [1], strides = [1]} : vector<16xf32> to vector<1xf32>
      %squeeze3A = vector.extract %slice3A[0] : f32 from vector<1xf32>
      %slice3A_180 = vector.extract_strided_slice %get3A_177 {offsets = [0], sizes = [1], strides = [1]} : vector<16xf32> to vector<1xf32>
      %squeeze3A_181 = vector.extract %slice3A_180[0] : f32 from vector<1xf32>
      %add3A_182 = arith.constant 0 : i32
      %add3A_183 = arith.addi %mul3A_179, %add3A_182 : i32
      %sub3A_184 = vector.broadcast %squeeze3A : f32 to vector<16xf32>
      %sub3A_185 = arith.subf %get3A_46, %sub3A_184 : vector<16xf32>
      %abs3A = math.absf %sub3A_185 : vector<16xf32>
      %add3A_186 = arith.constant 9.99999993E-9 : f32
      %add3A_187 = vector.broadcast %add3A_186 : f32 to vector<16xf32>
      %add3A_188 = arith.addf %abs3A, %add3A_187 : vector<16xf32>
      %sub3A_189 = vector.broadcast %squeeze3A_181 : f32 to vector<16xf32>
      %sub3A_190 = arith.subf %get3A_49, %sub3A_189 : vector<16xf32>
      %abs3A_191 = math.absf %sub3A_190 : vector<16xf32>
      %add3A_192 = arith.constant 9.99999993E-9 : f32
      %add3A_193 = vector.broadcast %add3A_192 : f32 to vector<16xf32>
      %add3A_194 = arith.addf %abs3A_191, %add3A_193 : vector<16xf32>
      %mul3A_195 = arith.mulf %add3A_188, %add3A_188 : vector<16xf32>
      %mul3A_196 = arith.mulf %add3A_194, %add3A_194 : vector<16xf32>
      %add3A_197 = arith.addf %mul3A_195, %mul3A_196 : vector<16xf32>
      %lt3A_198 = arith.cmpf olt, %add3A_197, %scan3A_162 : vector<16xf32>
      %broadcast_in_dim3A_199 = vector.broadcast %add3A_183 : i32 to vector<16xi32>
      %select_n3A_200 = arith.select %lt3A_198, %broadcast_in_dim3A_199, %scan3A_165 : vector<16xi1>, vector<16xi32>
      %min3A = arith.minimumf %scan3A_162, %add3A_197 : vector<16xf32>
      %sub3A_201 = vector.broadcast %squeeze3A : f32 to vector<16xf32>
      %sub3A_202 = arith.subf %get3A_52, %sub3A_201 : vector<16xf32>
      %abs3A_203 = math.absf %sub3A_202 : vector<16xf32>
      %add3A_204 = arith.constant 9.99999993E-9 : f32
      %add3A_205 = vector.broadcast %add3A_204 : f32 to vector<16xf32>
      %add3A_206 = arith.addf %abs3A_203, %add3A_205 : vector<16xf32>
      %sub3A_207 = vector.broadcast %squeeze3A_181 : f32 to vector<16xf32>
      %sub3A_208 = arith.subf %get3A_55, %sub3A_207 : vector<16xf32>
      %abs3A_209 = math.absf %sub3A_208 : vector<16xf32>
      %add3A_210 = arith.constant 9.99999993E-9 : f32
      %add3A_211 = vector.broadcast %add3A_210 : f32 to vector<16xf32>
      %add3A_212 = arith.addf %abs3A_209, %add3A_211 : vector<16xf32>
      %mul3A_213 = arith.mulf %add3A_206, %add3A_206 : vector<16xf32>
      %mul3A_214 = arith.mulf %add3A_212, %add3A_212 : vector<16xf32>
      %add3A_215 = arith.addf %mul3A_213, %mul3A_214 : vector<16xf32>
      %lt3A_216 = arith.cmpf olt, %add3A_215, %scan3A_163 : vector<16xf32>
      %broadcast_in_dim3A_217 = vector.broadcast %add3A_183 : i32 to vector<16xi32>
      %select_n3A_218 = arith.select %lt3A_216, %broadcast_in_dim3A_217, %scan3A_166 : vector<16xi1>, vector<16xi32>
      %min3A_219 = arith.minimumf %scan3A_163, %add3A_215 : vector<16xf32>
      %sub3A_220 = vector.broadcast %squeeze3A : f32 to vector<16xf32>
      %sub3A_221 = arith.subf %get3A_58, %sub3A_220 : vector<16xf32>
      %abs3A_222 = math.absf %sub3A_221 : vector<16xf32>
      %add3A_223 = arith.constant 9.99999993E-9 : f32
      %add3A_224 = vector.broadcast %add3A_223 : f32 to vector<16xf32>
      %add3A_225 = arith.addf %abs3A_222, %add3A_224 : vector<16xf32>
      %sub3A_226 = vector.broadcast %squeeze3A_181 : f32 to vector<16xf32>
      %sub3A_227 = arith.subf %get3A_61, %sub3A_226 : vector<16xf32>
      %abs3A_228 = math.absf %sub3A_227 : vector<16xf32>
      %add3A_229 = arith.constant 9.99999993E-9 : f32
      %add3A_230 = vector.broadcast %add3A_229 : f32 to vector<16xf32>
      %add3A_231 = arith.addf %abs3A_228, %add3A_230 : vector<16xf32>
      %mul3A_232 = arith.mulf %add3A_225, %add3A_225 : vector<16xf32>
      %mul3A_233 = arith.mulf %add3A_231, %add3A_231 : vector<16xf32>
      %add3A_234 = arith.addf %mul3A_232, %mul3A_233 : vector<16xf32>
      %lt3A_235 = arith.cmpf olt, %add3A_234, %scan3A_164 : vector<16xf32>
      %broadcast_in_dim3A_236 = vector.broadcast %add3A_183 : i32 to vector<16xi32>
      %select_n3A_237 = arith.select %lt3A_235, %broadcast_in_dim3A_236, %scan3A_167 : vector<16xi1>, vector<16xi32>
      %min3A_238 = arith.minimumf %scan3A_164, %add3A_234 : vector<16xf32>
      %slice3A_239 = vector.extract_strided_slice %get3A_172 {offsets = [1], sizes = [1], strides = [1]} : vector<16xf32> to vector<1xf32>
      %squeeze3A_240 = vector.extract %slice3A_239[0] : f32 from vector<1xf32>
      %slice3A_241 = vector.extract_strided_slice %get3A_177 {offsets = [1], sizes = [1], strides = [1]} : vector<16xf32> to vector<1xf32>
      %squeeze3A_242 = vector.extract %slice3A_241[0] : f32 from vector<1xf32>
      %add3A_243 = arith.constant 1 : i32
      %add3A_244 = arith.addi %mul3A_179, %add3A_243 : i32
      %sub3A_245 = vector.broadcast %squeeze3A_240 : f32 to vector<16xf32>
      %sub3A_246 = arith.subf %get3A_46, %sub3A_245 : vector<16xf32>
      %abs3A_247 = math.absf %sub3A_246 : vector<16xf32>
      %add3A_248 = arith.constant 9.99999993E-9 : f32
      %add3A_249 = vector.broadcast %add3A_248 : f32 to vector<16xf32>
      %add3A_250 = arith.addf %abs3A_247, %add3A_249 : vector<16xf32>
      %sub3A_251 = vector.broadcast %squeeze3A_242 : f32 to vector<16xf32>
      %sub3A_252 = arith.subf %get3A_49, %sub3A_251 : vector<16xf32>
      %abs3A_253 = math.absf %sub3A_252 : vector<16xf32>
      %add3A_254 = arith.constant 9.99999993E-9 : f32
      %add3A_255 = vector.broadcast %add3A_254 : f32 to vector<16xf32>
      %add3A_256 = arith.addf %abs3A_253, %add3A_255 : vector<16xf32>
      %mul3A_257 = arith.mulf %add3A_250, %add3A_250 : vector<16xf32>
      %mul3A_258 = arith.mulf %add3A_256, %add3A_256 : vector<16xf32>
      %add3A_259 = arith.addf %mul3A_257, %mul3A_258 : vector<16xf32>
      %lt3A_260 = arith.cmpf olt, %add3A_259, %min3A : vector<16xf32>
      %broadcast_in_dim3A_261 = vector.broadcast %add3A_244 : i32 to vector<16xi32>
      %select_n3A_262 = arith.select %lt3A_260, %broadcast_in_dim3A_261, %select_n3A_200 : vector<16xi1>, vector<16xi32>
      %min3A_263 = arith.minimumf %min3A, %add3A_259 : vector<16xf32>
      %sub3A_264 = vector.broadcast %squeeze3A_240 : f32 to vector<16xf32>
      %sub3A_265 = arith.subf %get3A_52, %sub3A_264 : vector<16xf32>
      %abs3A_266 = math.absf %sub3A_265 : vector<16xf32>
      %add3A_267 = arith.constant 9.99999993E-9 : f32
      %add3A_268 = vector.broadcast %add3A_267 : f32 to vector<16xf32>
      %add3A_269 = arith.addf %abs3A_266, %add3A_268 : vector<16xf32>
      %sub3A_270 = vector.broadcast %squeeze3A_242 : f32 to vector<16xf32>
      %sub3A_271 = arith.subf %get3A_55, %sub3A_270 : vector<16xf32>
      %abs3A_272 = math.absf %sub3A_271 : vector<16xf32>
      %add3A_273 = arith.constant 9.99999993E-9 : f32
      %add3A_274 = vector.broadcast %add3A_273 : f32 to vector<16xf32>
      %add3A_275 = arith.addf %abs3A_272, %add3A_274 : vector<16xf32>
      %mul3A_276 = arith.mulf %add3A_269, %add3A_269 : vector<16xf32>
      %mul3A_277 = arith.mulf %add3A_275, %add3A_275 : vector<16xf32>
      %add3A_278 = arith.addf %mul3A_276, %mul3A_277 : vector<16xf32>
      %lt3A_279 = arith.cmpf olt, %add3A_278, %min3A_219 : vector<16xf32>
      %broadcast_in_dim3A_280 = vector.broadcast %add3A_244 : i32 to vector<16xi32>
      %select_n3A_281 = arith.select %lt3A_279, %broadcast_in_dim3A_280, %select_n3A_218 : vector<16xi1>, vector<16xi32>
      %min3A_282 = arith.minimumf %min3A_219, %add3A_278 : vector<16xf32>
      %sub3A_283 = vector.broadcast %squeeze3A_240 : f32 to vector<16xf32>
      %sub3A_284 = arith.subf %get3A_58, %sub3A_283 : vector<16xf32>
      %abs3A_285 = math.absf %sub3A_284 : vector<16xf32>
      %add3A_286 = arith.constant 9.99999993E-9 : f32
      %add3A_287 = vector.broadcast %add3A_286 : f32 to vector<16xf32>
      %add3A_288 = arith.addf %abs3A_285, %add3A_287 : vector<16xf32>
      %sub3A_289 = vector.broadcast %squeeze3A_242 : f32 to vector<16xf32>
      %sub3A_290 = arith.subf %get3A_61, %sub3A_289 : vector<16xf32>
      %abs3A_291 = math.absf %sub3A_290 : vector<16xf32>
      %add3A_292 = arith.constant 9.99999993E-9 : f32
      %add3A_293 = vector.broadcast %add3A_292 : f32 to vector<16xf32>
      %add3A_294 = arith.addf %abs3A_291, %add3A_293 : vector<16xf32>
      %mul3A_295 = arith.mulf %add3A_288, %add3A_288 : vector<16xf32>
      %mul3A_296 = arith.mulf %add3A_294, %add3A_294 : vector<16xf32>
      %add3A_297 = arith.addf %mul3A_295, %mul3A_296 : vector<16xf32>
      %lt3A_298 = arith.cmpf olt, %add3A_297, %min3A_238 : vector<16xf32>
      %broadcast_in_dim3A_299 = vector.broadcast %add3A_244 : i32 to vector<16xi32>
      %select_n3A_300 = arith.select %lt3A_298, %broadcast_in_dim3A_299, %select_n3A_237 : vector<16xi1>, vector<16xi32>
      %min3A_301 = arith.minimumf %min3A_238, %add3A_297 : vector<16xf32>
      %slice3A_302 = vector.extract_strided_slice %get3A_172 {offsets = [2], sizes = [1], strides = [1]} : vector<16xf32> to vector<1xf32>
      %squeeze3A_303 = vector.extract %slice3A_302[0] : f32 from vector<1xf32>
      %slice3A_304 = vector.extract_strided_slice %get3A_177 {offsets = [2], sizes = [1], strides = [1]} : vector<16xf32> to vector<1xf32>
      %squeeze3A_305 = vector.extract %slice3A_304[0] : f32 from vector<1xf32>
      %add3A_306 = arith.constant 2 : i32
      %add3A_307 = arith.addi %mul3A_179, %add3A_306 : i32
      %sub3A_308 = vector.broadcast %squeeze3A_303 : f32 to vector<16xf32>
      %sub3A_309 = arith.subf %get3A_46, %sub3A_308 : vector<16xf32>
      %abs3A_310 = math.absf %sub3A_309 : vector<16xf32>
      %add3A_311 = arith.constant 9.99999993E-9 : f32
      %add3A_312 = vector.broadcast %add3A_311 : f32 to vector<16xf32>
      %add3A_313 = arith.addf %abs3A_310, %add3A_312 : vector<16xf32>
      %sub3A_314 = vector.broadcast %squeeze3A_305 : f32 to vector<16xf32>
      %sub3A_315 = arith.subf %get3A_49, %sub3A_314 : vector<16xf32>
      %abs3A_316 = math.absf %sub3A_315 : vector<16xf32>
      %add3A_317 = arith.constant 9.99999993E-9 : f32
      %add3A_318 = vector.broadcast %add3A_317 : f32 to vector<16xf32>
      %add3A_319 = arith.addf %abs3A_316, %add3A_318 : vector<16xf32>
      %mul3A_320 = arith.mulf %add3A_313, %add3A_313 : vector<16xf32>
      %mul3A_321 = arith.mulf %add3A_319, %add3A_319 : vector<16xf32>
      %add3A_322 = arith.addf %mul3A_320, %mul3A_321 : vector<16xf32>
      %lt3A_323 = arith.cmpf olt, %add3A_322, %min3A_263 : vector<16xf32>
      %broadcast_in_dim3A_324 = vector.broadcast %add3A_307 : i32 to vector<16xi32>
      %select_n3A_325 = arith.select %lt3A_323, %broadcast_in_dim3A_324, %select_n3A_262 : vector<16xi1>, vector<16xi32>
      %min3A_326 = arith.minimumf %min3A_263, %add3A_322 : vector<16xf32>
      %sub3A_327 = vector.broadcast %squeeze3A_303 : f32 to vector<16xf32>
      %sub3A_328 = arith.subf %get3A_52, %sub3A_327 : vector<16xf32>
      %abs3A_329 = math.absf %sub3A_328 : vector<16xf32>
      %add3A_330 = arith.constant 9.99999993E-9 : f32
      %add3A_331 = vector.broadcast %add3A_330 : f32 to vector<16xf32>
      %add3A_332 = arith.addf %abs3A_329, %add3A_331 : vector<16xf32>
      %sub3A_333 = vector.broadcast %squeeze3A_305 : f32 to vector<16xf32>
      %sub3A_334 = arith.subf %get3A_55, %sub3A_333 : vector<16xf32>
      %abs3A_335 = math.absf %sub3A_334 : vector<16xf32>
      %add3A_336 = arith.constant 9.99999993E-9 : f32
      %add3A_337 = vector.broadcast %add3A_336 : f32 to vector<16xf32>
      %add3A_338 = arith.addf %abs3A_335, %add3A_337 : vector<16xf32>
      %mul3A_339 = arith.mulf %add3A_332, %add3A_332 : vector<16xf32>
      %mul3A_340 = arith.mulf %add3A_338, %add3A_338 : vector<16xf32>
      %add3A_341 = arith.addf %mul3A_339, %mul3A_340 : vector<16xf32>
      %lt3A_342 = arith.cmpf olt, %add3A_341, %min3A_282 : vector<16xf32>
      %broadcast_in_dim3A_343 = vector.broadcast %add3A_307 : i32 to vector<16xi32>
      %select_n3A_344 = arith.select %lt3A_342, %broadcast_in_dim3A_343, %select_n3A_281 : vector<16xi1>, vector<16xi32>
      %min3A_345 = arith.minimumf %min3A_282, %add3A_341 : vector<16xf32>
      %sub3A_346 = vector.broadcast %squeeze3A_303 : f32 to vector<16xf32>
      %sub3A_347 = arith.subf %get3A_58, %sub3A_346 : vector<16xf32>
      %abs3A_348 = math.absf %sub3A_347 : vector<16xf32>
      %add3A_349 = arith.constant 9.99999993E-9 : f32
      %add3A_350 = vector.broadcast %add3A_349 : f32 to vector<16xf32>
      %add3A_351 = arith.addf %abs3A_348, %add3A_350 : vector<16xf32>
      %sub3A_352 = vector.broadcast %squeeze3A_305 : f32 to vector<16xf32>
      %sub3A_353 = arith.subf %get3A_61, %sub3A_352 : vector<16xf32>
      %abs3A_354 = math.absf %sub3A_353 : vector<16xf32>
      %add3A_355 = arith.constant 9.99999993E-9 : f32
      %add3A_356 = vector.broadcast %add3A_355 : f32 to vector<16xf32>
      %add3A_357 = arith.addf %abs3A_354, %add3A_356 : vector<16xf32>
      %mul3A_358 = arith.mulf %add3A_351, %add3A_351 : vector<16xf32>
      %mul3A_359 = arith.mulf %add3A_357, %add3A_357 : vector<16xf32>
      %add3A_360 = arith.addf %mul3A_358, %mul3A_359 : vector<16xf32>
      %lt3A_361 = arith.cmpf olt, %add3A_360, %min3A_301 : vector<16xf32>
      %broadcast_in_dim3A_362 = vector.broadcast %add3A_307 : i32 to vector<16xi32>
      %select_n3A_363 = arith.select %lt3A_361, %broadcast_in_dim3A_362, %select_n3A_300 : vector<16xi1>, vector<16xi32>
      %min3A_364 = arith.minimumf %min3A_301, %add3A_360 : vector<16xf32>
      %slice3A_365 = vector.extract_strided_slice %get3A_172 {offsets = [3], sizes = [1], strides = [1]} : vector<16xf32> to vector<1xf32>
      %squeeze3A_366 = vector.extract %slice3A_365[0] : f32 from vector<1xf32>
      %slice3A_367 = vector.extract_strided_slice %get3A_177 {offsets = [3], sizes = [1], strides = [1]} : vector<16xf32> to vector<1xf32>
      %squeeze3A_368 = vector.extract %slice3A_367[0] : f32 from vector<1xf32>
      %add3A_369 = arith.constant 3 : i32
      %add3A_370 = arith.addi %mul3A_179, %add3A_369 : i32
      %sub3A_371 = vector.broadcast %squeeze3A_366 : f32 to vector<16xf32>
      %sub3A_372 = arith.subf %get3A_46, %sub3A_371 : vector<16xf32>
      %abs3A_373 = math.absf %sub3A_372 : vector<16xf32>
      %add3A_374 = arith.constant 9.99999993E-9 : f32
      %add3A_375 = vector.broadcast %add3A_374 : f32 to vector<16xf32>
      %add3A_376 = arith.addf %abs3A_373, %add3A_375 : vector<16xf32>
      %sub3A_377 = vector.broadcast %squeeze3A_368 : f32 to vector<16xf32>
      %sub3A_378 = arith.subf %get3A_49, %sub3A_377 : vector<16xf32>
      %abs3A_379 = math.absf %sub3A_378 : vector<16xf32>
      %add3A_380 = arith.constant 9.99999993E-9 : f32
      %add3A_381 = vector.broadcast %add3A_380 : f32 to vector<16xf32>
      %add3A_382 = arith.addf %abs3A_379, %add3A_381 : vector<16xf32>
      %mul3A_383 = arith.mulf %add3A_376, %add3A_376 : vector<16xf32>
      %mul3A_384 = arith.mulf %add3A_382, %add3A_382 : vector<16xf32>
      %add3A_385 = arith.addf %mul3A_383, %mul3A_384 : vector<16xf32>
      %lt3A_386 = arith.cmpf olt, %add3A_385, %min3A_326 : vector<16xf32>
      %broadcast_in_dim3A_387 = vector.broadcast %add3A_370 : i32 to vector<16xi32>
      %select_n3A_388 = arith.select %lt3A_386, %broadcast_in_dim3A_387, %select_n3A_325 : vector<16xi1>, vector<16xi32>
      %min3A_389 = arith.minimumf %min3A_326, %add3A_385 : vector<16xf32>
      %sub3A_390 = vector.broadcast %squeeze3A_366 : f32 to vector<16xf32>
      %sub3A_391 = arith.subf %get3A_52, %sub3A_390 : vector<16xf32>
      %abs3A_392 = math.absf %sub3A_391 : vector<16xf32>
      %add3A_393 = arith.constant 9.99999993E-9 : f32
      %add3A_394 = vector.broadcast %add3A_393 : f32 to vector<16xf32>
      %add3A_395 = arith.addf %abs3A_392, %add3A_394 : vector<16xf32>
      %sub3A_396 = vector.broadcast %squeeze3A_368 : f32 to vector<16xf32>
      %sub3A_397 = arith.subf %get3A_55, %sub3A_396 : vector<16xf32>
      %abs3A_398 = math.absf %sub3A_397 : vector<16xf32>
      %add3A_399 = arith.constant 9.99999993E-9 : f32
      %add3A_400 = vector.broadcast %add3A_399 : f32 to vector<16xf32>
      %add3A_401 = arith.addf %abs3A_398, %add3A_400 : vector<16xf32>
      %mul3A_402 = arith.mulf %add3A_395, %add3A_395 : vector<16xf32>
      %mul3A_403 = arith.mulf %add3A_401, %add3A_401 : vector<16xf32>
      %add3A_404 = arith.addf %mul3A_402, %mul3A_403 : vector<16xf32>
      %lt3A_405 = arith.cmpf olt, %add3A_404, %min3A_345 : vector<16xf32>
      %broadcast_in_dim3A_406 = vector.broadcast %add3A_370 : i32 to vector<16xi32>
      %select_n3A_407 = arith.select %lt3A_405, %broadcast_in_dim3A_406, %select_n3A_344 : vector<16xi1>, vector<16xi32>
      %min3A_408 = arith.minimumf %min3A_345, %add3A_404 : vector<16xf32>
      %sub3A_409 = vector.broadcast %squeeze3A_366 : f32 to vector<16xf32>
      %sub3A_410 = arith.subf %get3A_58, %sub3A_409 : vector<16xf32>
      %abs3A_411 = math.absf %sub3A_410 : vector<16xf32>
      %add3A_412 = arith.constant 9.99999993E-9 : f32
      %add3A_413 = vector.broadcast %add3A_412 : f32 to vector<16xf32>
      %add3A_414 = arith.addf %abs3A_411, %add3A_413 : vector<16xf32>
      %sub3A_415 = vector.broadcast %squeeze3A_368 : f32 to vector<16xf32>
      %sub3A_416 = arith.subf %get3A_61, %sub3A_415 : vector<16xf32>
      %abs3A_417 = math.absf %sub3A_416 : vector<16xf32>
      %add3A_418 = arith.constant 9.99999993E-9 : f32
      %add3A_419 = vector.broadcast %add3A_418 : f32 to vector<16xf32>
      %add3A_420 = arith.addf %abs3A_417, %add3A_419 : vector<16xf32>
      %mul3A_421 = arith.mulf %add3A_414, %add3A_414 : vector<16xf32>
      %mul3A_422 = arith.mulf %add3A_420, %add3A_420 : vector<16xf32>
      %add3A_423 = arith.addf %mul3A_421, %mul3A_422 : vector<16xf32>
      %lt3A_424 = arith.cmpf olt, %add3A_423, %min3A_364 : vector<16xf32>
      %broadcast_in_dim3A_425 = vector.broadcast %add3A_370 : i32 to vector<16xi32>
      %select_n3A_426 = arith.select %lt3A_424, %broadcast_in_dim3A_425, %select_n3A_363 : vector<16xi1>, vector<16xi32>
      %min3A_427 = arith.minimumf %min3A_364, %add3A_423 : vector<16xf32>
      %slice3A_428 = vector.extract_strided_slice %get3A_172 {offsets = [4], sizes = [1], strides = [1]} : vector<16xf32> to vector<1xf32>
      %squeeze3A_429 = vector.extract %slice3A_428[0] : f32 from vector<1xf32>
      %slice3A_430 = vector.extract_strided_slice %get3A_177 {offsets = [4], sizes = [1], strides = [1]} : vector<16xf32> to vector<1xf32>
      %squeeze3A_431 = vector.extract %slice3A_430[0] : f32 from vector<1xf32>
      %add3A_432 = arith.constant 4 : i32
      %add3A_433 = arith.addi %mul3A_179, %add3A_432 : i32
      %sub3A_434 = vector.broadcast %squeeze3A_429 : f32 to vector<16xf32>
      %sub3A_435 = arith.subf %get3A_46, %sub3A_434 : vector<16xf32>
      %abs3A_436 = math.absf %sub3A_435 : vector<16xf32>
      %add3A_437 = arith.constant 9.99999993E-9 : f32
      %add3A_438 = vector.broadcast %add3A_437 : f32 to vector<16xf32>
      %add3A_439 = arith.addf %abs3A_436, %add3A_438 : vector<16xf32>
      %sub3A_440 = vector.broadcast %squeeze3A_431 : f32 to vector<16xf32>
      %sub3A_441 = arith.subf %get3A_49, %sub3A_440 : vector<16xf32>
      %abs3A_442 = math.absf %sub3A_441 : vector<16xf32>
      %add3A_443 = arith.constant 9.99999993E-9 : f32
      %add3A_444 = vector.broadcast %add3A_443 : f32 to vector<16xf32>
      %add3A_445 = arith.addf %abs3A_442, %add3A_444 : vector<16xf32>
      %mul3A_446 = arith.mulf %add3A_439, %add3A_439 : vector<16xf32>
      %mul3A_447 = arith.mulf %add3A_445, %add3A_445 : vector<16xf32>
      %add3A_448 = arith.addf %mul3A_446, %mul3A_447 : vector<16xf32>
      %lt3A_449 = arith.cmpf olt, %add3A_448, %min3A_389 : vector<16xf32>
      %broadcast_in_dim3A_450 = vector.broadcast %add3A_433 : i32 to vector<16xi32>
      %select_n3A_451 = arith.select %lt3A_449, %broadcast_in_dim3A_450, %select_n3A_388 : vector<16xi1>, vector<16xi32>
      %min3A_452 = arith.minimumf %min3A_389, %add3A_448 : vector<16xf32>
      %sub3A_453 = vector.broadcast %squeeze3A_429 : f32 to vector<16xf32>
      %sub3A_454 = arith.subf %get3A_52, %sub3A_453 : vector<16xf32>
      %abs3A_455 = math.absf %sub3A_454 : vector<16xf32>
      %add3A_456 = arith.constant 9.99999993E-9 : f32
      %add3A_457 = vector.broadcast %add3A_456 : f32 to vector<16xf32>
      %add3A_458 = arith.addf %abs3A_455, %add3A_457 : vector<16xf32>
      %sub3A_459 = vector.broadcast %squeeze3A_431 : f32 to vector<16xf32>
      %sub3A_460 = arith.subf %get3A_55, %sub3A_459 : vector<16xf32>
      %abs3A_461 = math.absf %sub3A_460 : vector<16xf32>
      %add3A_462 = arith.constant 9.99999993E-9 : f32
      %add3A_463 = vector.broadcast %add3A_462 : f32 to vector<16xf32>
      %add3A_464 = arith.addf %abs3A_461, %add3A_463 : vector<16xf32>
      %mul3A_465 = arith.mulf %add3A_458, %add3A_458 : vector<16xf32>
      %mul3A_466 = arith.mulf %add3A_464, %add3A_464 : vector<16xf32>
      %add3A_467 = arith.addf %mul3A_465, %mul3A_466 : vector<16xf32>
      %lt3A_468 = arith.cmpf olt, %add3A_467, %min3A_408 : vector<16xf32>
      %broadcast_in_dim3A_469 = vector.broadcast %add3A_433 : i32 to vector<16xi32>
      %select_n3A_470 = arith.select %lt3A_468, %broadcast_in_dim3A_469, %select_n3A_407 : vector<16xi1>, vector<16xi32>
      %min3A_471 = arith.minimumf %min3A_408, %add3A_467 : vector<16xf32>
      %sub3A_472 = vector.broadcast %squeeze3A_429 : f32 to vector<16xf32>
      %sub3A_473 = arith.subf %get3A_58, %sub3A_472 : vector<16xf32>
      %abs3A_474 = math.absf %sub3A_473 : vector<16xf32>
      %add3A_475 = arith.constant 9.99999993E-9 : f32
      %add3A_476 = vector.broadcast %add3A_475 : f32 to vector<16xf32>
      %add3A_477 = arith.addf %abs3A_474, %add3A_476 : vector<16xf32>
      %sub3A_478 = vector.broadcast %squeeze3A_431 : f32 to vector<16xf32>
      %sub3A_479 = arith.subf %get3A_61, %sub3A_478 : vector<16xf32>
      %abs3A_480 = math.absf %sub3A_479 : vector<16xf32>
      %add3A_481 = arith.constant 9.99999993E-9 : f32
      %add3A_482 = vector.broadcast %add3A_481 : f32 to vector<16xf32>
      %add3A_483 = arith.addf %abs3A_480, %add3A_482 : vector<16xf32>
      %mul3A_484 = arith.mulf %add3A_477, %add3A_477 : vector<16xf32>
      %mul3A_485 = arith.mulf %add3A_483, %add3A_483 : vector<16xf32>
      %add3A_486 = arith.addf %mul3A_484, %mul3A_485 : vector<16xf32>
      %lt3A_487 = arith.cmpf olt, %add3A_486, %min3A_427 : vector<16xf32>
      %broadcast_in_dim3A_488 = vector.broadcast %add3A_433 : i32 to vector<16xi32>
      %select_n3A_489 = arith.select %lt3A_487, %broadcast_in_dim3A_488, %select_n3A_426 : vector<16xi1>, vector<16xi32>
      %min3A_490 = arith.minimumf %min3A_427, %add3A_486 : vector<16xf32>
      %slice3A_491 = vector.extract_strided_slice %get3A_172 {offsets = [5], sizes = [1], strides = [1]} : vector<16xf32> to vector<1xf32>
      %squeeze3A_492 = vector.extract %slice3A_491[0] : f32 from vector<1xf32>
      %slice3A_493 = vector.extract_strided_slice %get3A_177 {offsets = [5], sizes = [1], strides = [1]} : vector<16xf32> to vector<1xf32>
      %squeeze3A_494 = vector.extract %slice3A_493[0] : f32 from vector<1xf32>
      %add3A_495 = arith.constant 5 : i32
      %add3A_496 = arith.addi %mul3A_179, %add3A_495 : i32
      %sub3A_497 = vector.broadcast %squeeze3A_492 : f32 to vector<16xf32>
      %sub3A_498 = arith.subf %get3A_46, %sub3A_497 : vector<16xf32>
      %abs3A_499 = math.absf %sub3A_498 : vector<16xf32>
      %add3A_500 = arith.constant 9.99999993E-9 : f32
      %add3A_501 = vector.broadcast %add3A_500 : f32 to vector<16xf32>
      %add3A_502 = arith.addf %abs3A_499, %add3A_501 : vector<16xf32>
      %sub3A_503 = vector.broadcast %squeeze3A_494 : f32 to vector<16xf32>
      %sub3A_504 = arith.subf %get3A_49, %sub3A_503 : vector<16xf32>
      %abs3A_505 = math.absf %sub3A_504 : vector<16xf32>
      %add3A_506 = arith.constant 9.99999993E-9 : f32
      %add3A_507 = vector.broadcast %add3A_506 : f32 to vector<16xf32>
      %add3A_508 = arith.addf %abs3A_505, %add3A_507 : vector<16xf32>
      %mul3A_509 = arith.mulf %add3A_502, %add3A_502 : vector<16xf32>
      %mul3A_510 = arith.mulf %add3A_508, %add3A_508 : vector<16xf32>
      %add3A_511 = arith.addf %mul3A_509, %mul3A_510 : vector<16xf32>
      %lt3A_512 = arith.cmpf olt, %add3A_511, %min3A_452 : vector<16xf32>
      %broadcast_in_dim3A_513 = vector.broadcast %add3A_496 : i32 to vector<16xi32>
      %select_n3A_514 = arith.select %lt3A_512, %broadcast_in_dim3A_513, %select_n3A_451 : vector<16xi1>, vector<16xi32>
      %min3A_515 = arith.minimumf %min3A_452, %add3A_511 : vector<16xf32>
      %sub3A_516 = vector.broadcast %squeeze3A_492 : f32 to vector<16xf32>
      %sub3A_517 = arith.subf %get3A_52, %sub3A_516 : vector<16xf32>
      %abs3A_518 = math.absf %sub3A_517 : vector<16xf32>
      %add3A_519 = arith.constant 9.99999993E-9 : f32
      %add3A_520 = vector.broadcast %add3A_519 : f32 to vector<16xf32>
      %add3A_521 = arith.addf %abs3A_518, %add3A_520 : vector<16xf32>
      %sub3A_522 = vector.broadcast %squeeze3A_494 : f32 to vector<16xf32>
      %sub3A_523 = arith.subf %get3A_55, %sub3A_522 : vector<16xf32>
      %abs3A_524 = math.absf %sub3A_523 : vector<16xf32>
      %add3A_525 = arith.constant 9.99999993E-9 : f32
      %add3A_526 = vector.broadcast %add3A_525 : f32 to vector<16xf32>
      %add3A_527 = arith.addf %abs3A_524, %add3A_526 : vector<16xf32>
      %mul3A_528 = arith.mulf %add3A_521, %add3A_521 : vector<16xf32>
      %mul3A_529 = arith.mulf %add3A_527, %add3A_527 : vector<16xf32>
      %add3A_530 = arith.addf %mul3A_528, %mul3A_529 : vector<16xf32>
      %lt3A_531 = arith.cmpf olt, %add3A_530, %min3A_471 : vector<16xf32>
      %broadcast_in_dim3A_532 = vector.broadcast %add3A_496 : i32 to vector<16xi32>
      %select_n3A_533 = arith.select %lt3A_531, %broadcast_in_dim3A_532, %select_n3A_470 : vector<16xi1>, vector<16xi32>
      %min3A_534 = arith.minimumf %min3A_471, %add3A_530 : vector<16xf32>
      %sub3A_535 = vector.broadcast %squeeze3A_492 : f32 to vector<16xf32>
      %sub3A_536 = arith.subf %get3A_58, %sub3A_535 : vector<16xf32>
      %abs3A_537 = math.absf %sub3A_536 : vector<16xf32>
      %add3A_538 = arith.constant 9.99999993E-9 : f32
      %add3A_539 = vector.broadcast %add3A_538 : f32 to vector<16xf32>
      %add3A_540 = arith.addf %abs3A_537, %add3A_539 : vector<16xf32>
      %sub3A_541 = vector.broadcast %squeeze3A_494 : f32 to vector<16xf32>
      %sub3A_542 = arith.subf %get3A_61, %sub3A_541 : vector<16xf32>
      %abs3A_543 = math.absf %sub3A_542 : vector<16xf32>
      %add3A_544 = arith.constant 9.99999993E-9 : f32
      %add3A_545 = vector.broadcast %add3A_544 : f32 to vector<16xf32>
      %add3A_546 = arith.addf %abs3A_543, %add3A_545 : vector<16xf32>
      %mul3A_547 = arith.mulf %add3A_540, %add3A_540 : vector<16xf32>
      %mul3A_548 = arith.mulf %add3A_546, %add3A_546 : vector<16xf32>
      %add3A_549 = arith.addf %mul3A_547, %mul3A_548 : vector<16xf32>
      %lt3A_550 = arith.cmpf olt, %add3A_549, %min3A_490 : vector<16xf32>
      %broadcast_in_dim3A_551 = vector.broadcast %add3A_496 : i32 to vector<16xi32>
      %select_n3A_552 = arith.select %lt3A_550, %broadcast_in_dim3A_551, %select_n3A_489 : vector<16xi1>, vector<16xi32>
      %min3A_553 = arith.minimumf %min3A_490, %add3A_549 : vector<16xf32>
      %slice3A_554 = vector.extract_strided_slice %get3A_172 {offsets = [6], sizes = [1], strides = [1]} : vector<16xf32> to vector<1xf32>
      %squeeze3A_555 = vector.extract %slice3A_554[0] : f32 from vector<1xf32>
      %slice3A_556 = vector.extract_strided_slice %get3A_177 {offsets = [6], sizes = [1], strides = [1]} : vector<16xf32> to vector<1xf32>
      %squeeze3A_557 = vector.extract %slice3A_556[0] : f32 from vector<1xf32>
      %add3A_558 = arith.constant 6 : i32
      %add3A_559 = arith.addi %mul3A_179, %add3A_558 : i32
      %sub3A_560 = vector.broadcast %squeeze3A_555 : f32 to vector<16xf32>
      %sub3A_561 = arith.subf %get3A_46, %sub3A_560 : vector<16xf32>
      %abs3A_562 = math.absf %sub3A_561 : vector<16xf32>
      %add3A_563 = arith.constant 9.99999993E-9 : f32
      %add3A_564 = vector.broadcast %add3A_563 : f32 to vector<16xf32>
      %add3A_565 = arith.addf %abs3A_562, %add3A_564 : vector<16xf32>
      %sub3A_566 = vector.broadcast %squeeze3A_557 : f32 to vector<16xf32>
      %sub3A_567 = arith.subf %get3A_49, %sub3A_566 : vector<16xf32>
      %abs3A_568 = math.absf %sub3A_567 : vector<16xf32>
      %add3A_569 = arith.constant 9.99999993E-9 : f32
      %add3A_570 = vector.broadcast %add3A_569 : f32 to vector<16xf32>
      %add3A_571 = arith.addf %abs3A_568, %add3A_570 : vector<16xf32>
      %mul3A_572 = arith.mulf %add3A_565, %add3A_565 : vector<16xf32>
      %mul3A_573 = arith.mulf %add3A_571, %add3A_571 : vector<16xf32>
      %add3A_574 = arith.addf %mul3A_572, %mul3A_573 : vector<16xf32>
      %lt3A_575 = arith.cmpf olt, %add3A_574, %min3A_515 : vector<16xf32>
      %broadcast_in_dim3A_576 = vector.broadcast %add3A_559 : i32 to vector<16xi32>
      %select_n3A_577 = arith.select %lt3A_575, %broadcast_in_dim3A_576, %select_n3A_514 : vector<16xi1>, vector<16xi32>
      %min3A_578 = arith.minimumf %min3A_515, %add3A_574 : vector<16xf32>
      %sub3A_579 = vector.broadcast %squeeze3A_555 : f32 to vector<16xf32>
      %sub3A_580 = arith.subf %get3A_52, %sub3A_579 : vector<16xf32>
      %abs3A_581 = math.absf %sub3A_580 : vector<16xf32>
      %add3A_582 = arith.constant 9.99999993E-9 : f32
      %add3A_583 = vector.broadcast %add3A_582 : f32 to vector<16xf32>
      %add3A_584 = arith.addf %abs3A_581, %add3A_583 : vector<16xf32>
      %sub3A_585 = vector.broadcast %squeeze3A_557 : f32 to vector<16xf32>
      %sub3A_586 = arith.subf %get3A_55, %sub3A_585 : vector<16xf32>
      %abs3A_587 = math.absf %sub3A_586 : vector<16xf32>
      %add3A_588 = arith.constant 9.99999993E-9 : f32
      %add3A_589 = vector.broadcast %add3A_588 : f32 to vector<16xf32>
      %add3A_590 = arith.addf %abs3A_587, %add3A_589 : vector<16xf32>
      %mul3A_591 = arith.mulf %add3A_584, %add3A_584 : vector<16xf32>
      %mul3A_592 = arith.mulf %add3A_590, %add3A_590 : vector<16xf32>
      %add3A_593 = arith.addf %mul3A_591, %mul3A_592 : vector<16xf32>
      %lt3A_594 = arith.cmpf olt, %add3A_593, %min3A_534 : vector<16xf32>
      %broadcast_in_dim3A_595 = vector.broadcast %add3A_559 : i32 to vector<16xi32>
      %select_n3A_596 = arith.select %lt3A_594, %broadcast_in_dim3A_595, %select_n3A_533 : vector<16xi1>, vector<16xi32>
      %min3A_597 = arith.minimumf %min3A_534, %add3A_593 : vector<16xf32>
      %sub3A_598 = vector.broadcast %squeeze3A_555 : f32 to vector<16xf32>
      %sub3A_599 = arith.subf %get3A_58, %sub3A_598 : vector<16xf32>
      %abs3A_600 = math.absf %sub3A_599 : vector<16xf32>
      %add3A_601 = arith.constant 9.99999993E-9 : f32
      %add3A_602 = vector.broadcast %add3A_601 : f32 to vector<16xf32>
      %add3A_603 = arith.addf %abs3A_600, %add3A_602 : vector<16xf32>
      %sub3A_604 = vector.broadcast %squeeze3A_557 : f32 to vector<16xf32>
      %sub3A_605 = arith.subf %get3A_61, %sub3A_604 : vector<16xf32>
      %abs3A_606 = math.absf %sub3A_605 : vector<16xf32>
      %add3A_607 = arith.constant 9.99999993E-9 : f32
      %add3A_608 = vector.broadcast %add3A_607 : f32 to vector<16xf32>
      %add3A_609 = arith.addf %abs3A_606, %add3A_608 : vector<16xf32>
      %mul3A_610 = arith.mulf %add3A_603, %add3A_603 : vector<16xf32>
      %mul3A_611 = arith.mulf %add3A_609, %add3A_609 : vector<16xf32>
      %add3A_612 = arith.addf %mul3A_610, %mul3A_611 : vector<16xf32>
      %lt3A_613 = arith.cmpf olt, %add3A_612, %min3A_553 : vector<16xf32>
      %broadcast_in_dim3A_614 = vector.broadcast %add3A_559 : i32 to vector<16xi32>
      %select_n3A_615 = arith.select %lt3A_613, %broadcast_in_dim3A_614, %select_n3A_552 : vector<16xi1>, vector<16xi32>
      %min3A_616 = arith.minimumf %min3A_553, %add3A_612 : vector<16xf32>
      %slice3A_617 = vector.extract_strided_slice %get3A_172 {offsets = [7], sizes = [1], strides = [1]} : vector<16xf32> to vector<1xf32>
      %squeeze3A_618 = vector.extract %slice3A_617[0] : f32 from vector<1xf32>
      %slice3A_619 = vector.extract_strided_slice %get3A_177 {offsets = [7], sizes = [1], strides = [1]} : vector<16xf32> to vector<1xf32>
      %squeeze3A_620 = vector.extract %slice3A_619[0] : f32 from vector<1xf32>
      %add3A_621 = arith.constant 7 : i32
      %add3A_622 = arith.addi %mul3A_179, %add3A_621 : i32
      %sub3A_623 = vector.broadcast %squeeze3A_618 : f32 to vector<16xf32>
      %sub3A_624 = arith.subf %get3A_46, %sub3A_623 : vector<16xf32>
      %abs3A_625 = math.absf %sub3A_624 : vector<16xf32>
      %add3A_626 = arith.constant 9.99999993E-9 : f32
      %add3A_627 = vector.broadcast %add3A_626 : f32 to vector<16xf32>
      %add3A_628 = arith.addf %abs3A_625, %add3A_627 : vector<16xf32>
      %sub3A_629 = vector.broadcast %squeeze3A_620 : f32 to vector<16xf32>
      %sub3A_630 = arith.subf %get3A_49, %sub3A_629 : vector<16xf32>
      %abs3A_631 = math.absf %sub3A_630 : vector<16xf32>
      %add3A_632 = arith.constant 9.99999993E-9 : f32
      %add3A_633 = vector.broadcast %add3A_632 : f32 to vector<16xf32>
      %add3A_634 = arith.addf %abs3A_631, %add3A_633 : vector<16xf32>
      %mul3A_635 = arith.mulf %add3A_628, %add3A_628 : vector<16xf32>
      %mul3A_636 = arith.mulf %add3A_634, %add3A_634 : vector<16xf32>
      %add3A_637 = arith.addf %mul3A_635, %mul3A_636 : vector<16xf32>
      %lt3A_638 = arith.cmpf olt, %add3A_637, %min3A_578 : vector<16xf32>
      %broadcast_in_dim3A_639 = vector.broadcast %add3A_622 : i32 to vector<16xi32>
      %select_n3A_640 = arith.select %lt3A_638, %broadcast_in_dim3A_639, %select_n3A_577 : vector<16xi1>, vector<16xi32>
      %min3A_641 = arith.minimumf %min3A_578, %add3A_637 : vector<16xf32>
      %sub3A_642 = vector.broadcast %squeeze3A_618 : f32 to vector<16xf32>
      %sub3A_643 = arith.subf %get3A_52, %sub3A_642 : vector<16xf32>
      %abs3A_644 = math.absf %sub3A_643 : vector<16xf32>
      %add3A_645 = arith.constant 9.99999993E-9 : f32
      %add3A_646 = vector.broadcast %add3A_645 : f32 to vector<16xf32>
      %add3A_647 = arith.addf %abs3A_644, %add3A_646 : vector<16xf32>
      %sub3A_648 = vector.broadcast %squeeze3A_620 : f32 to vector<16xf32>
      %sub3A_649 = arith.subf %get3A_55, %sub3A_648 : vector<16xf32>
      %abs3A_650 = math.absf %sub3A_649 : vector<16xf32>
      %add3A_651 = arith.constant 9.99999993E-9 : f32
      %add3A_652 = vector.broadcast %add3A_651 : f32 to vector<16xf32>
      %add3A_653 = arith.addf %abs3A_650, %add3A_652 : vector<16xf32>
      %mul3A_654 = arith.mulf %add3A_647, %add3A_647 : vector<16xf32>
      %mul3A_655 = arith.mulf %add3A_653, %add3A_653 : vector<16xf32>
      %add3A_656 = arith.addf %mul3A_654, %mul3A_655 : vector<16xf32>
      %lt3A_657 = arith.cmpf olt, %add3A_656, %min3A_597 : vector<16xf32>
      %broadcast_in_dim3A_658 = vector.broadcast %add3A_622 : i32 to vector<16xi32>
      %select_n3A_659 = arith.select %lt3A_657, %broadcast_in_dim3A_658, %select_n3A_596 : vector<16xi1>, vector<16xi32>
      %min3A_660 = arith.minimumf %min3A_597, %add3A_656 : vector<16xf32>
      %sub3A_661 = vector.broadcast %squeeze3A_618 : f32 to vector<16xf32>
      %sub3A_662 = arith.subf %get3A_58, %sub3A_661 : vector<16xf32>
      %abs3A_663 = math.absf %sub3A_662 : vector<16xf32>
      %add3A_664 = arith.constant 9.99999993E-9 : f32
      %add3A_665 = vector.broadcast %add3A_664 : f32 to vector<16xf32>
      %add3A_666 = arith.addf %abs3A_663, %add3A_665 : vector<16xf32>
      %sub3A_667 = vector.broadcast %squeeze3A_620 : f32 to vector<16xf32>
      %sub3A_668 = arith.subf %get3A_61, %sub3A_667 : vector<16xf32>
      %abs3A_669 = math.absf %sub3A_668 : vector<16xf32>
      %add3A_670 = arith.constant 9.99999993E-9 : f32
      %add3A_671 = vector.broadcast %add3A_670 : f32 to vector<16xf32>
      %add3A_672 = arith.addf %abs3A_669, %add3A_671 : vector<16xf32>
      %mul3A_673 = arith.mulf %add3A_666, %add3A_666 : vector<16xf32>
      %mul3A_674 = arith.mulf %add3A_672, %add3A_672 : vector<16xf32>
      %add3A_675 = arith.addf %mul3A_673, %mul3A_674 : vector<16xf32>
      %lt3A_676 = arith.cmpf olt, %add3A_675, %min3A_616 : vector<16xf32>
      %broadcast_in_dim3A_677 = vector.broadcast %add3A_622 : i32 to vector<16xi32>
      %select_n3A_678 = arith.select %lt3A_676, %broadcast_in_dim3A_677, %select_n3A_615 : vector<16xi1>, vector<16xi32>
      %min3A_679 = arith.minimumf %min3A_616, %add3A_675 : vector<16xf32>
      %slice3A_680 = vector.extract_strided_slice %get3A_172 {offsets = [8], sizes = [1], strides = [1]} : vector<16xf32> to vector<1xf32>
      %squeeze3A_681 = vector.extract %slice3A_680[0] : f32 from vector<1xf32>
      %slice3A_682 = vector.extract_strided_slice %get3A_177 {offsets = [8], sizes = [1], strides = [1]} : vector<16xf32> to vector<1xf32>
      %squeeze3A_683 = vector.extract %slice3A_682[0] : f32 from vector<1xf32>
      %add3A_684 = arith.constant 8 : i32
      %add3A_685 = arith.addi %mul3A_179, %add3A_684 : i32
      %sub3A_686 = vector.broadcast %squeeze3A_681 : f32 to vector<16xf32>
      %sub3A_687 = arith.subf %get3A_46, %sub3A_686 : vector<16xf32>
      %abs3A_688 = math.absf %sub3A_687 : vector<16xf32>
      %add3A_689 = arith.constant 9.99999993E-9 : f32
      %add3A_690 = vector.broadcast %add3A_689 : f32 to vector<16xf32>
      %add3A_691 = arith.addf %abs3A_688, %add3A_690 : vector<16xf32>
      %sub3A_692 = vector.broadcast %squeeze3A_683 : f32 to vector<16xf32>
      %sub3A_693 = arith.subf %get3A_49, %sub3A_692 : vector<16xf32>
      %abs3A_694 = math.absf %sub3A_693 : vector<16xf32>
      %add3A_695 = arith.constant 9.99999993E-9 : f32
      %add3A_696 = vector.broadcast %add3A_695 : f32 to vector<16xf32>
      %add3A_697 = arith.addf %abs3A_694, %add3A_696 : vector<16xf32>
      %mul3A_698 = arith.mulf %add3A_691, %add3A_691 : vector<16xf32>
      %mul3A_699 = arith.mulf %add3A_697, %add3A_697 : vector<16xf32>
      %add3A_700 = arith.addf %mul3A_698, %mul3A_699 : vector<16xf32>
      %lt3A_701 = arith.cmpf olt, %add3A_700, %min3A_641 : vector<16xf32>
      %broadcast_in_dim3A_702 = vector.broadcast %add3A_685 : i32 to vector<16xi32>
      %select_n3A_703 = arith.select %lt3A_701, %broadcast_in_dim3A_702, %select_n3A_640 : vector<16xi1>, vector<16xi32>
      %min3A_704 = arith.minimumf %min3A_641, %add3A_700 : vector<16xf32>
      %sub3A_705 = vector.broadcast %squeeze3A_681 : f32 to vector<16xf32>
      %sub3A_706 = arith.subf %get3A_52, %sub3A_705 : vector<16xf32>
      %abs3A_707 = math.absf %sub3A_706 : vector<16xf32>
      %add3A_708 = arith.constant 9.99999993E-9 : f32
      %add3A_709 = vector.broadcast %add3A_708 : f32 to vector<16xf32>
      %add3A_710 = arith.addf %abs3A_707, %add3A_709 : vector<16xf32>
      %sub3A_711 = vector.broadcast %squeeze3A_683 : f32 to vector<16xf32>
      %sub3A_712 = arith.subf %get3A_55, %sub3A_711 : vector<16xf32>
      %abs3A_713 = math.absf %sub3A_712 : vector<16xf32>
      %add3A_714 = arith.constant 9.99999993E-9 : f32
      %add3A_715 = vector.broadcast %add3A_714 : f32 to vector<16xf32>
      %add3A_716 = arith.addf %abs3A_713, %add3A_715 : vector<16xf32>
      %mul3A_717 = arith.mulf %add3A_710, %add3A_710 : vector<16xf32>
      %mul3A_718 = arith.mulf %add3A_716, %add3A_716 : vector<16xf32>
      %add3A_719 = arith.addf %mul3A_717, %mul3A_718 : vector<16xf32>
      %lt3A_720 = arith.cmpf olt, %add3A_719, %min3A_660 : vector<16xf32>
      %broadcast_in_dim3A_721 = vector.broadcast %add3A_685 : i32 to vector<16xi32>
      %select_n3A_722 = arith.select %lt3A_720, %broadcast_in_dim3A_721, %select_n3A_659 : vector<16xi1>, vector<16xi32>
      %min3A_723 = arith.minimumf %min3A_660, %add3A_719 : vector<16xf32>
      %sub3A_724 = vector.broadcast %squeeze3A_681 : f32 to vector<16xf32>
      %sub3A_725 = arith.subf %get3A_58, %sub3A_724 : vector<16xf32>
      %abs3A_726 = math.absf %sub3A_725 : vector<16xf32>
      %add3A_727 = arith.constant 9.99999993E-9 : f32
      %add3A_728 = vector.broadcast %add3A_727 : f32 to vector<16xf32>
      %add3A_729 = arith.addf %abs3A_726, %add3A_728 : vector<16xf32>
      %sub3A_730 = vector.broadcast %squeeze3A_683 : f32 to vector<16xf32>
      %sub3A_731 = arith.subf %get3A_61, %sub3A_730 : vector<16xf32>
      %abs3A_732 = math.absf %sub3A_731 : vector<16xf32>
      %add3A_733 = arith.constant 9.99999993E-9 : f32
      %add3A_734 = vector.broadcast %add3A_733 : f32 to vector<16xf32>
      %add3A_735 = arith.addf %abs3A_732, %add3A_734 : vector<16xf32>
      %mul3A_736 = arith.mulf %add3A_729, %add3A_729 : vector<16xf32>
      %mul3A_737 = arith.mulf %add3A_735, %add3A_735 : vector<16xf32>
      %add3A_738 = arith.addf %mul3A_736, %mul3A_737 : vector<16xf32>
      %lt3A_739 = arith.cmpf olt, %add3A_738, %min3A_679 : vector<16xf32>
      %broadcast_in_dim3A_740 = vector.broadcast %add3A_685 : i32 to vector<16xi32>
      %select_n3A_741 = arith.select %lt3A_739, %broadcast_in_dim3A_740, %select_n3A_678 : vector<16xi1>, vector<16xi32>
      %min3A_742 = arith.minimumf %min3A_679, %add3A_738 : vector<16xf32>
      %slice3A_743 = vector.extract_strided_slice %get3A_172 {offsets = [9], sizes = [1], strides = [1]} : vector<16xf32> to vector<1xf32>
      %squeeze3A_744 = vector.extract %slice3A_743[0] : f32 from vector<1xf32>
      %slice3A_745 = vector.extract_strided_slice %get3A_177 {offsets = [9], sizes = [1], strides = [1]} : vector<16xf32> to vector<1xf32>
      %squeeze3A_746 = vector.extract %slice3A_745[0] : f32 from vector<1xf32>
      %add3A_747 = arith.constant 9 : i32
      %add3A_748 = arith.addi %mul3A_179, %add3A_747 : i32
      %sub3A_749 = vector.broadcast %squeeze3A_744 : f32 to vector<16xf32>
      %sub3A_750 = arith.subf %get3A_46, %sub3A_749 : vector<16xf32>
      %abs3A_751 = math.absf %sub3A_750 : vector<16xf32>
      %add3A_752 = arith.constant 9.99999993E-9 : f32
      %add3A_753 = vector.broadcast %add3A_752 : f32 to vector<16xf32>
      %add3A_754 = arith.addf %abs3A_751, %add3A_753 : vector<16xf32>
      %sub3A_755 = vector.broadcast %squeeze3A_746 : f32 to vector<16xf32>
      %sub3A_756 = arith.subf %get3A_49, %sub3A_755 : vector<16xf32>
      %abs3A_757 = math.absf %sub3A_756 : vector<16xf32>
      %add3A_758 = arith.constant 9.99999993E-9 : f32
      %add3A_759 = vector.broadcast %add3A_758 : f32 to vector<16xf32>
      %add3A_760 = arith.addf %abs3A_757, %add3A_759 : vector<16xf32>
      %mul3A_761 = arith.mulf %add3A_754, %add3A_754 : vector<16xf32>
      %mul3A_762 = arith.mulf %add3A_760, %add3A_760 : vector<16xf32>
      %add3A_763 = arith.addf %mul3A_761, %mul3A_762 : vector<16xf32>
      %lt3A_764 = arith.cmpf olt, %add3A_763, %min3A_704 : vector<16xf32>
      %broadcast_in_dim3A_765 = vector.broadcast %add3A_748 : i32 to vector<16xi32>
      %select_n3A_766 = arith.select %lt3A_764, %broadcast_in_dim3A_765, %select_n3A_703 : vector<16xi1>, vector<16xi32>
      %min3A_767 = arith.minimumf %min3A_704, %add3A_763 : vector<16xf32>
      %sub3A_768 = vector.broadcast %squeeze3A_744 : f32 to vector<16xf32>
      %sub3A_769 = arith.subf %get3A_52, %sub3A_768 : vector<16xf32>
      %abs3A_770 = math.absf %sub3A_769 : vector<16xf32>
      %add3A_771 = arith.constant 9.99999993E-9 : f32
      %add3A_772 = vector.broadcast %add3A_771 : f32 to vector<16xf32>
      %add3A_773 = arith.addf %abs3A_770, %add3A_772 : vector<16xf32>
      %sub3A_774 = vector.broadcast %squeeze3A_746 : f32 to vector<16xf32>
      %sub3A_775 = arith.subf %get3A_55, %sub3A_774 : vector<16xf32>
      %abs3A_776 = math.absf %sub3A_775 : vector<16xf32>
      %add3A_777 = arith.constant 9.99999993E-9 : f32
      %add3A_778 = vector.broadcast %add3A_777 : f32 to vector<16xf32>
      %add3A_779 = arith.addf %abs3A_776, %add3A_778 : vector<16xf32>
      %mul3A_780 = arith.mulf %add3A_773, %add3A_773 : vector<16xf32>
      %mul3A_781 = arith.mulf %add3A_779, %add3A_779 : vector<16xf32>
      %add3A_782 = arith.addf %mul3A_780, %mul3A_781 : vector<16xf32>
      %lt3A_783 = arith.cmpf olt, %add3A_782, %min3A_723 : vector<16xf32>
      %broadcast_in_dim3A_784 = vector.broadcast %add3A_748 : i32 to vector<16xi32>
      %select_n3A_785 = arith.select %lt3A_783, %broadcast_in_dim3A_784, %select_n3A_722 : vector<16xi1>, vector<16xi32>
      %min3A_786 = arith.minimumf %min3A_723, %add3A_782 : vector<16xf32>
      %sub3A_787 = vector.broadcast %squeeze3A_744 : f32 to vector<16xf32>
      %sub3A_788 = arith.subf %get3A_58, %sub3A_787 : vector<16xf32>
      %abs3A_789 = math.absf %sub3A_788 : vector<16xf32>
      %add3A_790 = arith.constant 9.99999993E-9 : f32
      %add3A_791 = vector.broadcast %add3A_790 : f32 to vector<16xf32>
      %add3A_792 = arith.addf %abs3A_789, %add3A_791 : vector<16xf32>
      %sub3A_793 = vector.broadcast %squeeze3A_746 : f32 to vector<16xf32>
      %sub3A_794 = arith.subf %get3A_61, %sub3A_793 : vector<16xf32>
      %abs3A_795 = math.absf %sub3A_794 : vector<16xf32>
      %add3A_796 = arith.constant 9.99999993E-9 : f32
      %add3A_797 = vector.broadcast %add3A_796 : f32 to vector<16xf32>
      %add3A_798 = arith.addf %abs3A_795, %add3A_797 : vector<16xf32>
      %mul3A_799 = arith.mulf %add3A_792, %add3A_792 : vector<16xf32>
      %mul3A_800 = arith.mulf %add3A_798, %add3A_798 : vector<16xf32>
      %add3A_801 = arith.addf %mul3A_799, %mul3A_800 : vector<16xf32>
      %lt3A_802 = arith.cmpf olt, %add3A_801, %min3A_742 : vector<16xf32>
      %broadcast_in_dim3A_803 = vector.broadcast %add3A_748 : i32 to vector<16xi32>
      %select_n3A_804 = arith.select %lt3A_802, %broadcast_in_dim3A_803, %select_n3A_741 : vector<16xi1>, vector<16xi32>
      %min3A_805 = arith.minimumf %min3A_742, %add3A_801 : vector<16xf32>
      %slice3A_806 = vector.extract_strided_slice %get3A_172 {offsets = [10], sizes = [1], strides = [1]} : vector<16xf32> to vector<1xf32>
      %squeeze3A_807 = vector.extract %slice3A_806[0] : f32 from vector<1xf32>
      %slice3A_808 = vector.extract_strided_slice %get3A_177 {offsets = [10], sizes = [1], strides = [1]} : vector<16xf32> to vector<1xf32>
      %squeeze3A_809 = vector.extract %slice3A_808[0] : f32 from vector<1xf32>
      %add3A_810 = arith.constant 10 : i32
      %add3A_811 = arith.addi %mul3A_179, %add3A_810 : i32
      %sub3A_812 = vector.broadcast %squeeze3A_807 : f32 to vector<16xf32>
      %sub3A_813 = arith.subf %get3A_46, %sub3A_812 : vector<16xf32>
      %abs3A_814 = math.absf %sub3A_813 : vector<16xf32>
      %add3A_815 = arith.constant 9.99999993E-9 : f32
      %add3A_816 = vector.broadcast %add3A_815 : f32 to vector<16xf32>
      %add3A_817 = arith.addf %abs3A_814, %add3A_816 : vector<16xf32>
      %sub3A_818 = vector.broadcast %squeeze3A_809 : f32 to vector<16xf32>
      %sub3A_819 = arith.subf %get3A_49, %sub3A_818 : vector<16xf32>
      %abs3A_820 = math.absf %sub3A_819 : vector<16xf32>
      %add3A_821 = arith.constant 9.99999993E-9 : f32
      %add3A_822 = vector.broadcast %add3A_821 : f32 to vector<16xf32>
      %add3A_823 = arith.addf %abs3A_820, %add3A_822 : vector<16xf32>
      %mul3A_824 = arith.mulf %add3A_817, %add3A_817 : vector<16xf32>
      %mul3A_825 = arith.mulf %add3A_823, %add3A_823 : vector<16xf32>
      %add3A_826 = arith.addf %mul3A_824, %mul3A_825 : vector<16xf32>
      %lt3A_827 = arith.cmpf olt, %add3A_826, %min3A_767 : vector<16xf32>
      %broadcast_in_dim3A_828 = vector.broadcast %add3A_811 : i32 to vector<16xi32>
      %select_n3A_829 = arith.select %lt3A_827, %broadcast_in_dim3A_828, %select_n3A_766 : vector<16xi1>, vector<16xi32>
      %min3A_830 = arith.minimumf %min3A_767, %add3A_826 : vector<16xf32>
      %sub3A_831 = vector.broadcast %squeeze3A_807 : f32 to vector<16xf32>
      %sub3A_832 = arith.subf %get3A_52, %sub3A_831 : vector<16xf32>
      %abs3A_833 = math.absf %sub3A_832 : vector<16xf32>
      %add3A_834 = arith.constant 9.99999993E-9 : f32
      %add3A_835 = vector.broadcast %add3A_834 : f32 to vector<16xf32>
      %add3A_836 = arith.addf %abs3A_833, %add3A_835 : vector<16xf32>
      %sub3A_837 = vector.broadcast %squeeze3A_809 : f32 to vector<16xf32>
      %sub3A_838 = arith.subf %get3A_55, %sub3A_837 : vector<16xf32>
      %abs3A_839 = math.absf %sub3A_838 : vector<16xf32>
      %add3A_840 = arith.constant 9.99999993E-9 : f32
      %add3A_841 = vector.broadcast %add3A_840 : f32 to vector<16xf32>
      %add3A_842 = arith.addf %abs3A_839, %add3A_841 : vector<16xf32>
      %mul3A_843 = arith.mulf %add3A_836, %add3A_836 : vector<16xf32>
      %mul3A_844 = arith.mulf %add3A_842, %add3A_842 : vector<16xf32>
      %add3A_845 = arith.addf %mul3A_843, %mul3A_844 : vector<16xf32>
      %lt3A_846 = arith.cmpf olt, %add3A_845, %min3A_786 : vector<16xf32>
      %broadcast_in_dim3A_847 = vector.broadcast %add3A_811 : i32 to vector<16xi32>
      %select_n3A_848 = arith.select %lt3A_846, %broadcast_in_dim3A_847, %select_n3A_785 : vector<16xi1>, vector<16xi32>
      %min3A_849 = arith.minimumf %min3A_786, %add3A_845 : vector<16xf32>
      %sub3A_850 = vector.broadcast %squeeze3A_807 : f32 to vector<16xf32>
      %sub3A_851 = arith.subf %get3A_58, %sub3A_850 : vector<16xf32>
      %abs3A_852 = math.absf %sub3A_851 : vector<16xf32>
      %add3A_853 = arith.constant 9.99999993E-9 : f32
      %add3A_854 = vector.broadcast %add3A_853 : f32 to vector<16xf32>
      %add3A_855 = arith.addf %abs3A_852, %add3A_854 : vector<16xf32>
      %sub3A_856 = vector.broadcast %squeeze3A_809 : f32 to vector<16xf32>
      %sub3A_857 = arith.subf %get3A_61, %sub3A_856 : vector<16xf32>
      %abs3A_858 = math.absf %sub3A_857 : vector<16xf32>
      %add3A_859 = arith.constant 9.99999993E-9 : f32
      %add3A_860 = vector.broadcast %add3A_859 : f32 to vector<16xf32>
      %add3A_861 = arith.addf %abs3A_858, %add3A_860 : vector<16xf32>
      %mul3A_862 = arith.mulf %add3A_855, %add3A_855 : vector<16xf32>
      %mul3A_863 = arith.mulf %add3A_861, %add3A_861 : vector<16xf32>
      %add3A_864 = arith.addf %mul3A_862, %mul3A_863 : vector<16xf32>
      %lt3A_865 = arith.cmpf olt, %add3A_864, %min3A_805 : vector<16xf32>
      %broadcast_in_dim3A_866 = vector.broadcast %add3A_811 : i32 to vector<16xi32>
      %select_n3A_867 = arith.select %lt3A_865, %broadcast_in_dim3A_866, %select_n3A_804 : vector<16xi1>, vector<16xi32>
      %min3A_868 = arith.minimumf %min3A_805, %add3A_864 : vector<16xf32>
      %slice3A_869 = vector.extract_strided_slice %get3A_172 {offsets = [11], sizes = [1], strides = [1]} : vector<16xf32> to vector<1xf32>
      %squeeze3A_870 = vector.extract %slice3A_869[0] : f32 from vector<1xf32>
      %slice3A_871 = vector.extract_strided_slice %get3A_177 {offsets = [11], sizes = [1], strides = [1]} : vector<16xf32> to vector<1xf32>
      %squeeze3A_872 = vector.extract %slice3A_871[0] : f32 from vector<1xf32>
      %add3A_873 = arith.constant 11 : i32
      %add3A_874 = arith.addi %mul3A_179, %add3A_873 : i32
      %sub3A_875 = vector.broadcast %squeeze3A_870 : f32 to vector<16xf32>
      %sub3A_876 = arith.subf %get3A_46, %sub3A_875 : vector<16xf32>
      %abs3A_877 = math.absf %sub3A_876 : vector<16xf32>
      %add3A_878 = arith.constant 9.99999993E-9 : f32
      %add3A_879 = vector.broadcast %add3A_878 : f32 to vector<16xf32>
      %add3A_880 = arith.addf %abs3A_877, %add3A_879 : vector<16xf32>
      %sub3A_881 = vector.broadcast %squeeze3A_872 : f32 to vector<16xf32>
      %sub3A_882 = arith.subf %get3A_49, %sub3A_881 : vector<16xf32>
      %abs3A_883 = math.absf %sub3A_882 : vector<16xf32>
      %add3A_884 = arith.constant 9.99999993E-9 : f32
      %add3A_885 = vector.broadcast %add3A_884 : f32 to vector<16xf32>
      %add3A_886 = arith.addf %abs3A_883, %add3A_885 : vector<16xf32>
      %mul3A_887 = arith.mulf %add3A_880, %add3A_880 : vector<16xf32>
      %mul3A_888 = arith.mulf %add3A_886, %add3A_886 : vector<16xf32>
      %add3A_889 = arith.addf %mul3A_887, %mul3A_888 : vector<16xf32>
      %lt3A_890 = arith.cmpf olt, %add3A_889, %min3A_830 : vector<16xf32>
      %broadcast_in_dim3A_891 = vector.broadcast %add3A_874 : i32 to vector<16xi32>
      %select_n3A_892 = arith.select %lt3A_890, %broadcast_in_dim3A_891, %select_n3A_829 : vector<16xi1>, vector<16xi32>
      %min3A_893 = arith.minimumf %min3A_830, %add3A_889 : vector<16xf32>
      %sub3A_894 = vector.broadcast %squeeze3A_870 : f32 to vector<16xf32>
      %sub3A_895 = arith.subf %get3A_52, %sub3A_894 : vector<16xf32>
      %abs3A_896 = math.absf %sub3A_895 : vector<16xf32>
      %add3A_897 = arith.constant 9.99999993E-9 : f32
      %add3A_898 = vector.broadcast %add3A_897 : f32 to vector<16xf32>
      %add3A_899 = arith.addf %abs3A_896, %add3A_898 : vector<16xf32>
      %sub3A_900 = vector.broadcast %squeeze3A_872 : f32 to vector<16xf32>
      %sub3A_901 = arith.subf %get3A_55, %sub3A_900 : vector<16xf32>
      %abs3A_902 = math.absf %sub3A_901 : vector<16xf32>
      %add3A_903 = arith.constant 9.99999993E-9 : f32
      %add3A_904 = vector.broadcast %add3A_903 : f32 to vector<16xf32>
      %add3A_905 = arith.addf %abs3A_902, %add3A_904 : vector<16xf32>
      %mul3A_906 = arith.mulf %add3A_899, %add3A_899 : vector<16xf32>
      %mul3A_907 = arith.mulf %add3A_905, %add3A_905 : vector<16xf32>
      %add3A_908 = arith.addf %mul3A_906, %mul3A_907 : vector<16xf32>
      %lt3A_909 = arith.cmpf olt, %add3A_908, %min3A_849 : vector<16xf32>
      %broadcast_in_dim3A_910 = vector.broadcast %add3A_874 : i32 to vector<16xi32>
      %select_n3A_911 = arith.select %lt3A_909, %broadcast_in_dim3A_910, %select_n3A_848 : vector<16xi1>, vector<16xi32>
      %min3A_912 = arith.minimumf %min3A_849, %add3A_908 : vector<16xf32>
      %sub3A_913 = vector.broadcast %squeeze3A_870 : f32 to vector<16xf32>
      %sub3A_914 = arith.subf %get3A_58, %sub3A_913 : vector<16xf32>
      %abs3A_915 = math.absf %sub3A_914 : vector<16xf32>
      %add3A_916 = arith.constant 9.99999993E-9 : f32
      %add3A_917 = vector.broadcast %add3A_916 : f32 to vector<16xf32>
      %add3A_918 = arith.addf %abs3A_915, %add3A_917 : vector<16xf32>
      %sub3A_919 = vector.broadcast %squeeze3A_872 : f32 to vector<16xf32>
      %sub3A_920 = arith.subf %get3A_61, %sub3A_919 : vector<16xf32>
      %abs3A_921 = math.absf %sub3A_920 : vector<16xf32>
      %add3A_922 = arith.constant 9.99999993E-9 : f32
      %add3A_923 = vector.broadcast %add3A_922 : f32 to vector<16xf32>
      %add3A_924 = arith.addf %abs3A_921, %add3A_923 : vector<16xf32>
      %mul3A_925 = arith.mulf %add3A_918, %add3A_918 : vector<16xf32>
      %mul3A_926 = arith.mulf %add3A_924, %add3A_924 : vector<16xf32>
      %add3A_927 = arith.addf %mul3A_925, %mul3A_926 : vector<16xf32>
      %lt3A_928 = arith.cmpf olt, %add3A_927, %min3A_868 : vector<16xf32>
      %broadcast_in_dim3A_929 = vector.broadcast %add3A_874 : i32 to vector<16xi32>
      %select_n3A_930 = arith.select %lt3A_928, %broadcast_in_dim3A_929, %select_n3A_867 : vector<16xi1>, vector<16xi32>
      %min3A_931 = arith.minimumf %min3A_868, %add3A_927 : vector<16xf32>
      %slice3A_932 = vector.extract_strided_slice %get3A_172 {offsets = [12], sizes = [1], strides = [1]} : vector<16xf32> to vector<1xf32>
      %squeeze3A_933 = vector.extract %slice3A_932[0] : f32 from vector<1xf32>
      %slice3A_934 = vector.extract_strided_slice %get3A_177 {offsets = [12], sizes = [1], strides = [1]} : vector<16xf32> to vector<1xf32>
      %squeeze3A_935 = vector.extract %slice3A_934[0] : f32 from vector<1xf32>
      %add3A_936 = arith.constant 12 : i32
      %add3A_937 = arith.addi %mul3A_179, %add3A_936 : i32
      %sub3A_938 = vector.broadcast %squeeze3A_933 : f32 to vector<16xf32>
      %sub3A_939 = arith.subf %get3A_46, %sub3A_938 : vector<16xf32>
      %abs3A_940 = math.absf %sub3A_939 : vector<16xf32>
      %add3A_941 = arith.constant 9.99999993E-9 : f32
      %add3A_942 = vector.broadcast %add3A_941 : f32 to vector<16xf32>
      %add3A_943 = arith.addf %abs3A_940, %add3A_942 : vector<16xf32>
      %sub3A_944 = vector.broadcast %squeeze3A_935 : f32 to vector<16xf32>
      %sub3A_945 = arith.subf %get3A_49, %sub3A_944 : vector<16xf32>
      %abs3A_946 = math.absf %sub3A_945 : vector<16xf32>
      %add3A_947 = arith.constant 9.99999993E-9 : f32
      %add3A_948 = vector.broadcast %add3A_947 : f32 to vector<16xf32>
      %add3A_949 = arith.addf %abs3A_946, %add3A_948 : vector<16xf32>
      %mul3A_950 = arith.mulf %add3A_943, %add3A_943 : vector<16xf32>
      %mul3A_951 = arith.mulf %add3A_949, %add3A_949 : vector<16xf32>
      %add3A_952 = arith.addf %mul3A_950, %mul3A_951 : vector<16xf32>
      %lt3A_953 = arith.cmpf olt, %add3A_952, %min3A_893 : vector<16xf32>
      %broadcast_in_dim3A_954 = vector.broadcast %add3A_937 : i32 to vector<16xi32>
      %select_n3A_955 = arith.select %lt3A_953, %broadcast_in_dim3A_954, %select_n3A_892 : vector<16xi1>, vector<16xi32>
      %min3A_956 = arith.minimumf %min3A_893, %add3A_952 : vector<16xf32>
      %sub3A_957 = vector.broadcast %squeeze3A_933 : f32 to vector<16xf32>
      %sub3A_958 = arith.subf %get3A_52, %sub3A_957 : vector<16xf32>
      %abs3A_959 = math.absf %sub3A_958 : vector<16xf32>
      %add3A_960 = arith.constant 9.99999993E-9 : f32
      %add3A_961 = vector.broadcast %add3A_960 : f32 to vector<16xf32>
      %add3A_962 = arith.addf %abs3A_959, %add3A_961 : vector<16xf32>
      %sub3A_963 = vector.broadcast %squeeze3A_935 : f32 to vector<16xf32>
      %sub3A_964 = arith.subf %get3A_55, %sub3A_963 : vector<16xf32>
      %abs3A_965 = math.absf %sub3A_964 : vector<16xf32>
      %add3A_966 = arith.constant 9.99999993E-9 : f32
      %add3A_967 = vector.broadcast %add3A_966 : f32 to vector<16xf32>
      %add3A_968 = arith.addf %abs3A_965, %add3A_967 : vector<16xf32>
      %mul3A_969 = arith.mulf %add3A_962, %add3A_962 : vector<16xf32>
      %mul3A_970 = arith.mulf %add3A_968, %add3A_968 : vector<16xf32>
      %add3A_971 = arith.addf %mul3A_969, %mul3A_970 : vector<16xf32>
      %lt3A_972 = arith.cmpf olt, %add3A_971, %min3A_912 : vector<16xf32>
      %broadcast_in_dim3A_973 = vector.broadcast %add3A_937 : i32 to vector<16xi32>
      %select_n3A_974 = arith.select %lt3A_972, %broadcast_in_dim3A_973, %select_n3A_911 : vector<16xi1>, vector<16xi32>
      %min3A_975 = arith.minimumf %min3A_912, %add3A_971 : vector<16xf32>
      %sub3A_976 = vector.broadcast %squeeze3A_933 : f32 to vector<16xf32>
      %sub3A_977 = arith.subf %get3A_58, %sub3A_976 : vector<16xf32>
      %abs3A_978 = math.absf %sub3A_977 : vector<16xf32>
      %add3A_979 = arith.constant 9.99999993E-9 : f32
      %add3A_980 = vector.broadcast %add3A_979 : f32 to vector<16xf32>
      %add3A_981 = arith.addf %abs3A_978, %add3A_980 : vector<16xf32>
      %sub3A_982 = vector.broadcast %squeeze3A_935 : f32 to vector<16xf32>
      %sub3A_983 = arith.subf %get3A_61, %sub3A_982 : vector<16xf32>
      %abs3A_984 = math.absf %sub3A_983 : vector<16xf32>
      %add3A_985 = arith.constant 9.99999993E-9 : f32
      %add3A_986 = vector.broadcast %add3A_985 : f32 to vector<16xf32>
      %add3A_987 = arith.addf %abs3A_984, %add3A_986 : vector<16xf32>
      %mul3A_988 = arith.mulf %add3A_981, %add3A_981 : vector<16xf32>
      %mul3A_989 = arith.mulf %add3A_987, %add3A_987 : vector<16xf32>
      %add3A_990 = arith.addf %mul3A_988, %mul3A_989 : vector<16xf32>
      %lt3A_991 = arith.cmpf olt, %add3A_990, %min3A_931 : vector<16xf32>
      %broadcast_in_dim3A_992 = vector.broadcast %add3A_937 : i32 to vector<16xi32>
      %select_n3A_993 = arith.select %lt3A_991, %broadcast_in_dim3A_992, %select_n3A_930 : vector<16xi1>, vector<16xi32>
      %min3A_994 = arith.minimumf %min3A_931, %add3A_990 : vector<16xf32>
      %slice3A_995 = vector.extract_strided_slice %get3A_172 {offsets = [13], sizes = [1], strides = [1]} : vector<16xf32> to vector<1xf32>
      %squeeze3A_996 = vector.extract %slice3A_995[0] : f32 from vector<1xf32>
      %slice3A_997 = vector.extract_strided_slice %get3A_177 {offsets = [13], sizes = [1], strides = [1]} : vector<16xf32> to vector<1xf32>
      %squeeze3A_998 = vector.extract %slice3A_997[0] : f32 from vector<1xf32>
      %add3A_999 = arith.constant 13 : i32
      %add3A_1000 = arith.addi %mul3A_179, %add3A_999 : i32
      %sub3A_1001 = vector.broadcast %squeeze3A_996 : f32 to vector<16xf32>
      %sub3A_1002 = arith.subf %get3A_46, %sub3A_1001 : vector<16xf32>
      %abs3A_1003 = math.absf %sub3A_1002 : vector<16xf32>
      %add3A_1004 = arith.constant 9.99999993E-9 : f32
      %add3A_1005 = vector.broadcast %add3A_1004 : f32 to vector<16xf32>
      %add3A_1006 = arith.addf %abs3A_1003, %add3A_1005 : vector<16xf32>
      %sub3A_1007 = vector.broadcast %squeeze3A_998 : f32 to vector<16xf32>
      %sub3A_1008 = arith.subf %get3A_49, %sub3A_1007 : vector<16xf32>
      %abs3A_1009 = math.absf %sub3A_1008 : vector<16xf32>
      %add3A_1010 = arith.constant 9.99999993E-9 : f32
      %add3A_1011 = vector.broadcast %add3A_1010 : f32 to vector<16xf32>
      %add3A_1012 = arith.addf %abs3A_1009, %add3A_1011 : vector<16xf32>
      %mul3A_1013 = arith.mulf %add3A_1006, %add3A_1006 : vector<16xf32>
      %mul3A_1014 = arith.mulf %add3A_1012, %add3A_1012 : vector<16xf32>
      %add3A_1015 = arith.addf %mul3A_1013, %mul3A_1014 : vector<16xf32>
      %lt3A_1016 = arith.cmpf olt, %add3A_1015, %min3A_956 : vector<16xf32>
      %broadcast_in_dim3A_1017 = vector.broadcast %add3A_1000 : i32 to vector<16xi32>
      %select_n3A_1018 = arith.select %lt3A_1016, %broadcast_in_dim3A_1017, %select_n3A_955 : vector<16xi1>, vector<16xi32>
      %min3A_1019 = arith.minimumf %min3A_956, %add3A_1015 : vector<16xf32>
      %sub3A_1020 = vector.broadcast %squeeze3A_996 : f32 to vector<16xf32>
      %sub3A_1021 = arith.subf %get3A_52, %sub3A_1020 : vector<16xf32>
      %abs3A_1022 = math.absf %sub3A_1021 : vector<16xf32>
      %add3A_1023 = arith.constant 9.99999993E-9 : f32
      %add3A_1024 = vector.broadcast %add3A_1023 : f32 to vector<16xf32>
      %add3A_1025 = arith.addf %abs3A_1022, %add3A_1024 : vector<16xf32>
      %sub3A_1026 = vector.broadcast %squeeze3A_998 : f32 to vector<16xf32>
      %sub3A_1027 = arith.subf %get3A_55, %sub3A_1026 : vector<16xf32>
      %abs3A_1028 = math.absf %sub3A_1027 : vector<16xf32>
      %add3A_1029 = arith.constant 9.99999993E-9 : f32
      %add3A_1030 = vector.broadcast %add3A_1029 : f32 to vector<16xf32>
      %add3A_1031 = arith.addf %abs3A_1028, %add3A_1030 : vector<16xf32>
      %mul3A_1032 = arith.mulf %add3A_1025, %add3A_1025 : vector<16xf32>
      %mul3A_1033 = arith.mulf %add3A_1031, %add3A_1031 : vector<16xf32>
      %add3A_1034 = arith.addf %mul3A_1032, %mul3A_1033 : vector<16xf32>
      %lt3A_1035 = arith.cmpf olt, %add3A_1034, %min3A_975 : vector<16xf32>
      %broadcast_in_dim3A_1036 = vector.broadcast %add3A_1000 : i32 to vector<16xi32>
      %select_n3A_1037 = arith.select %lt3A_1035, %broadcast_in_dim3A_1036, %select_n3A_974 : vector<16xi1>, vector<16xi32>
      %min3A_1038 = arith.minimumf %min3A_975, %add3A_1034 : vector<16xf32>
      %sub3A_1039 = vector.broadcast %squeeze3A_996 : f32 to vector<16xf32>
      %sub3A_1040 = arith.subf %get3A_58, %sub3A_1039 : vector<16xf32>
      %abs3A_1041 = math.absf %sub3A_1040 : vector<16xf32>
      %add3A_1042 = arith.constant 9.99999993E-9 : f32
      %add3A_1043 = vector.broadcast %add3A_1042 : f32 to vector<16xf32>
      %add3A_1044 = arith.addf %abs3A_1041, %add3A_1043 : vector<16xf32>
      %sub3A_1045 = vector.broadcast %squeeze3A_998 : f32 to vector<16xf32>
      %sub3A_1046 = arith.subf %get3A_61, %sub3A_1045 : vector<16xf32>
      %abs3A_1047 = math.absf %sub3A_1046 : vector<16xf32>
      %add3A_1048 = arith.constant 9.99999993E-9 : f32
      %add3A_1049 = vector.broadcast %add3A_1048 : f32 to vector<16xf32>
      %add3A_1050 = arith.addf %abs3A_1047, %add3A_1049 : vector<16xf32>
      %mul3A_1051 = arith.mulf %add3A_1044, %add3A_1044 : vector<16xf32>
      %mul3A_1052 = arith.mulf %add3A_1050, %add3A_1050 : vector<16xf32>
      %add3A_1053 = arith.addf %mul3A_1051, %mul3A_1052 : vector<16xf32>
      %lt3A_1054 = arith.cmpf olt, %add3A_1053, %min3A_994 : vector<16xf32>
      %broadcast_in_dim3A_1055 = vector.broadcast %add3A_1000 : i32 to vector<16xi32>
      %select_n3A_1056 = arith.select %lt3A_1054, %broadcast_in_dim3A_1055, %select_n3A_993 : vector<16xi1>, vector<16xi32>
      %min3A_1057 = arith.minimumf %min3A_994, %add3A_1053 : vector<16xf32>
      %slice3A_1058 = vector.extract_strided_slice %get3A_172 {offsets = [14], sizes = [1], strides = [1]} : vector<16xf32> to vector<1xf32>
      %squeeze3A_1059 = vector.extract %slice3A_1058[0] : f32 from vector<1xf32>
      %slice3A_1060 = vector.extract_strided_slice %get3A_177 {offsets = [14], sizes = [1], strides = [1]} : vector<16xf32> to vector<1xf32>
      %squeeze3A_1061 = vector.extract %slice3A_1060[0] : f32 from vector<1xf32>
      %add3A_1062 = arith.constant 14 : i32
      %add3A_1063 = arith.addi %mul3A_179, %add3A_1062 : i32
      %sub3A_1064 = vector.broadcast %squeeze3A_1059 : f32 to vector<16xf32>
      %sub3A_1065 = arith.subf %get3A_46, %sub3A_1064 : vector<16xf32>
      %abs3A_1066 = math.absf %sub3A_1065 : vector<16xf32>
      %add3A_1067 = arith.constant 9.99999993E-9 : f32
      %add3A_1068 = vector.broadcast %add3A_1067 : f32 to vector<16xf32>
      %add3A_1069 = arith.addf %abs3A_1066, %add3A_1068 : vector<16xf32>
      %sub3A_1070 = vector.broadcast %squeeze3A_1061 : f32 to vector<16xf32>
      %sub3A_1071 = arith.subf %get3A_49, %sub3A_1070 : vector<16xf32>
      %abs3A_1072 = math.absf %sub3A_1071 : vector<16xf32>
      %add3A_1073 = arith.constant 9.99999993E-9 : f32
      %add3A_1074 = vector.broadcast %add3A_1073 : f32 to vector<16xf32>
      %add3A_1075 = arith.addf %abs3A_1072, %add3A_1074 : vector<16xf32>
      %mul3A_1076 = arith.mulf %add3A_1069, %add3A_1069 : vector<16xf32>
      %mul3A_1077 = arith.mulf %add3A_1075, %add3A_1075 : vector<16xf32>
      %add3A_1078 = arith.addf %mul3A_1076, %mul3A_1077 : vector<16xf32>
      %lt3A_1079 = arith.cmpf olt, %add3A_1078, %min3A_1019 : vector<16xf32>
      %broadcast_in_dim3A_1080 = vector.broadcast %add3A_1063 : i32 to vector<16xi32>
      %select_n3A_1081 = arith.select %lt3A_1079, %broadcast_in_dim3A_1080, %select_n3A_1018 : vector<16xi1>, vector<16xi32>
      %min3A_1082 = arith.minimumf %min3A_1019, %add3A_1078 : vector<16xf32>
      %sub3A_1083 = vector.broadcast %squeeze3A_1059 : f32 to vector<16xf32>
      %sub3A_1084 = arith.subf %get3A_52, %sub3A_1083 : vector<16xf32>
      %abs3A_1085 = math.absf %sub3A_1084 : vector<16xf32>
      %add3A_1086 = arith.constant 9.99999993E-9 : f32
      %add3A_1087 = vector.broadcast %add3A_1086 : f32 to vector<16xf32>
      %add3A_1088 = arith.addf %abs3A_1085, %add3A_1087 : vector<16xf32>
      %sub3A_1089 = vector.broadcast %squeeze3A_1061 : f32 to vector<16xf32>
      %sub3A_1090 = arith.subf %get3A_55, %sub3A_1089 : vector<16xf32>
      %abs3A_1091 = math.absf %sub3A_1090 : vector<16xf32>
      %add3A_1092 = arith.constant 9.99999993E-9 : f32
      %add3A_1093 = vector.broadcast %add3A_1092 : f32 to vector<16xf32>
      %add3A_1094 = arith.addf %abs3A_1091, %add3A_1093 : vector<16xf32>
      %mul3A_1095 = arith.mulf %add3A_1088, %add3A_1088 : vector<16xf32>
      %mul3A_1096 = arith.mulf %add3A_1094, %add3A_1094 : vector<16xf32>
      %add3A_1097 = arith.addf %mul3A_1095, %mul3A_1096 : vector<16xf32>
      %lt3A_1098 = arith.cmpf olt, %add3A_1097, %min3A_1038 : vector<16xf32>
      %broadcast_in_dim3A_1099 = vector.broadcast %add3A_1063 : i32 to vector<16xi32>
      %select_n3A_1100 = arith.select %lt3A_1098, %broadcast_in_dim3A_1099, %select_n3A_1037 : vector<16xi1>, vector<16xi32>
      %min3A_1101 = arith.minimumf %min3A_1038, %add3A_1097 : vector<16xf32>
      %sub3A_1102 = vector.broadcast %squeeze3A_1059 : f32 to vector<16xf32>
      %sub3A_1103 = arith.subf %get3A_58, %sub3A_1102 : vector<16xf32>
      %abs3A_1104 = math.absf %sub3A_1103 : vector<16xf32>
      %add3A_1105 = arith.constant 9.99999993E-9 : f32
      %add3A_1106 = vector.broadcast %add3A_1105 : f32 to vector<16xf32>
      %add3A_1107 = arith.addf %abs3A_1104, %add3A_1106 : vector<16xf32>
      %sub3A_1108 = vector.broadcast %squeeze3A_1061 : f32 to vector<16xf32>
      %sub3A_1109 = arith.subf %get3A_61, %sub3A_1108 : vector<16xf32>
      %abs3A_1110 = math.absf %sub3A_1109 : vector<16xf32>
      %add3A_1111 = arith.constant 9.99999993E-9 : f32
      %add3A_1112 = vector.broadcast %add3A_1111 : f32 to vector<16xf32>
      %add3A_1113 = arith.addf %abs3A_1110, %add3A_1112 : vector<16xf32>
      %mul3A_1114 = arith.mulf %add3A_1107, %add3A_1107 : vector<16xf32>
      %mul3A_1115 = arith.mulf %add3A_1113, %add3A_1113 : vector<16xf32>
      %add3A_1116 = arith.addf %mul3A_1114, %mul3A_1115 : vector<16xf32>
      %lt3A_1117 = arith.cmpf olt, %add3A_1116, %min3A_1057 : vector<16xf32>
      %broadcast_in_dim3A_1118 = vector.broadcast %add3A_1063 : i32 to vector<16xi32>
      %select_n3A_1119 = arith.select %lt3A_1117, %broadcast_in_dim3A_1118, %select_n3A_1056 : vector<16xi1>, vector<16xi32>
      %min3A_1120 = arith.minimumf %min3A_1057, %add3A_1116 : vector<16xf32>
      %slice3A_1121 = vector.extract_strided_slice %get3A_172 {offsets = [15], sizes = [1], strides = [1]} : vector<16xf32> to vector<1xf32>
      %squeeze3A_1122 = vector.extract %slice3A_1121[0] : f32 from vector<1xf32>
      %slice3A_1123 = vector.extract_strided_slice %get3A_177 {offsets = [15], sizes = [1], strides = [1]} : vector<16xf32> to vector<1xf32>
      %squeeze3A_1124 = vector.extract %slice3A_1123[0] : f32 from vector<1xf32>
      %add3A_1125 = arith.constant 15 : i32
      %add3A_1126 = arith.addi %mul3A_179, %add3A_1125 : i32
      %sub3A_1127 = vector.broadcast %squeeze3A_1122 : f32 to vector<16xf32>
      %sub3A_1128 = arith.subf %get3A_46, %sub3A_1127 : vector<16xf32>
      %abs3A_1129 = math.absf %sub3A_1128 : vector<16xf32>
      %add3A_1130 = arith.constant 9.99999993E-9 : f32
      %add3A_1131 = vector.broadcast %add3A_1130 : f32 to vector<16xf32>
      %add3A_1132 = arith.addf %abs3A_1129, %add3A_1131 : vector<16xf32>
      %sub3A_1133 = vector.broadcast %squeeze3A_1124 : f32 to vector<16xf32>
      %sub3A_1134 = arith.subf %get3A_49, %sub3A_1133 : vector<16xf32>
      %abs3A_1135 = math.absf %sub3A_1134 : vector<16xf32>
      %add3A_1136 = arith.constant 9.99999993E-9 : f32
      %add3A_1137 = vector.broadcast %add3A_1136 : f32 to vector<16xf32>
      %add3A_1138 = arith.addf %abs3A_1135, %add3A_1137 : vector<16xf32>
      %mul3A_1139 = arith.mulf %add3A_1132, %add3A_1132 : vector<16xf32>
      %mul3A_1140 = arith.mulf %add3A_1138, %add3A_1138 : vector<16xf32>
      %add3A_1141 = arith.addf %mul3A_1139, %mul3A_1140 : vector<16xf32>
      %lt3A_1142 = arith.cmpf olt, %add3A_1141, %min3A_1082 : vector<16xf32>
      %broadcast_in_dim3A_1143 = vector.broadcast %add3A_1126 : i32 to vector<16xi32>
      %select_n3A_1144 = arith.select %lt3A_1142, %broadcast_in_dim3A_1143, %select_n3A_1081 : vector<16xi1>, vector<16xi32>
      %min3A_1145 = arith.minimumf %min3A_1082, %add3A_1141 : vector<16xf32>
      %sub3A_1146 = vector.broadcast %squeeze3A_1122 : f32 to vector<16xf32>
      %sub3A_1147 = arith.subf %get3A_52, %sub3A_1146 : vector<16xf32>
      %abs3A_1148 = math.absf %sub3A_1147 : vector<16xf32>
      %add3A_1149 = arith.constant 9.99999993E-9 : f32
      %add3A_1150 = vector.broadcast %add3A_1149 : f32 to vector<16xf32>
      %add3A_1151 = arith.addf %abs3A_1148, %add3A_1150 : vector<16xf32>
      %sub3A_1152 = vector.broadcast %squeeze3A_1124 : f32 to vector<16xf32>
      %sub3A_1153 = arith.subf %get3A_55, %sub3A_1152 : vector<16xf32>
      %abs3A_1154 = math.absf %sub3A_1153 : vector<16xf32>
      %add3A_1155 = arith.constant 9.99999993E-9 : f32
      %add3A_1156 = vector.broadcast %add3A_1155 : f32 to vector<16xf32>
      %add3A_1157 = arith.addf %abs3A_1154, %add3A_1156 : vector<16xf32>
      %mul3A_1158 = arith.mulf %add3A_1151, %add3A_1151 : vector<16xf32>
      %mul3A_1159 = arith.mulf %add3A_1157, %add3A_1157 : vector<16xf32>
      %add3A_1160 = arith.addf %mul3A_1158, %mul3A_1159 : vector<16xf32>
      %lt3A_1161 = arith.cmpf olt, %add3A_1160, %min3A_1101 : vector<16xf32>
      %broadcast_in_dim3A_1162 = vector.broadcast %add3A_1126 : i32 to vector<16xi32>
      %select_n3A_1163 = arith.select %lt3A_1161, %broadcast_in_dim3A_1162, %select_n3A_1100 : vector<16xi1>, vector<16xi32>
      %min3A_1164 = arith.minimumf %min3A_1101, %add3A_1160 : vector<16xf32>
      %sub3A_1165 = vector.broadcast %squeeze3A_1122 : f32 to vector<16xf32>
      %sub3A_1166 = arith.subf %get3A_58, %sub3A_1165 : vector<16xf32>
      %abs3A_1167 = math.absf %sub3A_1166 : vector<16xf32>
      %add3A_1168 = arith.constant 9.99999993E-9 : f32
      %add3A_1169 = vector.broadcast %add3A_1168 : f32 to vector<16xf32>
      %add3A_1170 = arith.addf %abs3A_1167, %add3A_1169 : vector<16xf32>
      %sub3A_1171 = vector.broadcast %squeeze3A_1124 : f32 to vector<16xf32>
      %sub3A_1172 = arith.subf %get3A_61, %sub3A_1171 : vector<16xf32>
      %abs3A_1173 = math.absf %sub3A_1172 : vector<16xf32>
      %add3A_1174 = arith.constant 9.99999993E-9 : f32
      %add3A_1175 = vector.broadcast %add3A_1174 : f32 to vector<16xf32>
      %add3A_1176 = arith.addf %abs3A_1173, %add3A_1175 : vector<16xf32>
      %mul3A_1177 = arith.mulf %add3A_1170, %add3A_1170 : vector<16xf32>
      %mul3A_1178 = arith.mulf %add3A_1176, %add3A_1176 : vector<16xf32>
      %add3A_1179 = arith.addf %mul3A_1177, %mul3A_1178 : vector<16xf32>
      %lt3A_1180 = arith.cmpf olt, %add3A_1179, %min3A_1120 : vector<16xf32>
      %broadcast_in_dim3A_1181 = vector.broadcast %add3A_1126 : i32 to vector<16xi32>
      %select_n3A_1182 = arith.select %lt3A_1180, %broadcast_in_dim3A_1181, %select_n3A_1119 : vector<16xi1>, vector<16xi32>
      %min3A_1183 = arith.minimumf %min3A_1120, %add3A_1179 : vector<16xf32>
      scf.yield %min3A_1145, %min3A_1164, %min3A_1183, %select_n3A_1144, %select_n3A_1163, %select_n3A_1182 : vector<16xf32>, vector<16xf32>, vector<16xf32>, vector<16xi32>, vector<16xi32>, vector<16xi32>
    }
    %scan3A_77 = arith.constant 144 : i32
    %swap3A = arith.constant 0 : index
    %swap3A_78 = tpu.vector_load %arg12[%swap3A] {strides = array<i32>} : memref<96xf32, #tpu.memory_space<vmem>>, vector<16xf32>,
    %swap3A_79 = vector.shape_cast %swap3A_78 : vector<16xf32> to vector<16xf32>
    %swap3A_80 = vector.shape_cast %scan3A_76#0 : vector<16xf32> to vector<16xf32>
    tpu.vector_store %arg12[%swap3A], %swap3A_80 {strides = array<i32>} : memref<96xf32, #tpu.memory_space<vmem>>, vector<16xf32>,
    %swap3A_81 = arith.constant 0 : index
    %swap3A_82 = tpu.vector_load %arg13[%swap3A_81] {strides = array<i32>} : memref<96xi32, #tpu.memory_space<vmem>>, vector<16xi32>,
    %swap3A_83 = vector.shape_cast %swap3A_82 : vector<16xi32> to vector<16xi32>
    %swap3A_84 = vector.shape_cast %scan3A_76#3 : vector<16xi32> to vector<16xi32>
    tpu.vector_store %arg13[%swap3A_81], %swap3A_84 {strides = array<i32>} : memref<96xi32, #tpu.memory_space<vmem>>, vector<16xi32>,
    %swap3A_85 = arith.constant 16 : index
    %swap3A_86 = tpu.vector_load %arg12[%swap3A_85] {strides = array<i32>} : memref<96xf32, #tpu.memory_space<vmem>>, vector<16xf32>,
    %swap3A_87 = vector.shape_cast %swap3A_86 : vector<16xf32> to vector<16xf32>
    %swap3A_88 = vector.shape_cast %scan3A_76#1 : vector<16xf32> to vector<16xf32>
    tpu.vector_store %arg12[%swap3A_85], %swap3A_88 {strides = array<i32>} : memref<96xf32, #tpu.memory_space<vmem>>, vector<16xf32>,
    %swap3A_89 = arith.constant 16 : index
    %swap3A_90 = tpu.vector_load %arg13[%swap3A_89] {strides = array<i32>} : memref<96xi32, #tpu.memory_space<vmem>>, vector<16xi32>,
    %swap3A_91 = vector.shape_cast %swap3A_90 : vector<16xi32> to vector<16xi32>
    %swap3A_92 = vector.shape_cast %scan3A_76#4 : vector<16xi32> to vector<16xi32>
    tpu.vector_store %arg13[%swap3A_89], %swap3A_92 {strides = array<i32>} : memref<96xi32, #tpu.memory_space<vmem>>, vector<16xi32>,
    %swap3A_93 = arith.constant 32 : index
    %swap3A_94 = tpu.vector_load %arg12[%swap3A_93] {strides = array<i32>} : memref<96xf32, #tpu.memory_space<vmem>>, vector<16xf32>,
    %swap3A_95 = vector.shape_cast %swap3A_94 : vector<16xf32> to vector<16xf32>
    %swap3A_96 = vector.shape_cast %scan3A_76#2 : vector<16xf32> to vector<16xf32>
    tpu.vector_store %arg12[%swap3A_93], %swap3A_96 {strides = array<i32>} : memref<96xf32, #tpu.memory_space<vmem>>, vector<16xf32>,
    %swap3A_97 = arith.constant 32 : index
    %swap3A_98 = tpu.vector_load %arg13[%swap3A_97] {strides = array<i32>} : memref<96xi32, #tpu.memory_space<vmem>>, vector<16xi32>,
    %swap3A_99 = vector.shape_cast %swap3A_98 : vector<16xi32> to vector<16xi32>
    %swap3A_100 = vector.shape_cast %scan3A_76#5 : vector<16xi32> to vector<16xi32>
    tpu.vector_store %arg13[%swap3A_97], %swap3A_100 {strides = array<i32>} : memref<96xi32, #tpu.memory_space<vmem>>, vector<16xi32>,
    %get3A_101 = arith.constant 48 : index
    %get3A_102 = tpu.vector_load %arg8[%get3A_101] {strides = array<i32>} : memref<96xf32, #tpu.memory_space<vmem>>, vector<16xf32>,
    %get3A_103 = vector.shape_cast %get3A_102 : vector<16xf32> to vector<16xf32>
    %get3A_104 = arith.constant 48 : index
    %get3A_105 = tpu.vector_load %arg9[%get3A_104] {strides = array<i32>} : memref<96xf32, #tpu.memory_space<vmem>>, vector<16xf32>,
    %get3A_106 = vector.shape_cast %get3A_105 : vector<16xf32> to vector<16xf32>
    %get3A_107 = arith.constant 64 : index
    %get3A_108 = tpu.vector_load %arg8[%get3A_107] {strides = array<i32>} : memref<96xf32, #tpu.memory_space<vmem>>, vector<16xf32>,
    %get3A_109 = vector.shape_cast %get3A_108 : vector<16xf32> to vector<16xf32>
    %get3A_110 = arith.constant 64 : index
    %get3A_111 = tpu.vector_load %arg9[%get3A_110] {strides = array<i32>} : memref<96xf32, #tpu.memory_space<vmem>>, vector<16xf32>,
    %get3A_112 = vector.shape_cast %get3A_111 : vector<16xf32> to vector<16xf32>
    %get3A_113 = arith.constant 80 : index
    %get3A_114 = tpu.vector_load %arg8[%get3A_113] {strides = array<i32>} : memref<96xf32, #tpu.memory_space<vmem>>, vector<16xf32>,
    %get3A_115 = vector.shape_cast %get3A_114 : vector<16xf32> to vector<16xf32>
    %get3A_116 = arith.constant 80 : index
    %get3A_117 = tpu.vector_load %arg9[%get3A_116] {strides = array<i32>} : memref<96xf32, #tpu.memory_space<vmem>>, vector<16xf32>,
    %get3A_118 = vector.shape_cast %get3A_117 : vector<16xf32> to vector<16xf32>
    %broadcast_in_dim3A_119 = arith.constant 0x7F800000 : f32
    %broadcast_in_dim3A_120 = vector.broadcast %broadcast_in_dim3A_119 : f32 to vector<16xf32>
    %broadcast_in_dim3A_121 = arith.constant 0x7F800000 : f32
    %broadcast_in_dim3A_122 = vector.broadcast %broadcast_in_dim3A_121 : f32 to vector<16xf32>
    %broadcast_in_dim3A_123 = arith.constant 0x7F800000 : f32
    %broadcast_in_dim3A_124 = vector.broadcast %broadcast_in_dim3A_123 : f32 to vector<16xf32>
    %broadcast_in_dim3A_125 = arith.constant 0 : i32
    %broadcast_in_dim3A_126 = vector.broadcast %broadcast_in_dim3A_125 : i32 to vector<16xi32>
    %broadcast_in_dim3A_127 = arith.constant 0 : i32
    %broadcast_in_dim3A_128 = vector.broadcast %broadcast_in_dim3A_127 : i32 to vector<16xi32>
    %broadcast_in_dim3A_129 = arith.constant 0 : i32
    %broadcast_in_dim3A_130 = vector.broadcast %broadcast_in_dim3A_129 : i32 to vector<16xi32>
    %scan3A_131 = arith.constant 0 : i32
    %scan3A_132 = arith.constant 144 : i32
    %scan3A_133 = arith.addi %scan3A_131, %scan3A_132 : i32
    %scan3A_134 = arith.constant 1 : i32
    %scan3A_135:6 = scf.for %scan3A_161 = %scan3A_131 to %scan3A_133 step %scan3A_134 iter_args(%scan3A_162 = %broadcast_in_dim3A_120, %scan3A_163 = %broadcast_in_dim3A_122, %scan3A_164 = %broadcast_in_dim3A_124, %scan3A_165 = %broadcast_in_dim3A_126, %scan3A_166 = %broadcast_in_dim3A_128, %scan3A_167 = %broadcast_in_dim3A_130) -> (vector<16xf32>, vector<16xf32>, vector<16xf32>, vector<16xi32>, vector<16xi32>, vector<16xi32>)  : i32 {
      %mul3A_168 = arith.constant 16 : i32
      %mul3A_169 = arith.muli %scan3A_161, %mul3A_168 : i32
      %get3A_170 = arith.index_cast %mul3A_169 : i32 to index
      %get3A_171 = tpu.vector_load %arg10[%get3A_170] {strides = array<i32>} : memref<2304xf32, #tpu.memory_space<vmem>>, vector<16xf32>,
      %get3A_172 = vector.shape_cast %get3A_171 : vector<16xf32> to vector<16xf32>
      %mul3A_173 = arith.constant 16 : i32
      %mul3A_174 = arith.muli %scan3A_161, %mul3A_173 : i32
      %get3A_175 = arith.index_cast %mul3A_174 : i32 to index
      %get3A_176 = tpu.vector_load %arg11[%get3A_175] {strides = array<i32>} : memref<2304xf32, #tpu.memory_space<vmem>>, vector<16xf32>,
      %get3A_177 = vector.shape_cast %get3A_176 : vector<16xf32> to vector<16xf32>
      %mul3A_178 = arith.constant 16 : i32
      %mul3A_179 = arith.muli %scan3A_161, %mul3A_178 : i32
      %slice3A = vector.extract_strided_slice %get3A_172 {offsets = [0], sizes = [1], strides = [1]} : vector<16xf32> to vector<1xf32>
      %squeeze3A = vector.extract %slice3A[0] : f32 from vector<1xf32>
      %slice3A_180 = vector.extract_strided_slice %get3A_177 {offsets = [0], sizes = [1], strides = [1]} : vector<16xf32> to vector<1xf32>
      %squeeze3A_181 = vector.extract %slice3A_180[0] : f32 from vector<1xf32>
      %add3A_182 = arith.constant 0 : i32
      %add3A_183 = arith.addi %mul3A_179, %add3A_182 : i32
      %sub3A_184 = vector.broadcast %squeeze3A : f32 to vector<16xf32>
      %sub3A_185 = arith.subf %get3A_103, %sub3A_184 : vector<16xf32>
      %abs3A = math.absf %sub3A_185 : vector<16xf32>
      %add3A_186 = arith.constant 9.99999993E-9 : f32
      %add3A_187 = vector.broadcast %add3A_186 : f32 to vector<16xf32>
      %add3A_188 = arith.addf %abs3A, %add3A_187 : vector<16xf32>
      %sub3A_189 = vector.broadcast %squeeze3A_181 : f32 to vector<16xf32>
      %sub3A_190 = arith.subf %get3A_106, %sub3A_189 : vector<16xf32>
      %abs3A_191 = math.absf %sub3A_190 : vector<16xf32>
      %add3A_192 = arith.constant 9.99999993E-9 : f32
      %add3A_193 = vector.broadcast %add3A_192 : f32 to vector<16xf32>
      %add3A_194 = arith.addf %abs3A_191, %add3A_193 : vector<16xf32>
      %mul3A_195 = arith.mulf %add3A_188, %add3A_188 : vector<16xf32>
      %mul3A_196 = arith.mulf %add3A_194, %add3A_194 : vector<16xf32>
      %add3A_197 = arith.addf %mul3A_195, %mul3A_196 : vector<16xf32>
      %lt3A_198 = arith.cmpf olt, %add3A_197, %scan3A_162 : vector<16xf32>
      %broadcast_in_dim3A_199 = vector.broadcast %add3A_183 : i32 to vector<16xi32>
      %select_n3A_200 = arith.select %lt3A_198, %broadcast_in_dim3A_199, %scan3A_165 : vector<16xi1>, vector<16xi32>
      %min3A = arith.minimumf %scan3A_162, %add3A_197 : vector<16xf32>
      %sub3A_201 = vector.broadcast %squeeze3A : f32 to vector<16xf32>
      %sub3A_202 = arith.subf %get3A_109, %sub3A_201 : vector<16xf32>
      %abs3A_203 = math.absf %sub3A_202 : vector<16xf32>
      %add3A_204 = arith.constant 9.99999993E-9 : f32
      %add3A_205 = vector.broadcast %add3A_204 : f32 to vector<16xf32>
      %add3A_206 = arith.addf %abs3A_203, %add3A_205 : vector<16xf32>
      %sub3A_207 = vector.broadcast %squeeze3A_181 : f32 to vector<16xf32>
      %sub3A_208 = arith.subf %get3A_112, %sub3A_207 : vector<16xf32>
      %abs3A_209 = math.absf %sub3A_208 : vector<16xf32>
      %add3A_210 = arith.constant 9.99999993E-9 : f32
      %add3A_211 = vector.broadcast %add3A_210 : f32 to vector<16xf32>
      %add3A_212 = arith.addf %abs3A_209, %add3A_211 : vector<16xf32>
      %mul3A_213 = arith.mulf %add3A_206, %add3A_206 : vector<16xf32>
      %mul3A_214 = arith.mulf %add3A_212, %add3A_212 : vector<16xf32>
      %add3A_215 = arith.addf %mul3A_213, %mul3A_214 : vector<16xf32>
      %lt3A_216 = arith.cmpf olt, %add3A_215, %scan3A_163 : vector<16xf32>
      %broadcast_in_dim3A_217 = vector.broadcast %add3A_183 : i32 to vector<16xi32>
      %select_n3A_218 = arith.select %lt3A_216, %broadcast_in_dim3A_217, %scan3A_166 : vector<16xi1>, vector<16xi32>
      %min3A_219 = arith.minimumf %scan3A_163, %add3A_215 : vector<16xf32>
      %sub3A_220 = vector.broadcast %squeeze3A : f32 to vector<16xf32>
      %sub3A_221 = arith.subf %get3A_115, %sub3A_220 : vector<16xf32>
      %abs3A_222 = math.absf %sub3A_221 : vector<16xf32>
      %add3A_223 = arith.constant 9.99999993E-9 : f32
      %add3A_224 = vector.broadcast %add3A_223 : f32 to vector<16xf32>
      %add3A_225 = arith.addf %abs3A_222, %add3A_224 : vector<16xf32>
      %sub3A_226 = vector.broadcast %squeeze3A_181 : f32 to vector<16xf32>
      %sub3A_227 = arith.subf %get3A_118, %sub3A_226 : vector<16xf32>
      %abs3A_228 = math.absf %sub3A_227 : vector<16xf32>
      %add3A_229 = arith.constant 9.99999993E-9 : f32
      %add3A_230 = vector.broadcast %add3A_229 : f32 to vector<16xf32>
      %add3A_231 = arith.addf %abs3A_228, %add3A_230 : vector<16xf32>
      %mul3A_232 = arith.mulf %add3A_225, %add3A_225 : vector<16xf32>
      %mul3A_233 = arith.mulf %add3A_231, %add3A_231 : vector<16xf32>
      %add3A_234 = arith.addf %mul3A_232, %mul3A_233 : vector<16xf32>
      %lt3A_235 = arith.cmpf olt, %add3A_234, %scan3A_164 : vector<16xf32>
      %broadcast_in_dim3A_236 = vector.broadcast %add3A_183 : i32 to vector<16xi32>
      %select_n3A_237 = arith.select %lt3A_235, %broadcast_in_dim3A_236, %scan3A_167 : vector<16xi1>, vector<16xi32>
      %min3A_238 = arith.minimumf %scan3A_164, %add3A_234 : vector<16xf32>
      %slice3A_239 = vector.extract_strided_slice %get3A_172 {offsets = [1], sizes = [1], strides = [1]} : vector<16xf32> to vector<1xf32>
      %squeeze3A_240 = vector.extract %slice3A_239[0] : f32 from vector<1xf32>
      %slice3A_241 = vector.extract_strided_slice %get3A_177 {offsets = [1], sizes = [1], strides = [1]} : vector<16xf32> to vector<1xf32>
      %squeeze3A_242 = vector.extract %slice3A_241[0] : f32 from vector<1xf32>
      %add3A_243 = arith.constant 1 : i32
      %add3A_244 = arith.addi %mul3A_179, %add3A_243 : i32
      %sub3A_245 = vector.broadcast %squeeze3A_240 : f32 to vector<16xf32>
      %sub3A_246 = arith.subf %get3A_103, %sub3A_245 : vector<16xf32>
      %abs3A_247 = math.absf %sub3A_246 : vector<16xf32>
      %add3A_248 = arith.constant 9.99999993E-9 : f32
      %add3A_249 = vector.broadcast %add3A_248 : f32 to vector<16xf32>
      %add3A_250 = arith.addf %abs3A_247, %add3A_249 : vector<16xf32>
      %sub3A_251 = vector.broadcast %squeeze3A_242 : f32 to vector<16xf32>
      %sub3A_252 = arith.subf %get3A_106, %sub3A_251 : vector<16xf32>
      %abs3A_253 = math.absf %sub3A_252 : vector<16xf32>
      %add3A_254 = arith.constant 9.99999993E-9 : f32
      %add3A_255 = vector.broadcast %add3A_254 : f32 to vector<16xf32>
      %add3A_256 = arith.addf %abs3A_253, %add3A_255 : vector<16xf32>
      %mul3A_257 = arith.mulf %add3A_250, %add3A_250 : vector<16xf32>
      %mul3A_258 = arith.mulf %add3A_256, %add3A_256 : vector<16xf32>
      %add3A_259 = arith.addf %mul3A_257, %mul3A_258 : vector<16xf32>
      %lt3A_260 = arith.cmpf olt, %add3A_259, %min3A : vector<16xf32>
      %broadcast_in_dim3A_261 = vector.broadcast %add3A_244 : i32 to vector<16xi32>
      %select_n3A_262 = arith.select %lt3A_260, %broadcast_in_dim3A_261, %select_n3A_200 : vector<16xi1>, vector<16xi32>
      %min3A_263 = arith.minimumf %min3A, %add3A_259 : vector<16xf32>
      %sub3A_264 = vector.broadcast %squeeze3A_240 : f32 to vector<16xf32>
      %sub3A_265 = arith.subf %get3A_109, %sub3A_264 : vector<16xf32>
      %abs3A_266 = math.absf %sub3A_265 : vector<16xf32>
      %add3A_267 = arith.constant 9.99999993E-9 : f32
      %add3A_268 = vector.broadcast %add3A_267 : f32 to vector<16xf32>
      %add3A_269 = arith.addf %abs3A_266, %add3A_268 : vector<16xf32>
      %sub3A_270 = vector.broadcast %squeeze3A_242 : f32 to vector<16xf32>
      %sub3A_271 = arith.subf %get3A_112, %sub3A_270 : vector<16xf32>
      %abs3A_272 = math.absf %sub3A_271 : vector<16xf32>
      %add3A_273 = arith.constant 9.99999993E-9 : f32
      %add3A_274 = vector.broadcast %add3A_273 : f32 to vector<16xf32>
      %add3A_275 = arith.addf %abs3A_272, %add3A_274 : vector<16xf32>
      %mul3A_276 = arith.mulf %add3A_269, %add3A_269 : vector<16xf32>
      %mul3A_277 = arith.mulf %add3A_275, %add3A_275 : vector<16xf32>
      %add3A_278 = arith.addf %mul3A_276, %mul3A_277 : vector<16xf32>
      %lt3A_279 = arith.cmpf olt, %add3A_278, %min3A_219 : vector<16xf32>
      %broadcast_in_dim3A_280 = vector.broadcast %add3A_244 : i32 to vector<16xi32>
      %select_n3A_281 = arith.select %lt3A_279, %broadcast_in_dim3A_280, %select_n3A_218 : vector<16xi1>, vector<16xi32>
      %min3A_282 = arith.minimumf %min3A_219, %add3A_278 : vector<16xf32>
      %sub3A_283 = vector.broadcast %squeeze3A_240 : f32 to vector<16xf32>
      %sub3A_284 = arith.subf %get3A_115, %sub3A_283 : vector<16xf32>
      %abs3A_285 = math.absf %sub3A_284 : vector<16xf32>
      %add3A_286 = arith.constant 9.99999993E-9 : f32
      %add3A_287 = vector.broadcast %add3A_286 : f32 to vector<16xf32>
      %add3A_288 = arith.addf %abs3A_285, %add3A_287 : vector<16xf32>
      %sub3A_289 = vector.broadcast %squeeze3A_242 : f32 to vector<16xf32>
      %sub3A_290 = arith.subf %get3A_118, %sub3A_289 : vector<16xf32>
      %abs3A_291 = math.absf %sub3A_290 : vector<16xf32>
      %add3A_292 = arith.constant 9.99999993E-9 : f32
      %add3A_293 = vector.broadcast %add3A_292 : f32 to vector<16xf32>
      %add3A_294 = arith.addf %abs3A_291, %add3A_293 : vector<16xf32>
      %mul3A_295 = arith.mulf %add3A_288, %add3A_288 : vector<16xf32>
      %mul3A_296 = arith.mulf %add3A_294, %add3A_294 : vector<16xf32>
      %add3A_297 = arith.addf %mul3A_295, %mul3A_296 : vector<16xf32>
      %lt3A_298 = arith.cmpf olt, %add3A_297, %min3A_238 : vector<16xf32>
      %broadcast_in_dim3A_299 = vector.broadcast %add3A_244 : i32 to vector<16xi32>
      %select_n3A_300 = arith.select %lt3A_298, %broadcast_in_dim3A_299, %select_n3A_237 : vector<16xi1>, vector<16xi32>
      %min3A_301 = arith.minimumf %min3A_238, %add3A_297 : vector<16xf32>
      %slice3A_302 = vector.extract_strided_slice %get3A_172 {offsets = [2], sizes = [1], strides = [1]} : vector<16xf32> to vector<1xf32>
      %squeeze3A_303 = vector.extract %slice3A_302[0] : f32 from vector<1xf32>
      %slice3A_304 = vector.extract_strided_slice %get3A_177 {offsets = [2], sizes = [1], strides = [1]} : vector<16xf32> to vector<1xf32>
      %squeeze3A_305 = vector.extract %slice3A_304[0] : f32 from vector<1xf32>
      %add3A_306 = arith.constant 2 : i32
      %add3A_307 = arith.addi %mul3A_179, %add3A_306 : i32
      %sub3A_308 = vector.broadcast %squeeze3A_303 : f32 to vector<16xf32>
      %sub3A_309 = arith.subf %get3A_103, %sub3A_308 : vector<16xf32>
      %abs3A_310 = math.absf %sub3A_309 : vector<16xf32>
      %add3A_311 = arith.constant 9.99999993E-9 : f32
      %add3A_312 = vector.broadcast %add3A_311 : f32 to vector<16xf32>
      %add3A_313 = arith.addf %abs3A_310, %add3A_312 : vector<16xf32>
      %sub3A_314 = vector.broadcast %squeeze3A_305 : f32 to vector<16xf32>
      %sub3A_315 = arith.subf %get3A_106, %sub3A_314 : vector<16xf32>
      %abs3A_316 = math.absf %sub3A_315 : vector<16xf32>
      %add3A_317 = arith.constant 9.99999993E-9 : f32
      %add3A_318 = vector.broadcast %add3A_317 : f32 to vector<16xf32>
      %add3A_319 = arith.addf %abs3A_316, %add3A_318 : vector<16xf32>
      %mul3A_320 = arith.mulf %add3A_313, %add3A_313 : vector<16xf32>
      %mul3A_321 = arith.mulf %add3A_319, %add3A_319 : vector<16xf32>
      %add3A_322 = arith.addf %mul3A_320, %mul3A_321 : vector<16xf32>
      %lt3A_323 = arith.cmpf olt, %add3A_322, %min3A_263 : vector<16xf32>
      %broadcast_in_dim3A_324 = vector.broadcast %add3A_307 : i32 to vector<16xi32>
      %select_n3A_325 = arith.select %lt3A_323, %broadcast_in_dim3A_324, %select_n3A_262 : vector<16xi1>, vector<16xi32>
      %min3A_326 = arith.minimumf %min3A_263, %add3A_322 : vector<16xf32>
      %sub3A_327 = vector.broadcast %squeeze3A_303 : f32 to vector<16xf32>
      %sub3A_328 = arith.subf %get3A_109, %sub3A_327 : vector<16xf32>
      %abs3A_329 = math.absf %sub3A_328 : vector<16xf32>
      %add3A_330 = arith.constant 9.99999993E-9 : f32
      %add3A_331 = vector.broadcast %add3A_330 : f32 to vector<16xf32>
      %add3A_332 = arith.addf %abs3A_329, %add3A_331 : vector<16xf32>
      %sub3A_333 = vector.broadcast %squeeze3A_305 : f32 to vector<16xf32>
      %sub3A_334 = arith.subf %get3A_112, %sub3A_333 : vector<16xf32>
      %abs3A_335 = math.absf %sub3A_334 : vector<16xf32>
      %add3A_336 = arith.constant 9.99999993E-9 : f32
      %add3A_337 = vector.broadcast %add3A_336 : f32 to vector<16xf32>
      %add3A_338 = arith.addf %abs3A_335, %add3A_337 : vector<16xf32>
      %mul3A_339 = arith.mulf %add3A_332, %add3A_332 : vector<16xf32>
      %mul3A_340 = arith.mulf %add3A_338, %add3A_338 : vector<16xf32>
      %add3A_341 = arith.addf %mul3A_339, %mul3A_340 : vector<16xf32>
      %lt3A_342 = arith.cmpf olt, %add3A_341, %min3A_282 : vector<16xf32>
      %broadcast_in_dim3A_343 = vector.broadcast %add3A_307 : i32 to vector<16xi32>
      %select_n3A_344 = arith.select %lt3A_342, %broadcast_in_dim3A_343, %select_n3A_281 : vector<16xi1>, vector<16xi32>
      %min3A_345 = arith.minimumf %min3A_282, %add3A_341 : vector<16xf32>
      %sub3A_346 = vector.broadcast %squeeze3A_303 : f32 to vector<16xf32>
      %sub3A_347 = arith.subf %get3A_115, %sub3A_346 : vector<16xf32>
      %abs3A_348 = math.absf %sub3A_347 : vector<16xf32>
      %add3A_349 = arith.constant 9.99999993E-9 : f32
      %add3A_350 = vector.broadcast %add3A_349 : f32 to vector<16xf32>
      %add3A_351 = arith.addf %abs3A_348, %add3A_350 : vector<16xf32>
      %sub3A_352 = vector.broadcast %squeeze3A_305 : f32 to vector<16xf32>
      %sub3A_353 = arith.subf %get3A_118, %sub3A_352 : vector<16xf32>
      %abs3A_354 = math.absf %sub3A_353 : vector<16xf32>
      %add3A_355 = arith.constant 9.99999993E-9 : f32
      %add3A_356 = vector.broadcast %add3A_355 : f32 to vector<16xf32>
      %add3A_357 = arith.addf %abs3A_354, %add3A_356 : vector<16xf32>
      %mul3A_358 = arith.mulf %add3A_351, %add3A_351 : vector<16xf32>
      %mul3A_359 = arith.mulf %add3A_357, %add3A_357 : vector<16xf32>
      %add3A_360 = arith.addf %mul3A_358, %mul3A_359 : vector<16xf32>
      %lt3A_361 = arith.cmpf olt, %add3A_360, %min3A_301 : vector<16xf32>
      %broadcast_in_dim3A_362 = vector.broadcast %add3A_307 : i32 to vector<16xi32>
      %select_n3A_363 = arith.select %lt3A_361, %broadcast_in_dim3A_362, %select_n3A_300 : vector<16xi1>, vector<16xi32>
      %min3A_364 = arith.minimumf %min3A_301, %add3A_360 : vector<16xf32>
      %slice3A_365 = vector.extract_strided_slice %get3A_172 {offsets = [3], sizes = [1], strides = [1]} : vector<16xf32> to vector<1xf32>
      %squeeze3A_366 = vector.extract %slice3A_365[0] : f32 from vector<1xf32>
      %slice3A_367 = vector.extract_strided_slice %get3A_177 {offsets = [3], sizes = [1], strides = [1]} : vector<16xf32> to vector<1xf32>
      %squeeze3A_368 = vector.extract %slice3A_367[0] : f32 from vector<1xf32>
      %add3A_369 = arith.constant 3 : i32
      %add3A_370 = arith.addi %mul3A_179, %add3A_369 : i32
      %sub3A_371 = vector.broadcast %squeeze3A_366 : f32 to vector<16xf32>
      %sub3A_372 = arith.subf %get3A_103, %sub3A_371 : vector<16xf32>
      %abs3A_373 = math.absf %sub3A_372 : vector<16xf32>
      %add3A_374 = arith.constant 9.99999993E-9 : f32
      %add3A_375 = vector.broadcast %add3A_374 : f32 to vector<16xf32>
      %add3A_376 = arith.addf %abs3A_373, %add3A_375 : vector<16xf32>
      %sub3A_377 = vector.broadcast %squeeze3A_368 : f32 to vector<16xf32>
      %sub3A_378 = arith.subf %get3A_106, %sub3A_377 : vector<16xf32>
      %abs3A_379 = math.absf %sub3A_378 : vector<16xf32>
      %add3A_380 = arith.constant 9.99999993E-9 : f32
      %add3A_381 = vector.broadcast %add3A_380 : f32 to vector<16xf32>
      %add3A_382 = arith.addf %abs3A_379, %add3A_381 : vector<16xf32>
      %mul3A_383 = arith.mulf %add3A_376, %add3A_376 : vector<16xf32>
      %mul3A_384 = arith.mulf %add3A_382, %add3A_382 : vector<16xf32>
      %add3A_385 = arith.addf %mul3A_383, %mul3A_384 : vector<16xf32>
      %lt3A_386 = arith.cmpf olt, %add3A_385, %min3A_326 : vector<16xf32>
      %broadcast_in_dim3A_387 = vector.broadcast %add3A_370 : i32 to vector<16xi32>
      %select_n3A_388 = arith.select %lt3A_386, %broadcast_in_dim3A_387, %select_n3A_325 : vector<16xi1>, vector<16xi32>
      %min3A_389 = arith.minimumf %min3A_326, %add3A_385 : vector<16xf32>
      %sub3A_390 = vector.broadcast %squeeze3A_366 : f32 to vector<16xf32>
      %sub3A_391 = arith.subf %get3A_109, %sub3A_390 : vector<16xf32>
      %abs3A_392 = math.absf %sub3A_391 : vector<16xf32>
      %add3A_393 = arith.constant 9.99999993E-9 : f32
      %add3A_394 = vector.broadcast %add3A_393 : f32 to vector<16xf32>
      %add3A_395 = arith.addf %abs3A_392, %add3A_394 : vector<16xf32>
      %sub3A_396 = vector.broadcast %squeeze3A_368 : f32 to vector<16xf32>
      %sub3A_397 = arith.subf %get3A_112, %sub3A_396 : vector<16xf32>
      %abs3A_398 = math.absf %sub3A_397 : vector<16xf32>
      %add3A_399 = arith.constant 9.99999993E-9 : f32
      %add3A_400 = vector.broadcast %add3A_399 : f32 to vector<16xf32>
      %add3A_401 = arith.addf %abs3A_398, %add3A_400 : vector<16xf32>
      %mul3A_402 = arith.mulf %add3A_395, %add3A_395 : vector<16xf32>
      %mul3A_403 = arith.mulf %add3A_401, %add3A_401 : vector<16xf32>
      %add3A_404 = arith.addf %mul3A_402, %mul3A_403 : vector<16xf32>
      %lt3A_405 = arith.cmpf olt, %add3A_404, %min3A_345 : vector<16xf32>
      %broadcast_in_dim3A_406 = vector.broadcast %add3A_370 : i32 to vector<16xi32>
      %select_n3A_407 = arith.select %lt3A_405, %broadcast_in_dim3A_406, %select_n3A_344 : vector<16xi1>, vector<16xi32>
      %min3A_408 = arith.minimumf %min3A_345, %add3A_404 : vector<16xf32>
      %sub3A_409 = vector.broadcast %squeeze3A_366 : f32 to vector<16xf32>
      %sub3A_410 = arith.subf %get3A_115, %sub3A_409 : vector<16xf32>
      %abs3A_411 = math.absf %sub3A_410 : vector<16xf32>
      %add3A_412 = arith.constant 9.99999993E-9 : f32
      %add3A_413 = vector.broadcast %add3A_412 : f32 to vector<16xf32>
      %add3A_414 = arith.addf %abs3A_411, %add3A_413 : vector<16xf32>
      %sub3A_415 = vector.broadcast %squeeze3A_368 : f32 to vector<16xf32>
      %sub3A_416 = arith.subf %get3A_118, %sub3A_415 : vector<16xf32>
      %abs3A_417 = math.absf %sub3A_416 : vector<16xf32>
      %add3A_418 = arith.constant 9.99999993E-9 : f32
      %add3A_419 = vector.broadcast %add3A_418 : f32 to vector<16xf32>
      %add3A_420 = arith.addf %abs3A_417, %add3A_419 : vector<16xf32>
      %mul3A_421 = arith.mulf %add3A_414, %add3A_414 : vector<16xf32>
      %mul3A_422 = arith.mulf %add3A_420, %add3A_420 : vector<16xf32>
      %add3A_423 = arith.addf %mul3A_421, %mul3A_422 : vector<16xf32>
      %lt3A_424 = arith.cmpf olt, %add3A_423, %min3A_364 : vector<16xf32>
      %broadcast_in_dim3A_425 = vector.broadcast %add3A_370 : i32 to vector<16xi32>
      %select_n3A_426 = arith.select %lt3A_424, %broadcast_in_dim3A_425, %select_n3A_363 : vector<16xi1>, vector<16xi32>
      %min3A_427 = arith.minimumf %min3A_364, %add3A_423 : vector<16xf32>
      %slice3A_428 = vector.extract_strided_slice %get3A_172 {offsets = [4], sizes = [1], strides = [1]} : vector<16xf32> to vector<1xf32>
      %squeeze3A_429 = vector.extract %slice3A_428[0] : f32 from vector<1xf32>
      %slice3A_430 = vector.extract_strided_slice %get3A_177 {offsets = [4], sizes = [1], strides = [1]} : vector<16xf32> to vector<1xf32>
      %squeeze3A_431 = vector.extract %slice3A_430[0] : f32 from vector<1xf32>
      %add3A_432 = arith.constant 4 : i32
      %add3A_433 = arith.addi %mul3A_179, %add3A_432 : i32
      %sub3A_434 = vector.broadcast %squeeze3A_429 : f32 to vector<16xf32>
      %sub3A_435 = arith.subf %get3A_103, %sub3A_434 : vector<16xf32>
      %abs3A_436 = math.absf %sub3A_435 : vector<16xf32>
      %add3A_437 = arith.constant 9.99999993E-9 : f32
      %add3A_438 = vector.broadcast %add3A_437 : f32 to vector<16xf32>
      %add3A_439 = arith.addf %abs3A_436, %add3A_438 : vector<16xf32>
      %sub3A_440 = vector.broadcast %squeeze3A_431 : f32 to vector<16xf32>
      %sub3A_441 = arith.subf %get3A_106, %sub3A_440 : vector<16xf32>
      %abs3A_442 = math.absf %sub3A_441 : vector<16xf32>
      %add3A_443 = arith.constant 9.99999993E-9 : f32
      %add3A_444 = vector.broadcast %add3A_443 : f32 to vector<16xf32>
      %add3A_445 = arith.addf %abs3A_442, %add3A_444 : vector<16xf32>
      %mul3A_446 = arith.mulf %add3A_439, %add3A_439 : vector<16xf32>
      %mul3A_447 = arith.mulf %add3A_445, %add3A_445 : vector<16xf32>
      %add3A_448 = arith.addf %mul3A_446, %mul3A_447 : vector<16xf32>
      %lt3A_449 = arith.cmpf olt, %add3A_448, %min3A_389 : vector<16xf32>
      %broadcast_in_dim3A_450 = vector.broadcast %add3A_433 : i32 to vector<16xi32>
      %select_n3A_451 = arith.select %lt3A_449, %broadcast_in_dim3A_450, %select_n3A_388 : vector<16xi1>, vector<16xi32>
      %min3A_452 = arith.minimumf %min3A_389, %add3A_448 : vector<16xf32>
      %sub3A_453 = vector.broadcast %squeeze3A_429 : f32 to vector<16xf32>
      %sub3A_454 = arith.subf %get3A_109, %sub3A_453 : vector<16xf32>
      %abs3A_455 = math.absf %sub3A_454 : vector<16xf32>
      %add3A_456 = arith.constant 9.99999993E-9 : f32
      %add3A_457 = vector.broadcast %add3A_456 : f32 to vector<16xf32>
      %add3A_458 = arith.addf %abs3A_455, %add3A_457 : vector<16xf32>
      %sub3A_459 = vector.broadcast %squeeze3A_431 : f32 to vector<16xf32>
      %sub3A_460 = arith.subf %get3A_112, %sub3A_459 : vector<16xf32>
      %abs3A_461 = math.absf %sub3A_460 : vector<16xf32>
      %add3A_462 = arith.constant 9.99999993E-9 : f32
      %add3A_463 = vector.broadcast %add3A_462 : f32 to vector<16xf32>
      %add3A_464 = arith.addf %abs3A_461, %add3A_463 : vector<16xf32>
      %mul3A_465 = arith.mulf %add3A_458, %add3A_458 : vector<16xf32>
      %mul3A_466 = arith.mulf %add3A_464, %add3A_464 : vector<16xf32>
      %add3A_467 = arith.addf %mul3A_465, %mul3A_466 : vector<16xf32>
      %lt3A_468 = arith.cmpf olt, %add3A_467, %min3A_408 : vector<16xf32>
      %broadcast_in_dim3A_469 = vector.broadcast %add3A_433 : i32 to vector<16xi32>
      %select_n3A_470 = arith.select %lt3A_468, %broadcast_in_dim3A_469, %select_n3A_407 : vector<16xi1>, vector<16xi32>
      %min3A_471 = arith.minimumf %min3A_408, %add3A_467 : vector<16xf32>
      %sub3A_472 = vector.broadcast %squeeze3A_429 : f32 to vector<16xf32>
      %sub3A_473 = arith.subf %get3A_115, %sub3A_472 : vector<16xf32>
      %abs3A_474 = math.absf %sub3A_473 : vector<16xf32>
      %add3A_475 = arith.constant 9.99999993E-9 : f32
      %add3A_476 = vector.broadcast %add3A_475 : f32 to vector<16xf32>
      %add3A_477 = arith.addf %abs3A_474, %add3A_476 : vector<16xf32>
      %sub3A_478 = vector.broadcast %squeeze3A_431 : f32 to vector<16xf32>
      %sub3A_479 = arith.subf %get3A_118, %sub3A_478 : vector<16xf32>
      %abs3A_480 = math.absf %sub3A_479 : vector<16xf32>
      %add3A_481 = arith.constant 9.99999993E-9 : f32
      %add3A_482 = vector.broadcast %add3A_481 : f32 to vector<16xf32>
      %add3A_483 = arith.addf %abs3A_480, %add3A_482 : vector<16xf32>
      %mul3A_484 = arith.mulf %add3A_477, %add3A_477 : vector<16xf32>
      %mul3A_485 = arith.mulf %add3A_483, %add3A_483 : vector<16xf32>
      %add3A_486 = arith.addf %mul3A_484, %mul3A_485 : vector<16xf32>
      %lt3A_487 = arith.cmpf olt, %add3A_486, %min3A_427 : vector<16xf32>
      %broadcast_in_dim3A_488 = vector.broadcast %add3A_433 : i32 to vector<16xi32>
      %select_n3A_489 = arith.select %lt3A_487, %broadcast_in_dim3A_488, %select_n3A_426 : vector<16xi1>, vector<16xi32>
      %min3A_490 = arith.minimumf %min3A_427, %add3A_486 : vector<16xf32>
      %slice3A_491 = vector.extract_strided_slice %get3A_172 {offsets = [5], sizes = [1], strides = [1]} : vector<16xf32> to vector<1xf32>
      %squeeze3A_492 = vector.extract %slice3A_491[0] : f32 from vector<1xf32>
      %slice3A_493 = vector.extract_strided_slice %get3A_177 {offsets = [5], sizes = [1], strides = [1]} : vector<16xf32> to vector<1xf32>
      %squeeze3A_494 = vector.extract %slice3A_493[0] : f32 from vector<1xf32>
      %add3A_495 = arith.constant 5 : i32
      %add3A_496 = arith.addi %mul3A_179, %add3A_495 : i32
      %sub3A_497 = vector.broadcast %squeeze3A_492 : f32 to vector<16xf32>
      %sub3A_498 = arith.subf %get3A_103, %sub3A_497 : vector<16xf32>
      %abs3A_499 = math.absf %sub3A_498 : vector<16xf32>
      %add3A_500 = arith.constant 9.99999993E-9 : f32
      %add3A_501 = vector.broadcast %add3A_500 : f32 to vector<16xf32>
      %add3A_502 = arith.addf %abs3A_499, %add3A_501 : vector<16xf32>
      %sub3A_503 = vector.broadcast %squeeze3A_494 : f32 to vector<16xf32>
      %sub3A_504 = arith.subf %get3A_106, %sub3A_503 : vector<16xf32>
      %abs3A_505 = math.absf %sub3A_504 : vector<16xf32>
      %add3A_506 = arith.constant 9.99999993E-9 : f32
      %add3A_507 = vector.broadcast %add3A_506 : f32 to vector<16xf32>
      %add3A_508 = arith.addf %abs3A_505, %add3A_507 : vector<16xf32>
      %mul3A_509 = arith.mulf %add3A_502, %add3A_502 : vector<16xf32>
      %mul3A_510 = arith.mulf %add3A_508, %add3A_508 : vector<16xf32>
      %add3A_511 = arith.addf %mul3A_509, %mul3A_510 : vector<16xf32>
      %lt3A_512 = arith.cmpf olt, %add3A_511, %min3A_452 : vector<16xf32>
      %broadcast_in_dim3A_513 = vector.broadcast %add3A_496 : i32 to vector<16xi32>
      %select_n3A_514 = arith.select %lt3A_512, %broadcast_in_dim3A_513, %select_n3A_451 : vector<16xi1>, vector<16xi32>
      %min3A_515 = arith.minimumf %min3A_452, %add3A_511 : vector<16xf32>
      %sub3A_516 = vector.broadcast %squeeze3A_492 : f32 to vector<16xf32>
      %sub3A_517 = arith.subf %get3A_109, %sub3A_516 : vector<16xf32>
      %abs3A_518 = math.absf %sub3A_517 : vector<16xf32>
      %add3A_519 = arith.constant 9.99999993E-9 : f32
      %add3A_520 = vector.broadcast %add3A_519 : f32 to vector<16xf32>
      %add3A_521 = arith.addf %abs3A_518, %add3A_520 : vector<16xf32>
      %sub3A_522 = vector.broadcast %squeeze3A_494 : f32 to vector<16xf32>
      %sub3A_523 = arith.subf %get3A_112, %sub3A_522 : vector<16xf32>
      %abs3A_524 = math.absf %sub3A_523 : vector<16xf32>
      %add3A_525 = arith.constant 9.99999993E-9 : f32
      %add3A_526 = vector.broadcast %add3A_525 : f32 to vector<16xf32>
      %add3A_527 = arith.addf %abs3A_524, %add3A_526 : vector<16xf32>
      %mul3A_528 = arith.mulf %add3A_521, %add3A_521 : vector<16xf32>
      %mul3A_529 = arith.mulf %add3A_527, %add3A_527 : vector<16xf32>
      %add3A_530 = arith.addf %mul3A_528, %mul3A_529 : vector<16xf32>
      %lt3A_531 = arith.cmpf olt, %add3A_530, %min3A_471 : vector<16xf32>
      %broadcast_in_dim3A_532 = vector.broadcast %add3A_496 : i32 to vector<16xi32>
      %select_n3A_533 = arith.select %lt3A_531, %broadcast_in_dim3A_532, %select_n3A_470 : vector<16xi1>, vector<16xi32>
      %min3A_534 = arith.minimumf %min3A_471, %add3A_530 : vector<16xf32>
      %sub3A_535 = vector.broadcast %squeeze3A_492 : f32 to vector<16xf32>
      %sub3A_536 = arith.subf %get3A_115, %sub3A_535 : vector<16xf32>
      %abs3A_537 = math.absf %sub3A_536 : vector<16xf32>
      %add3A_538 = arith.constant 9.99999993E-9 : f32
      %add3A_539 = vector.broadcast %add3A_538 : f32 to vector<16xf32>
      %add3A_540 = arith.addf %abs3A_537, %add3A_539 : vector<16xf32>
      %sub3A_541 = vector.broadcast %squeeze3A_494 : f32 to vector<16xf32>
      %sub3A_542 = arith.subf %get3A_118, %sub3A_541 : vector<16xf32>
      %abs3A_543 = math.absf %sub3A_542 : vector<16xf32>
      %add3A_544 = arith.constant 9.99999993E-9 : f32
      %add3A_545 = vector.broadcast %add3A_544 : f32 to vector<16xf32>
      %add3A_546 = arith.addf %abs3A_543, %add3A_545 : vector<16xf32>
      %mul3A_547 = arith.mulf %add3A_540, %add3A_540 : vector<16xf32>
      %mul3A_548 = arith.mulf %add3A_546, %add3A_546 : vector<16xf32>
      %add3A_549 = arith.addf %mul3A_547, %mul3A_548 : vector<16xf32>
      %lt3A_550 = arith.cmpf olt, %add3A_549, %min3A_490 : vector<16xf32>
      %broadcast_in_dim3A_551 = vector.broadcast %add3A_496 : i32 to vector<16xi32>
      %select_n3A_552 = arith.select %lt3A_550, %broadcast_in_dim3A_551, %select_n3A_489 : vector<16xi1>, vector<16xi32>
      %min3A_553 = arith.minimumf %min3A_490, %add3A_549 : vector<16xf32>
      %slice3A_554 = vector.extract_strided_slice %get3A_172 {offsets = [6], sizes = [1], strides = [1]} : vector<16xf32> to vector<1xf32>
      %squeeze3A_555 = vector.extract %slice3A_554[0] : f32 from vector<1xf32>
      %slice3A_556 = vector.extract_strided_slice %get3A_177 {offsets = [6], sizes = [1], strides = [1]} : vector<16xf32> to vector<1xf32>
      %squeeze3A_557 = vector.extract %slice3A_556[0] : f32 from vector<1xf32>
      %add3A_558 = arith.constant 6 : i32
      %add3A_559 = arith.addi %mul3A_179, %add3A_558 : i32
      %sub3A_560 = vector.broadcast %squeeze3A_555 : f32 to vector<16xf32>
      %sub3A_561 = arith.subf %get3A_103, %sub3A_560 : vector<16xf32>
      %abs3A_562 = math.absf %sub3A_561 : vector<16xf32>
      %add3A_563 = arith.constant 9.99999993E-9 : f32
      %add3A_564 = vector.broadcast %add3A_563 : f32 to vector<16xf32>
      %add3A_565 = arith.addf %abs3A_562, %add3A_564 : vector<16xf32>
      %sub3A_566 = vector.broadcast %squeeze3A_557 : f32 to vector<16xf32>
      %sub3A_567 = arith.subf %get3A_106, %sub3A_566 : vector<16xf32>
      %abs3A_568 = math.absf %sub3A_567 : vector<16xf32>
      %add3A_569 = arith.constant 9.99999993E-9 : f32
      %add3A_570 = vector.broadcast %add3A_569 : f32 to vector<16xf32>
      %add3A_571 = arith.addf %abs3A_568, %add3A_570 : vector<16xf32>
      %mul3A_572 = arith.mulf %add3A_565, %add3A_565 : vector<16xf32>
      %mul3A_573 = arith.mulf %add3A_571, %add3A_571 : vector<16xf32>
      %add3A_574 = arith.addf %mul3A_572, %mul3A_573 : vector<16xf32>
      %lt3A_575 = arith.cmpf olt, %add3A_574, %min3A_515 : vector<16xf32>
      %broadcast_in_dim3A_576 = vector.broadcast %add3A_559 : i32 to vector<16xi32>
      %select_n3A_577 = arith.select %lt3A_575, %broadcast_in_dim3A_576, %select_n3A_514 : vector<16xi1>, vector<16xi32>
      %min3A_578 = arith.minimumf %min3A_515, %add3A_574 : vector<16xf32>
      %sub3A_579 = vector.broadcast %squeeze3A_555 : f32 to vector<16xf32>
      %sub3A_580 = arith.subf %get3A_109, %sub3A_579 : vector<16xf32>
      %abs3A_581 = math.absf %sub3A_580 : vector<16xf32>
      %add3A_582 = arith.constant 9.99999993E-9 : f32
      %add3A_583 = vector.broadcast %add3A_582 : f32 to vector<16xf32>
      %add3A_584 = arith.addf %abs3A_581, %add3A_583 : vector<16xf32>
      %sub3A_585 = vector.broadcast %squeeze3A_557 : f32 to vector<16xf32>
      %sub3A_586 = arith.subf %get3A_112, %sub3A_585 : vector<16xf32>
      %abs3A_587 = math.absf %sub3A_586 : vector<16xf32>
      %add3A_588 = arith.constant 9.99999993E-9 : f32
      %add3A_589 = vector.broadcast %add3A_588 : f32 to vector<16xf32>
      %add3A_590 = arith.addf %abs3A_587, %add3A_589 : vector<16xf32>
      %mul3A_591 = arith.mulf %add3A_584, %add3A_584 : vector<16xf32>
      %mul3A_592 = arith.mulf %add3A_590, %add3A_590 : vector<16xf32>
      %add3A_593 = arith.addf %mul3A_591, %mul3A_592 : vector<16xf32>
      %lt3A_594 = arith.cmpf olt, %add3A_593, %min3A_534 : vector<16xf32>
      %broadcast_in_dim3A_595 = vector.broadcast %add3A_559 : i32 to vector<16xi32>
      %select_n3A_596 = arith.select %lt3A_594, %broadcast_in_dim3A_595, %select_n3A_533 : vector<16xi1>, vector<16xi32>
      %min3A_597 = arith.minimumf %min3A_534, %add3A_593 : vector<16xf32>
      %sub3A_598 = vector.broadcast %squeeze3A_555 : f32 to vector<16xf32>
      %sub3A_599 = arith.subf %get3A_115, %sub3A_598 : vector<16xf32>
      %abs3A_600 = math.absf %sub3A_599 : vector<16xf32>
      %add3A_601 = arith.constant 9.99999993E-9 : f32
      %add3A_602 = vector.broadcast %add3A_601 : f32 to vector<16xf32>
      %add3A_603 = arith.addf %abs3A_600, %add3A_602 : vector<16xf32>
      %sub3A_604 = vector.broadcast %squeeze3A_557 : f32 to vector<16xf32>
      %sub3A_605 = arith.subf %get3A_118, %sub3A_604 : vector<16xf32>
      %abs3A_606 = math.absf %sub3A_605 : vector<16xf32>
      %add3A_607 = arith.constant 9.99999993E-9 : f32
      %add3A_608 = vector.broadcast %add3A_607 : f32 to vector<16xf32>
      %add3A_609 = arith.addf %abs3A_606, %add3A_608 : vector<16xf32>
      %mul3A_610 = arith.mulf %add3A_603, %add3A_603 : vector<16xf32>
      %mul3A_611 = arith.mulf %add3A_609, %add3A_609 : vector<16xf32>
      %add3A_612 = arith.addf %mul3A_610, %mul3A_611 : vector<16xf32>
      %lt3A_613 = arith.cmpf olt, %add3A_612, %min3A_553 : vector<16xf32>
      %broadcast_in_dim3A_614 = vector.broadcast %add3A_559 : i32 to vector<16xi32>
      %select_n3A_615 = arith.select %lt3A_613, %broadcast_in_dim3A_614, %select_n3A_552 : vector<16xi1>, vector<16xi32>
      %min3A_616 = arith.minimumf %min3A_553, %add3A_612 : vector<16xf32>
      %slice3A_617 = vector.extract_strided_slice %get3A_172 {offsets = [7], sizes = [1], strides = [1]} : vector<16xf32> to vector<1xf32>
      %squeeze3A_618 = vector.extract %slice3A_617[0] : f32 from vector<1xf32>
      %slice3A_619 = vector.extract_strided_slice %get3A_177 {offsets = [7], sizes = [1], strides = [1]} : vector<16xf32> to vector<1xf32>
      %squeeze3A_620 = vector.extract %slice3A_619[0] : f32 from vector<1xf32>
      %add3A_621 = arith.constant 7 : i32
      %add3A_622 = arith.addi %mul3A_179, %add3A_621 : i32
      %sub3A_623 = vector.broadcast %squeeze3A_618 : f32 to vector<16xf32>
      %sub3A_624 = arith.subf %get3A_103, %sub3A_623 : vector<16xf32>
      %abs3A_625 = math.absf %sub3A_624 : vector<16xf32>
      %add3A_626 = arith.constant 9.99999993E-9 : f32
      %add3A_627 = vector.broadcast %add3A_626 : f32 to vector<16xf32>
      %add3A_628 = arith.addf %abs3A_625, %add3A_627 : vector<16xf32>
      %sub3A_629 = vector.broadcast %squeeze3A_620 : f32 to vector<16xf32>
      %sub3A_630 = arith.subf %get3A_106, %sub3A_629 : vector<16xf32>
      %abs3A_631 = math.absf %sub3A_630 : vector<16xf32>
      %add3A_632 = arith.constant 9.99999993E-9 : f32
      %add3A_633 = vector.broadcast %add3A_632 : f32 to vector<16xf32>
      %add3A_634 = arith.addf %abs3A_631, %add3A_633 : vector<16xf32>
      %mul3A_635 = arith.mulf %add3A_628, %add3A_628 : vector<16xf32>
      %mul3A_636 = arith.mulf %add3A_634, %add3A_634 : vector<16xf32>
      %add3A_637 = arith.addf %mul3A_635, %mul3A_636 : vector<16xf32>
      %lt3A_638 = arith.cmpf olt, %add3A_637, %min3A_578 : vector<16xf32>
      %broadcast_in_dim3A_639 = vector.broadcast %add3A_622 : i32 to vector<16xi32>
      %select_n3A_640 = arith.select %lt3A_638, %broadcast_in_dim3A_639, %select_n3A_577 : vector<16xi1>, vector<16xi32>
      %min3A_641 = arith.minimumf %min3A_578, %add3A_637 : vector<16xf32>
      %sub3A_642 = vector.broadcast %squeeze3A_618 : f32 to vector<16xf32>
      %sub3A_643 = arith.subf %get3A_109, %sub3A_642 : vector<16xf32>
      %abs3A_644 = math.absf %sub3A_643 : vector<16xf32>
      %add3A_645 = arith.constant 9.99999993E-9 : f32
      %add3A_646 = vector.broadcast %add3A_645 : f32 to vector<16xf32>
      %add3A_647 = arith.addf %abs3A_644, %add3A_646 : vector<16xf32>
      %sub3A_648 = vector.broadcast %squeeze3A_620 : f32 to vector<16xf32>
      %sub3A_649 = arith.subf %get3A_112, %sub3A_648 : vector<16xf32>
      %abs3A_650 = math.absf %sub3A_649 : vector<16xf32>
      %add3A_651 = arith.constant 9.99999993E-9 : f32
      %add3A_652 = vector.broadcast %add3A_651 : f32 to vector<16xf32>
      %add3A_653 = arith.addf %abs3A_650, %add3A_652 : vector<16xf32>
      %mul3A_654 = arith.mulf %add3A_647, %add3A_647 : vector<16xf32>
      %mul3A_655 = arith.mulf %add3A_653, %add3A_653 : vector<16xf32>
      %add3A_656 = arith.addf %mul3A_654, %mul3A_655 : vector<16xf32>
      %lt3A_657 = arith.cmpf olt, %add3A_656, %min3A_597 : vector<16xf32>
      %broadcast_in_dim3A_658 = vector.broadcast %add3A_622 : i32 to vector<16xi32>
      %select_n3A_659 = arith.select %lt3A_657, %broadcast_in_dim3A_658, %select_n3A_596 : vector<16xi1>, vector<16xi32>
      %min3A_660 = arith.minimumf %min3A_597, %add3A_656 : vector<16xf32>
      %sub3A_661 = vector.broadcast %squeeze3A_618 : f32 to vector<16xf32>
      %sub3A_662 = arith.subf %get3A_115, %sub3A_661 : vector<16xf32>
      %abs3A_663 = math.absf %sub3A_662 : vector<16xf32>
      %add3A_664 = arith.constant 9.99999993E-9 : f32
      %add3A_665 = vector.broadcast %add3A_664 : f32 to vector<16xf32>
      %add3A_666 = arith.addf %abs3A_663, %add3A_665 : vector<16xf32>
      %sub3A_667 = vector.broadcast %squeeze3A_620 : f32 to vector<16xf32>
      %sub3A_668 = arith.subf %get3A_118, %sub3A_667 : vector<16xf32>
      %abs3A_669 = math.absf %sub3A_668 : vector<16xf32>
      %add3A_670 = arith.constant 9.99999993E-9 : f32
      %add3A_671 = vector.broadcast %add3A_670 : f32 to vector<16xf32>
      %add3A_672 = arith.addf %abs3A_669, %add3A_671 : vector<16xf32>
      %mul3A_673 = arith.mulf %add3A_666, %add3A_666 : vector<16xf32>
      %mul3A_674 = arith.mulf %add3A_672, %add3A_672 : vector<16xf32>
      %add3A_675 = arith.addf %mul3A_673, %mul3A_674 : vector<16xf32>
      %lt3A_676 = arith.cmpf olt, %add3A_675, %min3A_616 : vector<16xf32>
      %broadcast_in_dim3A_677 = vector.broadcast %add3A_622 : i32 to vector<16xi32>
      %select_n3A_678 = arith.select %lt3A_676, %broadcast_in_dim3A_677, %select_n3A_615 : vector<16xi1>, vector<16xi32>
      %min3A_679 = arith.minimumf %min3A_616, %add3A_675 : vector<16xf32>
      %slice3A_680 = vector.extract_strided_slice %get3A_172 {offsets = [8], sizes = [1], strides = [1]} : vector<16xf32> to vector<1xf32>
      %squeeze3A_681 = vector.extract %slice3A_680[0] : f32 from vector<1xf32>
      %slice3A_682 = vector.extract_strided_slice %get3A_177 {offsets = [8], sizes = [1], strides = [1]} : vector<16xf32> to vector<1xf32>
      %squeeze3A_683 = vector.extract %slice3A_682[0] : f32 from vector<1xf32>
      %add3A_684 = arith.constant 8 : i32
      %add3A_685 = arith.addi %mul3A_179, %add3A_684 : i32
      %sub3A_686 = vector.broadcast %squeeze3A_681 : f32 to vector<16xf32>
      %sub3A_687 = arith.subf %get3A_103, %sub3A_686 : vector<16xf32>
      %abs3A_688 = math.absf %sub3A_687 : vector<16xf32>
      %add3A_689 = arith.constant 9.99999993E-9 : f32
      %add3A_690 = vector.broadcast %add3A_689 : f32 to vector<16xf32>
      %add3A_691 = arith.addf %abs3A_688, %add3A_690 : vector<16xf32>
      %sub3A_692 = vector.broadcast %squeeze3A_683 : f32 to vector<16xf32>
      %sub3A_693 = arith.subf %get3A_106, %sub3A_692 : vector<16xf32>
      %abs3A_694 = math.absf %sub3A_693 : vector<16xf32>
      %add3A_695 = arith.constant 9.99999993E-9 : f32
      %add3A_696 = vector.broadcast %add3A_695 : f32 to vector<16xf32>
      %add3A_697 = arith.addf %abs3A_694, %add3A_696 : vector<16xf32>
      %mul3A_698 = arith.mulf %add3A_691, %add3A_691 : vector<16xf32>
      %mul3A_699 = arith.mulf %add3A_697, %add3A_697 : vector<16xf32>
      %add3A_700 = arith.addf %mul3A_698, %mul3A_699 : vector<16xf32>
      %lt3A_701 = arith.cmpf olt, %add3A_700, %min3A_641 : vector<16xf32>
      %broadcast_in_dim3A_702 = vector.broadcast %add3A_685 : i32 to vector<16xi32>
      %select_n3A_703 = arith.select %lt3A_701, %broadcast_in_dim3A_702, %select_n3A_640 : vector<16xi1>, vector<16xi32>
      %min3A_704 = arith.minimumf %min3A_641, %add3A_700 : vector<16xf32>
      %sub3A_705 = vector.broadcast %squeeze3A_681 : f32 to vector<16xf32>
      %sub3A_706 = arith.subf %get3A_109, %sub3A_705 : vector<16xf32>
      %abs3A_707 = math.absf %sub3A_706 : vector<16xf32>
      %add3A_708 = arith.constant 9.99999993E-9 : f32
      %add3A_709 = vector.broadcast %add3A_708 : f32 to vector<16xf32>
      %add3A_710 = arith.addf %abs3A_707, %add3A_709 : vector<16xf32>
      %sub3A_711 = vector.broadcast %squeeze3A_683 : f32 to vector<16xf32>
      %sub3A_712 = arith.subf %get3A_112, %sub3A_711 : vector<16xf32>
      %abs3A_713 = math.absf %sub3A_712 : vector<16xf32>
      %add3A_714 = arith.constant 9.99999993E-9 : f32
      %add3A_715 = vector.broadcast %add3A_714 : f32 to vector<16xf32>
      %add3A_716 = arith.addf %abs3A_713, %add3A_715 : vector<16xf32>
      %mul3A_717 = arith.mulf %add3A_710, %add3A_710 : vector<16xf32>
      %mul3A_718 = arith.mulf %add3A_716, %add3A_716 : vector<16xf32>
      %add3A_719 = arith.addf %mul3A_717, %mul3A_718 : vector<16xf32>
      %lt3A_720 = arith.cmpf olt, %add3A_719, %min3A_660 : vector<16xf32>
      %broadcast_in_dim3A_721 = vector.broadcast %add3A_685 : i32 to vector<16xi32>
      %select_n3A_722 = arith.select %lt3A_720, %broadcast_in_dim3A_721, %select_n3A_659 : vector<16xi1>, vector<16xi32>
      %min3A_723 = arith.minimumf %min3A_660, %add3A_719 : vector<16xf32>
      %sub3A_724 = vector.broadcast %squeeze3A_681 : f32 to vector<16xf32>
      %sub3A_725 = arith.subf %get3A_115, %sub3A_724 : vector<16xf32>
      %abs3A_726 = math.absf %sub3A_725 : vector<16xf32>
      %add3A_727 = arith.constant 9.99999993E-9 : f32
      %add3A_728 = vector.broadcast %add3A_727 : f32 to vector<16xf32>
      %add3A_729 = arith.addf %abs3A_726, %add3A_728 : vector<16xf32>
      %sub3A_730 = vector.broadcast %squeeze3A_683 : f32 to vector<16xf32>
      %sub3A_731 = arith.subf %get3A_118, %sub3A_730 : vector<16xf32>
      %abs3A_732 = math.absf %sub3A_731 : vector<16xf32>
      %add3A_733 = arith.constant 9.99999993E-9 : f32
      %add3A_734 = vector.broadcast %add3A_733 : f32 to vector<16xf32>
      %add3A_735 = arith.addf %abs3A_732, %add3A_734 : vector<16xf32>
      %mul3A_736 = arith.mulf %add3A_729, %add3A_729 : vector<16xf32>
      %mul3A_737 = arith.mulf %add3A_735, %add3A_735 : vector<16xf32>
      %add3A_738 = arith.addf %mul3A_736, %mul3A_737 : vector<16xf32>
      %lt3A_739 = arith.cmpf olt, %add3A_738, %min3A_679 : vector<16xf32>
      %broadcast_in_dim3A_740 = vector.broadcast %add3A_685 : i32 to vector<16xi32>
      %select_n3A_741 = arith.select %lt3A_739, %broadcast_in_dim3A_740, %select_n3A_678 : vector<16xi1>, vector<16xi32>
      %min3A_742 = arith.minimumf %min3A_679, %add3A_738 : vector<16xf32>
      %slice3A_743 = vector.extract_strided_slice %get3A_172 {offsets = [9], sizes = [1], strides = [1]} : vector<16xf32> to vector<1xf32>
      %squeeze3A_744 = vector.extract %slice3A_743[0] : f32 from vector<1xf32>
      %slice3A_745 = vector.extract_strided_slice %get3A_177 {offsets = [9], sizes = [1], strides = [1]} : vector<16xf32> to vector<1xf32>
      %squeeze3A_746 = vector.extract %slice3A_745[0] : f32 from vector<1xf32>
      %add3A_747 = arith.constant 9 : i32
      %add3A_748 = arith.addi %mul3A_179, %add3A_747 : i32
      %sub3A_749 = vector.broadcast %squeeze3A_744 : f32 to vector<16xf32>
      %sub3A_750 = arith.subf %get3A_103, %sub3A_749 : vector<16xf32>
      %abs3A_751 = math.absf %sub3A_750 : vector<16xf32>
      %add3A_752 = arith.constant 9.99999993E-9 : f32
      %add3A_753 = vector.broadcast %add3A_752 : f32 to vector<16xf32>
      %add3A_754 = arith.addf %abs3A_751, %add3A_753 : vector<16xf32>
      %sub3A_755 = vector.broadcast %squeeze3A_746 : f32 to vector<16xf32>
      %sub3A_756 = arith.subf %get3A_106, %sub3A_755 : vector<16xf32>
      %abs3A_757 = math.absf %sub3A_756 : vector<16xf32>
      %add3A_758 = arith.constant 9.99999993E-9 : f32
      %add3A_759 = vector.broadcast %add3A_758 : f32 to vector<16xf32>
      %add3A_760 = arith.addf %abs3A_757, %add3A_759 : vector<16xf32>
      %mul3A_761 = arith.mulf %add3A_754, %add3A_754 : vector<16xf32>
      %mul3A_762 = arith.mulf %add3A_760, %add3A_760 : vector<16xf32>
      %add3A_763 = arith.addf %mul3A_761, %mul3A_762 : vector<16xf32>
      %lt3A_764 = arith.cmpf olt, %add3A_763, %min3A_704 : vector<16xf32>
      %broadcast_in_dim3A_765 = vector.broadcast %add3A_748 : i32 to vector<16xi32>
      %select_n3A_766 = arith.select %lt3A_764, %broadcast_in_dim3A_765, %select_n3A_703 : vector<16xi1>, vector<16xi32>
      %min3A_767 = arith.minimumf %min3A_704, %add3A_763 : vector<16xf32>
      %sub3A_768 = vector.broadcast %squeeze3A_744 : f32 to vector<16xf32>
      %sub3A_769 = arith.subf %get3A_109, %sub3A_768 : vector<16xf32>
      %abs3A_770 = math.absf %sub3A_769 : vector<16xf32>
      %add3A_771 = arith.constant 9.99999993E-9 : f32
      %add3A_772 = vector.broadcast %add3A_771 : f32 to vector<16xf32>
      %add3A_773 = arith.addf %abs3A_770, %add3A_772 : vector<16xf32>
      %sub3A_774 = vector.broadcast %squeeze3A_746 : f32 to vector<16xf32>
      %sub3A_775 = arith.subf %get3A_112, %sub3A_774 : vector<16xf32>
      %abs3A_776 = math.absf %sub3A_775 : vector<16xf32>
      %add3A_777 = arith.constant 9.99999993E-9 : f32
      %add3A_778 = vector.broadcast %add3A_777 : f32 to vector<16xf32>
      %add3A_779 = arith.addf %abs3A_776, %add3A_778 : vector<16xf32>
      %mul3A_780 = arith.mulf %add3A_773, %add3A_773 : vector<16xf32>
      %mul3A_781 = arith.mulf %add3A_779, %add3A_779 : vector<16xf32>
      %add3A_782 = arith.addf %mul3A_780, %mul3A_781 : vector<16xf32>
      %lt3A_783 = arith.cmpf olt, %add3A_782, %min3A_723 : vector<16xf32>
      %broadcast_in_dim3A_784 = vector.broadcast %add3A_748 : i32 to vector<16xi32>
      %select_n3A_785 = arith.select %lt3A_783, %broadcast_in_dim3A_784, %select_n3A_722 : vector<16xi1>, vector<16xi32>
      %min3A_786 = arith.minimumf %min3A_723, %add3A_782 : vector<16xf32>
      %sub3A_787 = vector.broadcast %squeeze3A_744 : f32 to vector<16xf32>
      %sub3A_788 = arith.subf %get3A_115, %sub3A_787 : vector<16xf32>
      %abs3A_789 = math.absf %sub3A_788 : vector<16xf32>
      %add3A_790 = arith.constant 9.99999993E-9 : f32
      %add3A_791 = vector.broadcast %add3A_790 : f32 to vector<16xf32>
      %add3A_792 = arith.addf %abs3A_789, %add3A_791 : vector<16xf32>
      %sub3A_793 = vector.broadcast %squeeze3A_746 : f32 to vector<16xf32>
      %sub3A_794 = arith.subf %get3A_118, %sub3A_793 : vector<16xf32>
      %abs3A_795 = math.absf %sub3A_794 : vector<16xf32>
      %add3A_796 = arith.constant 9.99999993E-9 : f32
      %add3A_797 = vector.broadcast %add3A_796 : f32 to vector<16xf32>
      %add3A_798 = arith.addf %abs3A_795, %add3A_797 : vector<16xf32>
      %mul3A_799 = arith.mulf %add3A_792, %add3A_792 : vector<16xf32>
      %mul3A_800 = arith.mulf %add3A_798, %add3A_798 : vector<16xf32>
      %add3A_801 = arith.addf %mul3A_799, %mul3A_800 : vector<16xf32>
      %lt3A_802 = arith.cmpf olt, %add3A_801, %min3A_742 : vector<16xf32>
      %broadcast_in_dim3A_803 = vector.broadcast %add3A_748 : i32 to vector<16xi32>
      %select_n3A_804 = arith.select %lt3A_802, %broadcast_in_dim3A_803, %select_n3A_741 : vector<16xi1>, vector<16xi32>
      %min3A_805 = arith.minimumf %min3A_742, %add3A_801 : vector<16xf32>
      %slice3A_806 = vector.extract_strided_slice %get3A_172 {offsets = [10], sizes = [1], strides = [1]} : vector<16xf32> to vector<1xf32>
      %squeeze3A_807 = vector.extract %slice3A_806[0] : f32 from vector<1xf32>
      %slice3A_808 = vector.extract_strided_slice %get3A_177 {offsets = [10], sizes = [1], strides = [1]} : vector<16xf32> to vector<1xf32>
      %squeeze3A_809 = vector.extract %slice3A_808[0] : f32 from vector<1xf32>
      %add3A_810 = arith.constant 10 : i32
      %add3A_811 = arith.addi %mul3A_179, %add3A_810 : i32
      %sub3A_812 = vector.broadcast %squeeze3A_807 : f32 to vector<16xf32>
      %sub3A_813 = arith.subf %get3A_103, %sub3A_812 : vector<16xf32>
      %abs3A_814 = math.absf %sub3A_813 : vector<16xf32>
      %add3A_815 = arith.constant 9.99999993E-9 : f32
      %add3A_816 = vector.broadcast %add3A_815 : f32 to vector<16xf32>
      %add3A_817 = arith.addf %abs3A_814, %add3A_816 : vector<16xf32>
      %sub3A_818 = vector.broadcast %squeeze3A_809 : f32 to vector<16xf32>
      %sub3A_819 = arith.subf %get3A_106, %sub3A_818 : vector<16xf32>
      %abs3A_820 = math.absf %sub3A_819 : vector<16xf32>
      %add3A_821 = arith.constant 9.99999993E-9 : f32
      %add3A_822 = vector.broadcast %add3A_821 : f32 to vector<16xf32>
      %add3A_823 = arith.addf %abs3A_820, %add3A_822 : vector<16xf32>
      %mul3A_824 = arith.mulf %add3A_817, %add3A_817 : vector<16xf32>
      %mul3A_825 = arith.mulf %add3A_823, %add3A_823 : vector<16xf32>
      %add3A_826 = arith.addf %mul3A_824, %mul3A_825 : vector<16xf32>
      %lt3A_827 = arith.cmpf olt, %add3A_826, %min3A_767 : vector<16xf32>
      %broadcast_in_dim3A_828 = vector.broadcast %add3A_811 : i32 to vector<16xi32>
      %select_n3A_829 = arith.select %lt3A_827, %broadcast_in_dim3A_828, %select_n3A_766 : vector<16xi1>, vector<16xi32>
      %min3A_830 = arith.minimumf %min3A_767, %add3A_826 : vector<16xf32>
      %sub3A_831 = vector.broadcast %squeeze3A_807 : f32 to vector<16xf32>
      %sub3A_832 = arith.subf %get3A_109, %sub3A_831 : vector<16xf32>
      %abs3A_833 = math.absf %sub3A_832 : vector<16xf32>
      %add3A_834 = arith.constant 9.99999993E-9 : f32
      %add3A_835 = vector.broadcast %add3A_834 : f32 to vector<16xf32>
      %add3A_836 = arith.addf %abs3A_833, %add3A_835 : vector<16xf32>
      %sub3A_837 = vector.broadcast %squeeze3A_809 : f32 to vector<16xf32>
      %sub3A_838 = arith.subf %get3A_112, %sub3A_837 : vector<16xf32>
      %abs3A_839 = math.absf %sub3A_838 : vector<16xf32>
      %add3A_840 = arith.constant 9.99999993E-9 : f32
      %add3A_841 = vector.broadcast %add3A_840 : f32 to vector<16xf32>
      %add3A_842 = arith.addf %abs3A_839, %add3A_841 : vector<16xf32>
      %mul3A_843 = arith.mulf %add3A_836, %add3A_836 : vector<16xf32>
      %mul3A_844 = arith.mulf %add3A_842, %add3A_842 : vector<16xf32>
      %add3A_845 = arith.addf %mul3A_843, %mul3A_844 : vector<16xf32>
      %lt3A_846 = arith.cmpf olt, %add3A_845, %min3A_786 : vector<16xf32>
      %broadcast_in_dim3A_847 = vector.broadcast %add3A_811 : i32 to vector<16xi32>
      %select_n3A_848 = arith.select %lt3A_846, %broadcast_in_dim3A_847, %select_n3A_785 : vector<16xi1>, vector<16xi32>
      %min3A_849 = arith.minimumf %min3A_786, %add3A_845 : vector<16xf32>
      %sub3A_850 = vector.broadcast %squeeze3A_807 : f32 to vector<16xf32>
      %sub3A_851 = arith.subf %get3A_115, %sub3A_850 : vector<16xf32>
      %abs3A_852 = math.absf %sub3A_851 : vector<16xf32>
      %add3A_853 = arith.constant 9.99999993E-9 : f32
      %add3A_854 = vector.broadcast %add3A_853 : f32 to vector<16xf32>
      %add3A_855 = arith.addf %abs3A_852, %add3A_854 : vector<16xf32>
      %sub3A_856 = vector.broadcast %squeeze3A_809 : f32 to vector<16xf32>
      %sub3A_857 = arith.subf %get3A_118, %sub3A_856 : vector<16xf32>
      %abs3A_858 = math.absf %sub3A_857 : vector<16xf32>
      %add3A_859 = arith.constant 9.99999993E-9 : f32
      %add3A_860 = vector.broadcast %add3A_859 : f32 to vector<16xf32>
      %add3A_861 = arith.addf %abs3A_858, %add3A_860 : vector<16xf32>
      %mul3A_862 = arith.mulf %add3A_855, %add3A_855 : vector<16xf32>
      %mul3A_863 = arith.mulf %add3A_861, %add3A_861 : vector<16xf32>
      %add3A_864 = arith.addf %mul3A_862, %mul3A_863 : vector<16xf32>
      %lt3A_865 = arith.cmpf olt, %add3A_864, %min3A_805 : vector<16xf32>
      %broadcast_in_dim3A_866 = vector.broadcast %add3A_811 : i32 to vector<16xi32>
      %select_n3A_867 = arith.select %lt3A_865, %broadcast_in_dim3A_866, %select_n3A_804 : vector<16xi1>, vector<16xi32>
      %min3A_868 = arith.minimumf %min3A_805, %add3A_864 : vector<16xf32>
      %slice3A_869 = vector.extract_strided_slice %get3A_172 {offsets = [11], sizes = [1], strides = [1]} : vector<16xf32> to vector<1xf32>
      %squeeze3A_870 = vector.extract %slice3A_869[0] : f32 from vector<1xf32>
      %slice3A_871 = vector.extract_strided_slice %get3A_177 {offsets = [11], sizes = [1], strides = [1]} : vector<16xf32> to vector<1xf32>
      %squeeze3A_872 = vector.extract %slice3A_871[0] : f32 from vector<1xf32>
      %add3A_873 = arith.constant 11 : i32
      %add3A_874 = arith.addi %mul3A_179, %add3A_873 : i32
      %sub3A_875 = vector.broadcast %squeeze3A_870 : f32 to vector<16xf32>
      %sub3A_876 = arith.subf %get3A_103, %sub3A_875 : vector<16xf32>
      %abs3A_877 = math.absf %sub3A_876 : vector<16xf32>
      %add3A_878 = arith.constant 9.99999993E-9 : f32
      %add3A_879 = vector.broadcast %add3A_878 : f32 to vector<16xf32>
      %add3A_880 = arith.addf %abs3A_877, %add3A_879 : vector<16xf32>
      %sub3A_881 = vector.broadcast %squeeze3A_872 : f32 to vector<16xf32>
      %sub3A_882 = arith.subf %get3A_106, %sub3A_881 : vector<16xf32>
      %abs3A_883 = math.absf %sub3A_882 : vector<16xf32>
      %add3A_884 = arith.constant 9.99999993E-9 : f32
      %add3A_885 = vector.broadcast %add3A_884 : f32 to vector<16xf32>
      %add3A_886 = arith.addf %abs3A_883, %add3A_885 : vector<16xf32>
      %mul3A_887 = arith.mulf %add3A_880, %add3A_880 : vector<16xf32>
      %mul3A_888 = arith.mulf %add3A_886, %add3A_886 : vector<16xf32>
      %add3A_889 = arith.addf %mul3A_887, %mul3A_888 : vector<16xf32>
      %lt3A_890 = arith.cmpf olt, %add3A_889, %min3A_830 : vector<16xf32>
      %broadcast_in_dim3A_891 = vector.broadcast %add3A_874 : i32 to vector<16xi32>
      %select_n3A_892 = arith.select %lt3A_890, %broadcast_in_dim3A_891, %select_n3A_829 : vector<16xi1>, vector<16xi32>
      %min3A_893 = arith.minimumf %min3A_830, %add3A_889 : vector<16xf32>
      %sub3A_894 = vector.broadcast %squeeze3A_870 : f32 to vector<16xf32>
      %sub3A_895 = arith.subf %get3A_109, %sub3A_894 : vector<16xf32>
      %abs3A_896 = math.absf %sub3A_895 : vector<16xf32>
      %add3A_897 = arith.constant 9.99999993E-9 : f32
      %add3A_898 = vector.broadcast %add3A_897 : f32 to vector<16xf32>
      %add3A_899 = arith.addf %abs3A_896, %add3A_898 : vector<16xf32>
      %sub3A_900 = vector.broadcast %squeeze3A_872 : f32 to vector<16xf32>
      %sub3A_901 = arith.subf %get3A_112, %sub3A_900 : vector<16xf32>
      %abs3A_902 = math.absf %sub3A_901 : vector<16xf32>
      %add3A_903 = arith.constant 9.99999993E-9 : f32
      %add3A_904 = vector.broadcast %add3A_903 : f32 to vector<16xf32>
      %add3A_905 = arith.addf %abs3A_902, %add3A_904 : vector<16xf32>
      %mul3A_906 = arith.mulf %add3A_899, %add3A_899 : vector<16xf32>
      %mul3A_907 = arith.mulf %add3A_905, %add3A_905 : vector<16xf32>
      %add3A_908 = arith.addf %mul3A_906, %mul3A_907 : vector<16xf32>
      %lt3A_909 = arith.cmpf olt, %add3A_908, %min3A_849 : vector<16xf32>
      %broadcast_in_dim3A_910 = vector.broadcast %add3A_874 : i32 to vector<16xi32>
      %select_n3A_911 = arith.select %lt3A_909, %broadcast_in_dim3A_910, %select_n3A_848 : vector<16xi1>, vector<16xi32>
      %min3A_912 = arith.minimumf %min3A_849, %add3A_908 : vector<16xf32>
      %sub3A_913 = vector.broadcast %squeeze3A_870 : f32 to vector<16xf32>
      %sub3A_914 = arith.subf %get3A_115, %sub3A_913 : vector<16xf32>
      %abs3A_915 = math.absf %sub3A_914 : vector<16xf32>
      %add3A_916 = arith.constant 9.99999993E-9 : f32
      %add3A_917 = vector.broadcast %add3A_916 : f32 to vector<16xf32>
      %add3A_918 = arith.addf %abs3A_915, %add3A_917 : vector<16xf32>
      %sub3A_919 = vector.broadcast %squeeze3A_872 : f32 to vector<16xf32>
      %sub3A_920 = arith.subf %get3A_118, %sub3A_919 : vector<16xf32>
      %abs3A_921 = math.absf %sub3A_920 : vector<16xf32>
      %add3A_922 = arith.constant 9.99999993E-9 : f32
      %add3A_923 = vector.broadcast %add3A_922 : f32 to vector<16xf32>
      %add3A_924 = arith.addf %abs3A_921, %add3A_923 : vector<16xf32>
      %mul3A_925 = arith.mulf %add3A_918, %add3A_918 : vector<16xf32>
      %mul3A_926 = arith.mulf %add3A_924, %add3A_924 : vector<16xf32>
      %add3A_927 = arith.addf %mul3A_925, %mul3A_926 : vector<16xf32>
      %lt3A_928 = arith.cmpf olt, %add3A_927, %min3A_868 : vector<16xf32>
      %broadcast_in_dim3A_929 = vector.broadcast %add3A_874 : i32 to vector<16xi32>
      %select_n3A_930 = arith.select %lt3A_928, %broadcast_in_dim3A_929, %select_n3A_867 : vector<16xi1>, vector<16xi32>
      %min3A_931 = arith.minimumf %min3A_868, %add3A_927 : vector<16xf32>
      %slice3A_932 = vector.extract_strided_slice %get3A_172 {offsets = [12], sizes = [1], strides = [1]} : vector<16xf32> to vector<1xf32>
      %squeeze3A_933 = vector.extract %slice3A_932[0] : f32 from vector<1xf32>
      %slice3A_934 = vector.extract_strided_slice %get3A_177 {offsets = [12], sizes = [1], strides = [1]} : vector<16xf32> to vector<1xf32>
      %squeeze3A_935 = vector.extract %slice3A_934[0] : f32 from vector<1xf32>
      %add3A_936 = arith.constant 12 : i32
      %add3A_937 = arith.addi %mul3A_179, %add3A_936 : i32
      %sub3A_938 = vector.broadcast %squeeze3A_933 : f32 to vector<16xf32>
      %sub3A_939 = arith.subf %get3A_103, %sub3A_938 : vector<16xf32>
      %abs3A_940 = math.absf %sub3A_939 : vector<16xf32>
      %add3A_941 = arith.constant 9.99999993E-9 : f32
      %add3A_942 = vector.broadcast %add3A_941 : f32 to vector<16xf32>
      %add3A_943 = arith.addf %abs3A_940, %add3A_942 : vector<16xf32>
      %sub3A_944 = vector.broadcast %squeeze3A_935 : f32 to vector<16xf32>
      %sub3A_945 = arith.subf %get3A_106, %sub3A_944 : vector<16xf32>
      %abs3A_946 = math.absf %sub3A_945 : vector<16xf32>
      %add3A_947 = arith.constant 9.99999993E-9 : f32
      %add3A_948 = vector.broadcast %add3A_947 : f32 to vector<16xf32>
      %add3A_949 = arith.addf %abs3A_946, %add3A_948 : vector<16xf32>
      %mul3A_950 = arith.mulf %add3A_943, %add3A_943 : vector<16xf32>
      %mul3A_951 = arith.mulf %add3A_949, %add3A_949 : vector<16xf32>
      %add3A_952 = arith.addf %mul3A_950, %mul3A_951 : vector<16xf32>
      %lt3A_953 = arith.cmpf olt, %add3A_952, %min3A_893 : vector<16xf32>
      %broadcast_in_dim3A_954 = vector.broadcast %add3A_937 : i32 to vector<16xi32>
      %select_n3A_955 = arith.select %lt3A_953, %broadcast_in_dim3A_954, %select_n3A_892 : vector<16xi1>, vector<16xi32>
      %min3A_956 = arith.minimumf %min3A_893, %add3A_952 : vector<16xf32>
      %sub3A_957 = vector.broadcast %squeeze3A_933 : f32 to vector<16xf32>
      %sub3A_958 = arith.subf %get3A_109, %sub3A_957 : vector<16xf32>
      %abs3A_959 = math.absf %sub3A_958 : vector<16xf32>
      %add3A_960 = arith.constant 9.99999993E-9 : f32
      %add3A_961 = vector.broadcast %add3A_960 : f32 to vector<16xf32>
      %add3A_962 = arith.addf %abs3A_959, %add3A_961 : vector<16xf32>
      %sub3A_963 = vector.broadcast %squeeze3A_935 : f32 to vector<16xf32>
      %sub3A_964 = arith.subf %get3A_112, %sub3A_963 : vector<16xf32>
      %abs3A_965 = math.absf %sub3A_964 : vector<16xf32>
      %add3A_966 = arith.constant 9.99999993E-9 : f32
      %add3A_967 = vector.broadcast %add3A_966 : f32 to vector<16xf32>
      %add3A_968 = arith.addf %abs3A_965, %add3A_967 : vector<16xf32>
      %mul3A_969 = arith.mulf %add3A_962, %add3A_962 : vector<16xf32>
      %mul3A_970 = arith.mulf %add3A_968, %add3A_968 : vector<16xf32>
      %add3A_971 = arith.addf %mul3A_969, %mul3A_970 : vector<16xf32>
      %lt3A_972 = arith.cmpf olt, %add3A_971, %min3A_912 : vector<16xf32>
      %broadcast_in_dim3A_973 = vector.broadcast %add3A_937 : i32 to vector<16xi32>
      %select_n3A_974 = arith.select %lt3A_972, %broadcast_in_dim3A_973, %select_n3A_911 : vector<16xi1>, vector<16xi32>
      %min3A_975 = arith.minimumf %min3A_912, %add3A_971 : vector<16xf32>
      %sub3A_976 = vector.broadcast %squeeze3A_933 : f32 to vector<16xf32>
      %sub3A_977 = arith.subf %get3A_115, %sub3A_976 : vector<16xf32>
      %abs3A_978 = math.absf %sub3A_977 : vector<16xf32>
      %add3A_979 = arith.constant 9.99999993E-9 : f32
      %add3A_980 = vector.broadcast %add3A_979 : f32 to vector<16xf32>
      %add3A_981 = arith.addf %abs3A_978, %add3A_980 : vector<16xf32>
      %sub3A_982 = vector.broadcast %squeeze3A_935 : f32 to vector<16xf32>
      %sub3A_983 = arith.subf %get3A_118, %sub3A_982 : vector<16xf32>
      %abs3A_984 = math.absf %sub3A_983 : vector<16xf32>
      %add3A_985 = arith.constant 9.99999993E-9 : f32
      %add3A_986 = vector.broadcast %add3A_985 : f32 to vector<16xf32>
      %add3A_987 = arith.addf %abs3A_984, %add3A_986 : vector<16xf32>
      %mul3A_988 = arith.mulf %add3A_981, %add3A_981 : vector<16xf32>
      %mul3A_989 = arith.mulf %add3A_987, %add3A_987 : vector<16xf32>
      %add3A_990 = arith.addf %mul3A_988, %mul3A_989 : vector<16xf32>
      %lt3A_991 = arith.cmpf olt, %add3A_990, %min3A_931 : vector<16xf32>
      %broadcast_in_dim3A_992 = vector.broadcast %add3A_937 : i32 to vector<16xi32>
      %select_n3A_993 = arith.select %lt3A_991, %broadcast_in_dim3A_992, %select_n3A_930 : vector<16xi1>, vector<16xi32>
      %min3A_994 = arith.minimumf %min3A_931, %add3A_990 : vector<16xf32>
      %slice3A_995 = vector.extract_strided_slice %get3A_172 {offsets = [13], sizes = [1], strides = [1]} : vector<16xf32> to vector<1xf32>
      %squeeze3A_996 = vector.extract %slice3A_995[0] : f32 from vector<1xf32>
      %slice3A_997 = vector.extract_strided_slice %get3A_177 {offsets = [13], sizes = [1], strides = [1]} : vector<16xf32> to vector<1xf32>
      %squeeze3A_998 = vector.extract %slice3A_997[0] : f32 from vector<1xf32>
      %add3A_999 = arith.constant 13 : i32
      %add3A_1000 = arith.addi %mul3A_179, %add3A_999 : i32
      %sub3A_1001 = vector.broadcast %squeeze3A_996 : f32 to vector<16xf32>
      %sub3A_1002 = arith.subf %get3A_103, %sub3A_1001 : vector<16xf32>
      %abs3A_1003 = math.absf %sub3A_1002 : vector<16xf32>
      %add3A_1004 = arith.constant 9.99999993E-9 : f32
      %add3A_1005 = vector.broadcast %add3A_1004 : f32 to vector<16xf32>
      %add3A_1006 = arith.addf %abs3A_1003, %add3A_1005 : vector<16xf32>
      %sub3A_1007 = vector.broadcast %squeeze3A_998 : f32 to vector<16xf32>
      %sub3A_1008 = arith.subf %get3A_106, %sub3A_1007 : vector<16xf32>
      %abs3A_1009 = math.absf %sub3A_1008 : vector<16xf32>
      %add3A_1010 = arith.constant 9.99999993E-9 : f32
      %add3A_1011 = vector.broadcast %add3A_1010 : f32 to vector<16xf32>
      %add3A_1012 = arith.addf %abs3A_1009, %add3A_1011 : vector<16xf32>
      %mul3A_1013 = arith.mulf %add3A_1006, %add3A_1006 : vector<16xf32>
      %mul3A_1014 = arith.mulf %add3A_1012, %add3A_1012 : vector<16xf32>
      %add3A_1015 = arith.addf %mul3A_1013, %mul3A_1014 : vector<16xf32>
      %lt3A_1016 = arith.cmpf olt, %add3A_1015, %min3A_956 : vector<16xf32>
      %broadcast_in_dim3A_1017 = vector.broadcast %add3A_1000 : i32 to vector<16xi32>
      %select_n3A_1018 = arith.select %lt3A_1016, %broadcast_in_dim3A_1017, %select_n3A_955 : vector<16xi1>, vector<16xi32>
      %min3A_1019 = arith.minimumf %min3A_956, %add3A_1015 : vector<16xf32>
      %sub3A_1020 = vector.broadcast %squeeze3A_996 : f32 to vector<16xf32>
      %sub3A_1021 = arith.subf %get3A_109, %sub3A_1020 : vector<16xf32>
      %abs3A_1022 = math.absf %sub3A_1021 : vector<16xf32>
      %add3A_1023 = arith.constant 9.99999993E-9 : f32
      %add3A_1024 = vector.broadcast %add3A_1023 : f32 to vector<16xf32>
      %add3A_1025 = arith.addf %abs3A_1022, %add3A_1024 : vector<16xf32>
      %sub3A_1026 = vector.broadcast %squeeze3A_998 : f32 to vector<16xf32>
      %sub3A_1027 = arith.subf %get3A_112, %sub3A_1026 : vector<16xf32>
      %abs3A_1028 = math.absf %sub3A_1027 : vector<16xf32>
      %add3A_1029 = arith.constant 9.99999993E-9 : f32
      %add3A_1030 = vector.broadcast %add3A_1029 : f32 to vector<16xf32>
      %add3A_1031 = arith.addf %abs3A_1028, %add3A_1030 : vector<16xf32>
      %mul3A_1032 = arith.mulf %add3A_1025, %add3A_1025 : vector<16xf32>
      %mul3A_1033 = arith.mulf %add3A_1031, %add3A_1031 : vector<16xf32>
      %add3A_1034 = arith.addf %mul3A_1032, %mul3A_1033 : vector<16xf32>
      %lt3A_1035 = arith.cmpf olt, %add3A_1034, %min3A_975 : vector<16xf32>
      %broadcast_in_dim3A_1036 = vector.broadcast %add3A_1000 : i32 to vector<16xi32>
      %select_n3A_1037 = arith.select %lt3A_1035, %broadcast_in_dim3A_1036, %select_n3A_974 : vector<16xi1>, vector<16xi32>
      %min3A_1038 = arith.minimumf %min3A_975, %add3A_1034 : vector<16xf32>
      %sub3A_1039 = vector.broadcast %squeeze3A_996 : f32 to vector<16xf32>
      %sub3A_1040 = arith.subf %get3A_115, %sub3A_1039 : vector<16xf32>
      %abs3A_1041 = math.absf %sub3A_1040 : vector<16xf32>
      %add3A_1042 = arith.constant 9.99999993E-9 : f32
      %add3A_1043 = vector.broadcast %add3A_1042 : f32 to vector<16xf32>
      %add3A_1044 = arith.addf %abs3A_1041, %add3A_1043 : vector<16xf32>
      %sub3A_1045 = vector.broadcast %squeeze3A_998 : f32 to vector<16xf32>
      %sub3A_1046 = arith.subf %get3A_118, %sub3A_1045 : vector<16xf32>
      %abs3A_1047 = math.absf %sub3A_1046 : vector<16xf32>
      %add3A_1048 = arith.constant 9.99999993E-9 : f32
      %add3A_1049 = vector.broadcast %add3A_1048 : f32 to vector<16xf32>
      %add3A_1050 = arith.addf %abs3A_1047, %add3A_1049 : vector<16xf32>
      %mul3A_1051 = arith.mulf %add3A_1044, %add3A_1044 : vector<16xf32>
      %mul3A_1052 = arith.mulf %add3A_1050, %add3A_1050 : vector<16xf32>
      %add3A_1053 = arith.addf %mul3A_1051, %mul3A_1052 : vector<16xf32>
      %lt3A_1054 = arith.cmpf olt, %add3A_1053, %min3A_994 : vector<16xf32>
      %broadcast_in_dim3A_1055 = vector.broadcast %add3A_1000 : i32 to vector<16xi32>
      %select_n3A_1056 = arith.select %lt3A_1054, %broadcast_in_dim3A_1055, %select_n3A_993 : vector<16xi1>, vector<16xi32>
      %min3A_1057 = arith.minimumf %min3A_994, %add3A_1053 : vector<16xf32>
      %slice3A_1058 = vector.extract_strided_slice %get3A_172 {offsets = [14], sizes = [1], strides = [1]} : vector<16xf32> to vector<1xf32>
      %squeeze3A_1059 = vector.extract %slice3A_1058[0] : f32 from vector<1xf32>
      %slice3A_1060 = vector.extract_strided_slice %get3A_177 {offsets = [14], sizes = [1], strides = [1]} : vector<16xf32> to vector<1xf32>
      %squeeze3A_1061 = vector.extract %slice3A_1060[0] : f32 from vector<1xf32>
      %add3A_1062 = arith.constant 14 : i32
      %add3A_1063 = arith.addi %mul3A_179, %add3A_1062 : i32
      %sub3A_1064 = vector.broadcast %squeeze3A_1059 : f32 to vector<16xf32>
      %sub3A_1065 = arith.subf %get3A_103, %sub3A_1064 : vector<16xf32>
      %abs3A_1066 = math.absf %sub3A_1065 : vector<16xf32>
      %add3A_1067 = arith.constant 9.99999993E-9 : f32
      %add3A_1068 = vector.broadcast %add3A_1067 : f32 to vector<16xf32>
      %add3A_1069 = arith.addf %abs3A_1066, %add3A_1068 : vector<16xf32>
      %sub3A_1070 = vector.broadcast %squeeze3A_1061 : f32 to vector<16xf32>
      %sub3A_1071 = arith.subf %get3A_106, %sub3A_1070 : vector<16xf32>
      %abs3A_1072 = math.absf %sub3A_1071 : vector<16xf32>
      %add3A_1073 = arith.constant 9.99999993E-9 : f32
      %add3A_1074 = vector.broadcast %add3A_1073 : f32 to vector<16xf32>
      %add3A_1075 = arith.addf %abs3A_1072, %add3A_1074 : vector<16xf32>
      %mul3A_1076 = arith.mulf %add3A_1069, %add3A_1069 : vector<16xf32>
      %mul3A_1077 = arith.mulf %add3A_1075, %add3A_1075 : vector<16xf32>
      %add3A_1078 = arith.addf %mul3A_1076, %mul3A_1077 : vector<16xf32>
      %lt3A_1079 = arith.cmpf olt, %add3A_1078, %min3A_1019 : vector<16xf32>
      %broadcast_in_dim3A_1080 = vector.broadcast %add3A_1063 : i32 to vector<16xi32>
      %select_n3A_1081 = arith.select %lt3A_1079, %broadcast_in_dim3A_1080, %select_n3A_1018 : vector<16xi1>, vector<16xi32>
      %min3A_1082 = arith.minimumf %min3A_1019, %add3A_1078 : vector<16xf32>
      %sub3A_1083 = vector.broadcast %squeeze3A_1059 : f32 to vector<16xf32>
      %sub3A_1084 = arith.subf %get3A_109, %sub3A_1083 : vector<16xf32>
      %abs3A_1085 = math.absf %sub3A_1084 : vector<16xf32>
      %add3A_1086 = arith.constant 9.99999993E-9 : f32
      %add3A_1087 = vector.broadcast %add3A_1086 : f32 to vector<16xf32>
      %add3A_1088 = arith.addf %abs3A_1085, %add3A_1087 : vector<16xf32>
      %sub3A_1089 = vector.broadcast %squeeze3A_1061 : f32 to vector<16xf32>
      %sub3A_1090 = arith.subf %get3A_112, %sub3A_1089 : vector<16xf32>
      %abs3A_1091 = math.absf %sub3A_1090 : vector<16xf32>
      %add3A_1092 = arith.constant 9.99999993E-9 : f32
      %add3A_1093 = vector.broadcast %add3A_1092 : f32 to vector<16xf32>
      %add3A_1094 = arith.addf %abs3A_1091, %add3A_1093 : vector<16xf32>
      %mul3A_1095 = arith.mulf %add3A_1088, %add3A_1088 : vector<16xf32>
      %mul3A_1096 = arith.mulf %add3A_1094, %add3A_1094 : vector<16xf32>
      %add3A_1097 = arith.addf %mul3A_1095, %mul3A_1096 : vector<16xf32>
      %lt3A_1098 = arith.cmpf olt, %add3A_1097, %min3A_1038 : vector<16xf32>
      %broadcast_in_dim3A_1099 = vector.broadcast %add3A_1063 : i32 to vector<16xi32>
      %select_n3A_1100 = arith.select %lt3A_1098, %broadcast_in_dim3A_1099, %select_n3A_1037 : vector<16xi1>, vector<16xi32>
      %min3A_1101 = arith.minimumf %min3A_1038, %add3A_1097 : vector<16xf32>
      %sub3A_1102 = vector.broadcast %squeeze3A_1059 : f32 to vector<16xf32>
      %sub3A_1103 = arith.subf %get3A_115, %sub3A_1102 : vector<16xf32>
      %abs3A_1104 = math.absf %sub3A_1103 : vector<16xf32>
      %add3A_1105 = arith.constant 9.99999993E-9 : f32
      %add3A_1106 = vector.broadcast %add3A_1105 : f32 to vector<16xf32>
      %add3A_1107 = arith.addf %abs3A_1104, %add3A_1106 : vector<16xf32>
      %sub3A_1108 = vector.broadcast %squeeze3A_1061 : f32 to vector<16xf32>
      %sub3A_1109 = arith.subf %get3A_118, %sub3A_1108 : vector<16xf32>
      %abs3A_1110 = math.absf %sub3A_1109 : vector<16xf32>
      %add3A_1111 = arith.constant 9.99999993E-9 : f32
      %add3A_1112 = vector.broadcast %add3A_1111 : f32 to vector<16xf32>
      %add3A_1113 = arith.addf %abs3A_1110, %add3A_1112 : vector<16xf32>
      %mul3A_1114 = arith.mulf %add3A_1107, %add3A_1107 : vector<16xf32>
      %mul3A_1115 = arith.mulf %add3A_1113, %add3A_1113 : vector<16xf32>
      %add3A_1116 = arith.addf %mul3A_1114, %mul3A_1115 : vector<16xf32>
      %lt3A_1117 = arith.cmpf olt, %add3A_1116, %min3A_1057 : vector<16xf32>
      %broadcast_in_dim3A_1118 = vector.broadcast %add3A_1063 : i32 to vector<16xi32>
      %select_n3A_1119 = arith.select %lt3A_1117, %broadcast_in_dim3A_1118, %select_n3A_1056 : vector<16xi1>, vector<16xi32>
      %min3A_1120 = arith.minimumf %min3A_1057, %add3A_1116 : vector<16xf32>
      %slice3A_1121 = vector.extract_strided_slice %get3A_172 {offsets = [15], sizes = [1], strides = [1]} : vector<16xf32> to vector<1xf32>
      %squeeze3A_1122 = vector.extract %slice3A_1121[0] : f32 from vector<1xf32>
      %slice3A_1123 = vector.extract_strided_slice %get3A_177 {offsets = [15], sizes = [1], strides = [1]} : vector<16xf32> to vector<1xf32>
      %squeeze3A_1124 = vector.extract %slice3A_1123[0] : f32 from vector<1xf32>
      %add3A_1125 = arith.constant 15 : i32
      %add3A_1126 = arith.addi %mul3A_179, %add3A_1125 : i32
      %sub3A_1127 = vector.broadcast %squeeze3A_1122 : f32 to vector<16xf32>
      %sub3A_1128 = arith.subf %get3A_103, %sub3A_1127 : vector<16xf32>
      %abs3A_1129 = math.absf %sub3A_1128 : vector<16xf32>
      %add3A_1130 = arith.constant 9.99999993E-9 : f32
      %add3A_1131 = vector.broadcast %add3A_1130 : f32 to vector<16xf32>
      %add3A_1132 = arith.addf %abs3A_1129, %add3A_1131 : vector<16xf32>
      %sub3A_1133 = vector.broadcast %squeeze3A_1124 : f32 to vector<16xf32>
      %sub3A_1134 = arith.subf %get3A_106, %sub3A_1133 : vector<16xf32>
      %abs3A_1135 = math.absf %sub3A_1134 : vector<16xf32>
      %add3A_1136 = arith.constant 9.99999993E-9 : f32
      %add3A_1137 = vector.broadcast %add3A_1136 : f32 to vector<16xf32>
      %add3A_1138 = arith.addf %abs3A_1135, %add3A_1137 : vector<16xf32>
      %mul3A_1139 = arith.mulf %add3A_1132, %add3A_1132 : vector<16xf32>
      %mul3A_1140 = arith.mulf %add3A_1138, %add3A_1138 : vector<16xf32>
      %add3A_1141 = arith.addf %mul3A_1139, %mul3A_1140 : vector<16xf32>
      %lt3A_1142 = arith.cmpf olt, %add3A_1141, %min3A_1082 : vector<16xf32>
      %broadcast_in_dim3A_1143 = vector.broadcast %add3A_1126 : i32 to vector<16xi32>
      %select_n3A_1144 = arith.select %lt3A_1142, %broadcast_in_dim3A_1143, %select_n3A_1081 : vector<16xi1>, vector<16xi32>
      %min3A_1145 = arith.minimumf %min3A_1082, %add3A_1141 : vector<16xf32>
      %sub3A_1146 = vector.broadcast %squeeze3A_1122 : f32 to vector<16xf32>
      %sub3A_1147 = arith.subf %get3A_109, %sub3A_1146 : vector<16xf32>
      %abs3A_1148 = math.absf %sub3A_1147 : vector<16xf32>
      %add3A_1149 = arith.constant 9.99999993E-9 : f32
      %add3A_1150 = vector.broadcast %add3A_1149 : f32 to vector<16xf32>
      %add3A_1151 = arith.addf %abs3A_1148, %add3A_1150 : vector<16xf32>
      %sub3A_1152 = vector.broadcast %squeeze3A_1124 : f32 to vector<16xf32>
      %sub3A_1153 = arith.subf %get3A_112, %sub3A_1152 : vector<16xf32>
      %abs3A_1154 = math.absf %sub3A_1153 : vector<16xf32>
      %add3A_1155 = arith.constant 9.99999993E-9 : f32
      %add3A_1156 = vector.broadcast %add3A_1155 : f32 to vector<16xf32>
      %add3A_1157 = arith.addf %abs3A_1154, %add3A_1156 : vector<16xf32>
      %mul3A_1158 = arith.mulf %add3A_1151, %add3A_1151 : vector<16xf32>
      %mul3A_1159 = arith.mulf %add3A_1157, %add3A_1157 : vector<16xf32>
      %add3A_1160 = arith.addf %mul3A_1158, %mul3A_1159 : vector<16xf32>
      %lt3A_1161 = arith.cmpf olt, %add3A_1160, %min3A_1101 : vector<16xf32>
      %broadcast_in_dim3A_1162 = vector.broadcast %add3A_1126 : i32 to vector<16xi32>
      %select_n3A_1163 = arith.select %lt3A_1161, %broadcast_in_dim3A_1162, %select_n3A_1100 : vector<16xi1>, vector<16xi32>
      %min3A_1164 = arith.minimumf %min3A_1101, %add3A_1160 : vector<16xf32>
      %sub3A_1165 = vector.broadcast %squeeze3A_1122 : f32 to vector<16xf32>
      %sub3A_1166 = arith.subf %get3A_115, %sub3A_1165 : vector<16xf32>
      %abs3A_1167 = math.absf %sub3A_1166 : vector<16xf32>
      %add3A_1168 = arith.constant 9.99999993E-9 : f32
      %add3A_1169 = vector.broadcast %add3A_1168 : f32 to vector<16xf32>
      %add3A_1170 = arith.addf %abs3A_1167, %add3A_1169 : vector<16xf32>
      %sub3A_1171 = vector.broadcast %squeeze3A_1124 : f32 to vector<16xf32>
      %sub3A_1172 = arith.subf %get3A_118, %sub3A_1171 : vector<16xf32>
      %abs3A_1173 = math.absf %sub3A_1172 : vector<16xf32>
      %add3A_1174 = arith.constant 9.99999993E-9 : f32
      %add3A_1175 = vector.broadcast %add3A_1174 : f32 to vector<16xf32>
      %add3A_1176 = arith.addf %abs3A_1173, %add3A_1175 : vector<16xf32>
      %mul3A_1177 = arith.mulf %add3A_1170, %add3A_1170 : vector<16xf32>
      %mul3A_1178 = arith.mulf %add3A_1176, %add3A_1176 : vector<16xf32>
      %add3A_1179 = arith.addf %mul3A_1177, %mul3A_1178 : vector<16xf32>
      %lt3A_1180 = arith.cmpf olt, %add3A_1179, %min3A_1120 : vector<16xf32>
      %broadcast_in_dim3A_1181 = vector.broadcast %add3A_1126 : i32 to vector<16xi32>
      %select_n3A_1182 = arith.select %lt3A_1180, %broadcast_in_dim3A_1181, %select_n3A_1119 : vector<16xi1>, vector<16xi32>
      %min3A_1183 = arith.minimumf %min3A_1120, %add3A_1179 : vector<16xf32>
      scf.yield %min3A_1145, %min3A_1164, %min3A_1183, %select_n3A_1144, %select_n3A_1163, %select_n3A_1182 : vector<16xf32>, vector<16xf32>, vector<16xf32>, vector<16xi32>, vector<16xi32>, vector<16xi32>
    }
    %scan3A_136 = arith.constant 144 : i32
    %swap3A_137 = arith.constant 48 : index
    %swap3A_138 = tpu.vector_load %arg12[%swap3A_137] {strides = array<i32>} : memref<96xf32, #tpu.memory_space<vmem>>, vector<16xf32>,
    %swap3A_139 = vector.shape_cast %swap3A_138 : vector<16xf32> to vector<16xf32>
    %swap3A_140 = vector.shape_cast %scan3A_135#0 : vector<16xf32> to vector<16xf32>
    tpu.vector_store %arg12[%swap3A_137], %swap3A_140 {strides = array<i32>} : memref<96xf32, #tpu.memory_space<vmem>>, vector<16xf32>,
    %swap3A_141 = arith.constant 48 : index
    %swap3A_142 = tpu.vector_load %arg13[%swap3A_141] {strides = array<i32>} : memref<96xi32, #tpu.memory_space<vmem>>, vector<16xi32>,
    %swap3A_143 = vector.shape_cast %swap3A_142 : vector<16xi32> to vector<16xi32>
    %swap3A_144 = vector.shape_cast %scan3A_135#3 : vector<16xi32> to vector<16xi32>
    tpu.vector_store %arg13[%swap3A_141], %swap3A_144 {strides = array<i32>} : memref<96xi32, #tpu.memory_space<vmem>>, vector<16xi32>,
    %swap3A_145 = arith.constant 64 : index
    %swap3A_146 = tpu.vector_load %arg12[%swap3A_145] {strides = array<i32>} : memref<96xf32, #tpu.memory_space<vmem>>, vector<16xf32>,
    %swap3A_147 = vector.shape_cast %swap3A_146 : vector<16xf32> to vector<16xf32>
    %swap3A_148 = vector.shape_cast %scan3A_135#1 : vector<16xf32> to vector<16xf32>
    tpu.vector_store %arg12[%swap3A_145], %swap3A_148 {strides = array<i32>} : memref<96xf32, #tpu.memory_space<vmem>>, vector<16xf32>,
    %swap3A_149 = arith.constant 64 : index
    %swap3A_150 = tpu.vector_load %arg13[%swap3A_149] {strides = array<i32>} : memref<96xi32, #tpu.memory_space<vmem>>, vector<16xi32>,
    %swap3A_151 = vector.shape_cast %swap3A_150 : vector<16xi32> to vector<16xi32>
    %swap3A_152 = vector.shape_cast %scan3A_135#4 : vector<16xi32> to vector<16xi32>
    tpu.vector_store %arg13[%swap3A_149], %swap3A_152 {strides = array<i32>} : memref<96xi32, #tpu.memory_space<vmem>>, vector<16xi32>,
    %swap3A_153 = arith.constant 80 : index
    %swap3A_154 = tpu.vector_load %arg12[%swap3A_153] {strides = array<i32>} : memref<96xf32, #tpu.memory_space<vmem>>, vector<16xf32>,
    %swap3A_155 = vector.shape_cast %swap3A_154 : vector<16xf32> to vector<16xf32>
    %swap3A_156 = vector.shape_cast %scan3A_135#2 : vector<16xf32> to vector<16xf32>
    tpu.vector_store %arg12[%swap3A_153], %swap3A_156 {strides = array<i32>} : memref<96xf32, #tpu.memory_space<vmem>>, vector<16xf32>,
    %swap3A_157 = arith.constant 80 : index
    %swap3A_158 = tpu.vector_load %arg13[%swap3A_157] {strides = array<i32>} : memref<96xi32, #tpu.memory_space<vmem>>, vector<16xi32>,
    %swap3A_159 = vector.shape_cast %swap3A_158 : vector<16xi32> to vector<16xi32>
    %swap3A_160 = vector.shape_cast %scan3A_135#5 : vector<16xi32> to vector<16xi32>
    tpu.vector_store %arg13[%swap3A_157], %swap3A_160 {strides = array<i32>} : memref<96xi32, #tpu.memory_space<vmem>>, vector<16xi32>,
    "tpu.region"() ({
      %run_scoped3A = tpu.sem_alloc : memref<!tpu.dma_semaphore, #tpu.memory_space<semaphore_mem>>
      %dma_start3A = tpu.memref_slice %arg6[%add3A_40] : memref<3072xf32, #tpu.memory_space<hbm>> -> memref<96xf32, #tpu.memory_space<hbm>>
      %dma_start3A_161 = tpu.memref_slice %arg6[%add3A_40] : memref<3072xf32, #tpu.memory_space<hbm>> -> memref<96xf32, #tpu.memory_space<hbm>>
      tpu.enqueue_dma source(%arg12 : memref<96xf32, #tpu.memory_space<vmem>>) target(%dma_start3A_161 : memref<96xf32, #tpu.memory_space<hbm>>) target_semaphore(%run_scoped3A : memref<!tpu.dma_semaphore, #tpu.memory_space<semaphore_mem>>)
      %dma_wait3A = tpu.memref_slice %arg6[%add3A_40] : memref<3072xf32, #tpu.memory_space<hbm>> -> memref<96xf32, #tpu.memory_space<hbm>>
      %dma_wait3A_162 = tpu.memref_slice %arg6[%add3A_40] : memref<3072xf32, #tpu.memory_space<hbm>> -> memref<96xf32, #tpu.memory_space<hbm>>
      tpu.wait_dma2 semaphore(%run_scoped3A : memref<!tpu.dma_semaphore, #tpu.memory_space<semaphore_mem>>) src(%arg12 : memref<96xf32, #tpu.memory_space<vmem>>) dst(%dma_wait3A_162 : memref<96xf32, #tpu.memory_space<hbm>>)
      tpu.yield
    }) : () -> ()
    "tpu.region"() ({
      %run_scoped3A = tpu.sem_alloc : memref<!tpu.dma_semaphore, #tpu.memory_space<semaphore_mem>>
      %dma_start3A = tpu.memref_slice %arg7[%add3A_40] : memref<3072xi32, #tpu.memory_space<hbm>> -> memref<96xi32, #tpu.memory_space<hbm>>
      %dma_start3A_161 = tpu.memref_slice %arg7[%add3A_40] : memref<3072xi32, #tpu.memory_space<hbm>> -> memref<96xi32, #tpu.memory_space<hbm>>
      tpu.enqueue_dma source(%arg13 : memref<96xi32, #tpu.memory_space<vmem>>) target(%dma_start3A_161 : memref<96xi32, #tpu.memory_space<hbm>>) target_semaphore(%run_scoped3A : memref<!tpu.dma_semaphore, #tpu.memory_space<semaphore_mem>>)
      %dma_wait3A = tpu.memref_slice %arg7[%add3A_40] : memref<3072xi32, #tpu.memory_space<hbm>> -> memref<96xi32, #tpu.memory_space<hbm>>
      %dma_wait3A_162 = tpu.memref_slice %arg7[%add3A_40] : memref<3072xi32, #tpu.memory_space<hbm>> -> memref<96xi32, #tpu.memory_space<hbm>>
      tpu.wait_dma2 semaphore(%run_scoped3A : memref<!tpu.dma_semaphore, #tpu.memory_space<semaphore_mem>>) src(%arg13 : memref<96xi32, #tpu.memory_space<vmem>>) dst(%dma_wait3A_162 : memref<96xi32, #tpu.memory_space<hbm>>)
      tpu.yield
    }) : () -> ()
    return
  }
}

module attributes {stable_mosaic.version = 14 : i64} {
  func.func @_tc_body(%arg0: i32, %arg1: i32, %arg2: memref<1x768x1xf32, #tpu.memory_space<vmem>>, %arg3: memref<1x768x1xf32, #tpu.memory_space<vmem>>, %arg4: memref<1x1x2304xf32, #tpu.memory_space<vmem>>, %arg5: memref<1x1x2304xf32, #tpu.memory_space<vmem>>, %arg6: memref<1x768x1xf32, #tpu.memory_space<vmem>>, %arg7: memref<1x768x1xi32, #tpu.memory_space<vmem>>) attributes {dimension_semantics = [#tpu.dimension_semantics<arbitrary>, #tpu.dimension_semantics<arbitrary>], iteration_bounds = array<i64: 4, 2>, scalar_prefetch = 0 : i64, scratch_operands = 0 : i64, tpu.core_type = #tpu.core_type<tc>, window_params = [{transform_indices = @transform_0, window_bounds = array<i64: 1, 768, 1>}, {transform_indices = @transform_1, window_bounds = array<i64: 1, 768, 1>}, {transform_indices = @transform_2, window_bounds = array<i64: 1, 1, 2304>}, {transform_indices = @transform_3, window_bounds = array<i64: 1, 1, 2304>}, {transform_indices = @transform_4, window_bounds = array<i64: 1, 768, 1>}, {transform_indices = @transform_5, window_bounds = array<i64: 1, 768, 1>}]} {
    %get3A = arith.constant 0 : index
    %get3A_0 = arith.constant 0 : index
    %get3A_1 = arith.constant 0 : index
    %get3A_2 = vector.load %arg2[%get3A, %get3A_0, %get3A_1] : memref<1x768x1xf32, #tpu.memory_space<vmem>>, vector<1x768x1xf32>
    %get3A_3 = vector.shape_cast %get3A_2 : vector<1x768x1xf32> to vector<768x1xf32>
    %get3A_4 = arith.constant 0 : index
    %get3A_5 = arith.constant 0 : index
    %get3A_6 = arith.constant 0 : index
    %get3A_7 = vector.load %arg3[%get3A_4, %get3A_5, %get3A_6] : memref<1x768x1xf32, #tpu.memory_space<vmem>>, vector<1x768x1xf32>
    %get3A_8 = vector.shape_cast %get3A_7 : vector<1x768x1xf32> to vector<768x1xf32>
    %get3A_9 = arith.constant 0 : index
    %get3A_10 = arith.constant 0 : index
    %get3A_11 = arith.constant 0 : index
    %get3A_12 = vector.load %arg4[%get3A_9, %get3A_10, %get3A_11] : memref<1x1x2304xf32, #tpu.memory_space<vmem>>, vector<1x1x2304xf32>
    %get3A_13 = vector.shape_cast %get3A_12 : vector<1x1x2304xf32> to vector<1x2304xf32>
    %get3A_14 = arith.constant 0 : index
    %get3A_15 = arith.constant 0 : index
    %get3A_16 = arith.constant 0 : index
    %get3A_17 = vector.load %arg5[%get3A_14, %get3A_15, %get3A_16] : memref<1x1x2304xf32, #tpu.memory_space<vmem>>, vector<1x1x2304xf32>
    %get3A_18 = vector.shape_cast %get3A_17 : vector<1x1x2304xf32> to vector<1x2304xf32>
    %sub3A = vector.broadcast %get3A_3 : vector<768x1xf32> to vector<768x2304xf32>
    %sub3A_19 = vector.broadcast %get3A_13 : vector<1x2304xf32> to vector<768x2304xf32>
    %sub3A_20 = arith.subf %sub3A, %sub3A_19 : vector<768x2304xf32>
    %abs3A = math.absf %sub3A_20 : vector<768x2304xf32>
    %add3A = arith.constant 9.99999993E-9 : f32
    %add3A_21 = vector.broadcast %add3A : f32 to vector<768x2304xf32>
    %add3A_22 = arith.addf %abs3A, %add3A_21 : vector<768x2304xf32>
    %sub3A_23 = vector.broadcast %get3A_8 : vector<768x1xf32> to vector<768x2304xf32>
    %sub3A_24 = vector.broadcast %get3A_18 : vector<1x2304xf32> to vector<768x2304xf32>
    %sub3A_25 = arith.subf %sub3A_23, %sub3A_24 : vector<768x2304xf32>
    %abs3A_26 = math.absf %sub3A_25 : vector<768x2304xf32>
    %add3A_27 = arith.constant 9.99999993E-9 : f32
    %add3A_28 = vector.broadcast %add3A_27 : f32 to vector<768x2304xf32>
    %add3A_29 = arith.addf %abs3A_26, %add3A_28 : vector<768x2304xf32>
    %mul3A = arith.mulf %add3A_22, %add3A_22 : vector<768x2304xf32>
    %mul3A_30 = arith.mulf %add3A_29, %add3A_29 : vector<768x2304xf32>
    %add3A_31 = arith.addf %mul3A, %mul3A_30 : vector<768x2304xf32>
    %reduce_min3A = arith.constant dense<0x7F800000> : vector<768xf32>
    %reduce_min3A_32 = vector.multi_reduction <minimumf>, %add3A_31, %reduce_min3A [1] : vector<768x2304xf32> to vector<768xf32>
    %broadcast_in_dim3A = vector.shape_cast %reduce_min3A_32 : vector<768xf32> to vector<768x1xf32>
    %iota3A = tpu.iota {dimensions = array<i32: 1>} : vector<768x2304xi32>
    %le3A = vector.broadcast %broadcast_in_dim3A : vector<768x1xf32> to vector<768x2304xf32>
    %le3A_33 = arith.cmpf ole, %add3A_31, %le3A : vector<768x2304xf32>
    %jit3A = arith.constant 2304 : i32
    %broadcast_in_dim3A_34 = vector.broadcast %jit3A : i32 to vector<768x2304xi32>
    %select_n3A = arith.select %le3A_33, %iota3A, %broadcast_in_dim3A_34 : vector<768x2304xi1>, vector<768x2304xi32>
    %reduce_min3A_35 = arith.constant dense<2147483647> : vector<768xi32>
    %reduce_min3A_36 = vector.multi_reduction <minsi>, %select_n3A, %reduce_min3A_35 [1] : vector<768x2304xi32> to vector<768xi32>
    %broadcast_in_dim3A_37 = vector.shape_cast %reduce_min3A_36 : vector<768xi32> to vector<768x1xi32>
    %swap3A = arith.constant 0 : index
    %swap3A_38 = arith.constant 0 : index
    %swap3A_39 = arith.constant 0 : index
    %swap3A_40 = vector.load %arg6[%swap3A, %swap3A_38, %swap3A_39] : memref<1x768x1xf32, #tpu.memory_space<vmem>>, vector<1x768x1xf32>
    %swap3A_41 = vector.shape_cast %swap3A_40 : vector<1x768x1xf32> to vector<768x1xf32>
    %swap3A_42 = vector.shape_cast %broadcast_in_dim3A : vector<768x1xf32> to vector<1x768x1xf32>
    tpu.vector_store %arg6[%swap3A, %swap3A_38, %swap3A_39], %swap3A_42 {strides = array<i32>} : memref<1x768x1xf32, #tpu.memory_space<vmem>>, vector<1x768x1xf32>,
    %swap3A_43 = arith.constant 0 : index
    %swap3A_44 = arith.constant 0 : index
    %swap3A_45 = arith.constant 0 : index
    %swap3A_46 = vector.load %arg7[%swap3A_43, %swap3A_44, %swap3A_45] : memref<1x768x1xi32, #tpu.memory_space<vmem>>, vector<1x768x1xi32>
    %swap3A_47 = vector.shape_cast %swap3A_46 : vector<1x768x1xi32> to vector<768x1xi32>
    %swap3A_48 = vector.shape_cast %broadcast_in_dim3A_37 : vector<768x1xi32> to vector<1x768x1xi32>
    tpu.vector_store %arg7[%swap3A_43, %swap3A_44, %swap3A_45], %swap3A_48 {strides = array<i32>} : memref<1x768x1xi32, #tpu.memory_space<vmem>>, vector<1x768x1xi32>,
    return
  }
  func.func @transform_0(%arg0: i32, %arg1: i32) -> (i32, i32, i32) {
    %c0_i32 = arith.constant 0 : i32
    %c0_i32_0 = arith.constant 0 : i32
    return %arg0, %arg1, %c0_i32 : i32, i32, i32
  }
  func.func @transform_1(%arg0: i32, %arg1: i32) -> (i32, i32, i32) {
    %c0_i32 = arith.constant 0 : i32
    %c0_i32_0 = arith.constant 0 : i32
    return %arg0, %arg1, %c0_i32 : i32, i32, i32
  }
  func.func @transform_2(%arg0: i32, %arg1: i32) -> (i32, i32, i32) {
    %c0_i32 = arith.constant 0 : i32
    %c0_i32_0 = arith.constant 0 : i32
    %c0_i32_1 = arith.constant 0 : i32
    return %arg0, %c0_i32, %c0_i32_0 : i32, i32, i32
  }
  func.func @transform_3(%arg0: i32, %arg1: i32) -> (i32, i32, i32) {
    %c0_i32 = arith.constant 0 : i32
    %c0_i32_0 = arith.constant 0 : i32
    %c0_i32_1 = arith.constant 0 : i32
    return %arg0, %c0_i32, %c0_i32_0 : i32, i32, i32
  }
  func.func @transform_4(%arg0: i32, %arg1: i32) -> (i32, i32, i32) {
    %c0_i32 = arith.constant 0 : i32
    %c0_i32_0 = arith.constant 0 : i32
    return %arg0, %arg1, %c0_i32 : i32, i32, i32
  }
  func.func @transform_5(%arg0: i32, %arg1: i32) -> (i32, i32, i32) {
    %c0_i32 = arith.constant 0 : i32
    %c0_i32_0 = arith.constant 0 : i32
    return %arg0, %arg1, %c0_i32 : i32, i32, i32
  }
}

</mosaic_0001>

<sc_bundles>
// kernel: kernel.4.cloned.1.call-start
scs
__scs_entry_jumppad:
0x0: {  	(pc) =	sbr.rel $0x88, $3  }
0x1: {  	(tag) =	ssettag $0x0;
	lr =	simm.s32 $0x1  }
0x2: {  	[smem:$0x3F9F] =	sst lr;
	_ =	strace $0xD0000000  }
0x3: {  	_ = 	snop  }
0x4: {  	_ = 	snop  }
0x5: {  	_ = 	snop  }
0x6: {  	_ = 	snop  }
0x7: {  	_ = 	snop  }
__scs_overlays_trampoline_lowered:
0x8: {  	[smem:$0x3FAE] =	sst s0  }
0x9: {  	[smem:$0x3FAF] =	sst s1  }
0xa: {  	[smem:$0x3FB0] =	sst s2  }
0xb: {  	[smem:$0x3FB1] =	sst s3  }
0xc: {  	[smem:$0x3FB2] =	sst s4  }
0xd: {  	[smem:$0x3FB3] =	sst s5  }
0xe: {  	[smem:$0x3FB4] =	sst s6  }
0xf: {  	[smem:$0x3FB5] =	sst s7  }
0x10: {  	[smem:$0x3FB6] =	sst s8  }
0x11: {  	[smem:$0x3FB7] =	sst s9;
	s0 =	simm.s32 @!p0 $0x0  }
0x12: {  	s1 =	sld [smem:$0x3F9D];
	s0 =	simm.s32 @p0 $0x1  }
0x13: {  	[smem:$0x3FB8] =	sst s0;
	s0 =	simm.s32 @!p1 $0x0  }
0x14: {  	s2 =	sld [smem:$0x3F9C];
	s0 =	simm.s32 @p1 $0x1  }
0x15: {  	[smem:$0x3FB9] =	sst s0;
	s0 =	simm.s32 @!p2 $0x0  }
0x16: {  	s3 =	sld [smem:$0x3FDB];
	s0 =	simm.s32 @p2 $0x1  }
0x17: {  	s4 =	simm.s32 $0x1BF5;
	[smem:$0x3FBB] =	sst s0  }
0x18: {  	s0 =	sld [smem:$0x3F9E];
	_ =	swait.ge [sflag:s4], $0x0  }
0x19: {  	s7 =	sld [smem:$0x3F9F]  }
0x1a: {  	s8 =	sadd.s32 $0xFFFFE003, lr  }
0x1b: {  	s9 =	sadd.s32 $0xFFFFFEF7, lr;
	s5 =	simm.s32 $0xFFFFFFFF;
	p2 =	slt.u32 s8, $0xFFFFF086  }
0x1c: {  	p1 =	slt.u32 s9, $0xF7A;
	s5 =	simm.s32 @!p2 $0x0  }
0x1d: {  	s5 =	simm.s32 @p1 $0x1;
	p0 =	seq.s32 s7, s2  }
0x1e: {  	s7 =	smul.u32 @!p0 $0xF7A, s2;
	p2 =	seq.s32 @!p0 s5, $0x0  }
0x1f: {  	s9 =	smul.u32 $0xF7A, s1;
	s8 =	simm.s32 @!p0 $0x1BF5;
	p2 =	por !p2, p0  }
0x20: {  	[sflag:s8] =	ssyncset.s32 @!p0 $0xFFFFF086;
	s6 =	sadd.s32 @!p0 s3, s7;
	s7 =	simm.s32 @!p0 $0x108  }
0x21: {  	s3 =	sadd.s32 s3, s9;
	s6 =	sadd.s32 @!p0 $0x88, s6;
	s7 =	simm.s32 @p2 $0x1082  }
0x22: {  	[simem:s7], [sflag:s8] =	dma.local @!p0 [hbm:s6], $0xF7A  }
0x23: {  	s9 =	sor.u32 $0xD0000000, s2;
	s6 =	simm.s32 $0x108;
	_ =	swait.ge @!p0 [sflag:s8], $0x0  }
0x24: {  	s3 =	sadd.s32 $0x88, s3;
	s6 =	simm.s32 @!p1 $0x1082;
	[sflag:s4] =	ssyncset.s32 $0xFFFFF086  }
0x25: {  	[simem:s6], [sflag:s4] =	dma.local [hbm:s3], $0xF7A  }
0x26: {  	[smem:$0x3F9F] =	sst s1;
	(tag) =	ssettag s2;
	_ =	strace s9  }
0x27: {  	s1 =	sld [smem:$0x3FAF]  }
0x28: {  	s2 =	sld [smem:$0x3FB0]  }
0x29: {  	s4 =	sld [smem:$0x3FB2]  }
0x2a: {  	p0 =	seq.s32 s5, $0x0;
	s5 =	sld [smem:$0x3FB3]  }
0x2b: {  	s6 =	sld [smem:$0x3FB4]  }
0x2c: {  	s7 =	sld [smem:$0x3FB5]  }
0x2d: {  	s3 =	simm.s32 $0x108;
	s8 =	sld [smem:$0x3FB6]  }
0x2e: {  	s3 =	simm.s32 @!p0 $0x1082;
	s9 =	sld [smem:$0x3FB7]  }
0x2f: {  	lr =	sadd.s32 s0, s3;
	s0 =	sld [smem:$0x3FAE]  }
0x30: {  	s3 =	sld [smem:$0x3FB1]  }
0x31: {  	[smem:$0x3FBA] =	sst s10  }
0x32: {  	s10 =	sld [smem:$0x3FB8];
	_ =	sdelay $0x3  }
0x33: {  	p0 =	seq.s32 s10, $0x1;
	s10 =	sld [smem:$0x3FBA];
	_ =	sdelay $0x3  }
0x34: {  	[smem:$0x3FBA] =	sst s10  }
0x35: {  	s10 =	sld [smem:$0x3FB9];
	_ =	sdelay $0x3  }
0x36: {  	p1 =	seq.s32 s10, $0x1;
	s10 =	sld [smem:$0x3FBA];
	_ =	sdelay $0x3  }
0x37: {  	[smem:$0x3FBA] =	sst s10  }
0x38: {  	s10 =	sld [smem:$0x3FBB]  }
0x39: {  	_ = 	snop;
	(pc) =	sbr.ind lr, $3  }
0x3a: {  	_ = 	snop  }
0x3b: {  	_ = 	snop  }
0x3c: {  	p2 =	seq.s32 s10, $0x1;
	s10 =	sld [smem:$0x3FBA]  }
0x3d: {  	_ =	shalt  }
0x3e: {  	_ =	shalt  }
0x3f: {  	_ =	shalt  }
0x40: {  	_ =	shalt  }
0x41: {  	_ =	shalt  }
0x42: {  	_ =	shalt  }
0x43: {  	_ =	shalt  }
0x44: {  	_ =	shalt  }
0x45: {  	_ =	shalt  }
0x46: {  	_ =	shalt  }
0x47: {  	_ =	shalt  }
0x48: {  	_ =	shalt  }
0x49: {  	_ =	shalt  }
0x4a: {  	_ =	shalt  }
0x4b: {  	_ =	shalt  }
0x4c: {  	_ =	shalt  }
0x4d: {  	_ =	shalt  }
0x4e: {  	_ =	shalt  }
0x4f: {  	_ =	shalt  }
0x50: {  	_ =	shalt  }
0x51: {  	_ =	shalt  }
0x52: {  	_ =	shalt  }
0x53: {  	_ =	shalt  }
0x54: {  	_ =	shalt  }
0x55: {  	_ =	shalt  }
0x56: {  	_ =	shalt  }
0x57: {  	_ =	shalt  }
0x58: {  	_ =	shalt  }
0x59: {  	_ =	shalt  }
0x5a: {  	_ =	shalt  }
0x5b: {  	_ =	shalt  }
0x5c: {  	_ =	shalt  }
0x5d: {  	_ =	shalt  }
0x5e: {  	_ =	shalt  }
0x5f: {  	_ =	shalt  }
0x60: {  	_ =	shalt  }
0x61: {  	_ =	shalt  }
0x62: {  	_ =	shalt  }
0x63: {  	_ =	shalt  }
0x64: {  	_ =	shalt  }
0x65: {  	_ =	shalt  }
0x66: {  	_ =	shalt  }
0x67: {  	_ =	shalt  }
0x68: {  	_ =	shalt  }
0x69: {  	_ =	shalt  }
0x6a: {  	_ =	shalt  }
0x6b: {  	_ =	shalt  }
0x6c: {  	_ =	shalt  }
0x6d: {  	_ =	shalt  }
0x6e: {  	_ =	shalt  }
0x6f: {  	_ =	shalt  }
0x70: {  	_ =	shalt  }
0x71: {  	_ =	shalt  }
0x72: {  	_ =	shalt  }
0x73: {  	_ =	shalt  }
0x74: {  	_ =	shalt  }
0x75: {  	_ =	shalt  }
0x76: {  	_ =	shalt  }
0x77: {  	_ =	shalt  }
0x78: {  	_ =	shalt  }
0x79: {  	_ =	shalt  }
0x7a: {  	_ =	shalt  }
0x7b: {  	_ =	shalt  }
0x7c: {  	_ =	shalt  }
0x7d: {  	_ =	shalt  }
0x7e: {  	_ =	shalt  }
0x7f: {  	_ =	shalt  }
0x80: {  	_ =	shalt  }
0x81: {  	_ =	shalt  }
0x82: {  	_ =	shalt  }
0x83: {  	_ =	shalt  }
0x84: {  	_ =	shalt  }
0x85: {  	_ =	shalt  }
0x86: {  	_ =	shalt  }
0x87: {  	_ =	shalt  }
.Lfunc_end0:
.L_simem_size_0:
called_computation_lowered:
.L_overlay_start_0:
0x88: {  	s2 =	sld [smem:$0x3FD9]  }
0x89: {  	s3 =	sld [smem:$0x3FFE];
	_ =	sdelay $0x1  }
0x8a: {  	s1 =	srdreg.scid  }
0x8b: {  	s0 =	sand.u32 $0x1, s1  }
0x8c: {  	s14 =	sshll.u32 s0, $0xA;
	s2 =	sadd.s32 s3, s2  }
0x8d: {  	s2 =	sadd.s32 s2, s14  }
0x8e: {  	[smem:$0x3FC6] =	sst s2  }
0x8f: {  	_ = 	snop  }
0x90: {  	s2 =	sld [smem:$0x3FD0];
	_ =	sdelay $0x2  }
0x91: {  	s15 =	simm.s32 $0xA;
	s4 =	simm.s32 $0x10  }
0x92: {  	[smem:s4], [sflag:s15] =	dma.local [hbm:s2], $0x1  }
0x93: {  	_ =	swait.eq [sflag:s15], $0x1  }
0x94: {  	[sflag:s15] =	ssyncset.done $0x0  }
0x95: {  	s16 =	sld [smem:$0x10];
	[sflag:s15] =	ssyncadd.s32 $0xFFFFFFFF  }
0x96: {  	s17 =	sld [smem:$0x11];
	(tm) =	ssettm $0x1  }
0x97: {  	s18 =	sld [smem:$0x3FFB];
	_ =	sdelay $0x3  }
0x98: {  	_ =	strace s18  }
0x99: {  	s4 =	sld [smem:$0x3FFC];
	_ =	sdelay $0x3  }
0x9a: {  	_ =	strace s4  }
0x9b: {  	s4 =	sld [smem:$0x3FFD];
	_ =	sdelay $0x3  }
0x9c: {  	_ =	strace s4  }
0x9d: {  	_ =	strace $0x8FFFFFFF  }
0x9e: {  	s19 =	sld [smem:$0x3FDB];
	_ =	sdelay $0x1  }
0x9f: {  	s5 =	simm.s32 $_scs_section_size  }
0xa0: {  	s6 =	simm.s32 $_size__tile_overlayer_lowered;
	s7 =	simm.s32 $_tile_overlayer_lowered  }
0xa1: {  	s22 =	simm.s32 $0x1BFF;
	s21 =	sshll.u32 s7, $0x1;
	s4 =	sadd.s32 s5, s19  }
0xa2: {  	s8 =	simm.s32 $0x0;
	s20 =	sshll.u32 s6, $0x1;
	s6 =	sadd.s32 s21, s4  }
0xa3: {  	[timem:s8], [sflag:s22] =	dma.local [hbm:s6], s20  }
0xa4: {  	_ =	swait.ge [sflag:s22], s20  }
0xa5: {  	s5 =	ssub.s32 $0x0, s20;
	[sflag:s22] =	ssyncset.done $0x0  }
0xa6: {  	[sflag:s22] =	ssyncadd.s32 s5;
	_ =	sdelay $0x1  }
0xa7: {  	s23 =	simm.s32 $0x1B8B  }
0xa8: {  	_ =	swait.ge [sflag:s23], $0x1  }
0xa9: {  	[sflag:s23] =	ssyncset.done $0x0  }
0xaa: {  	s25 =	simm.s32 $0x1B8E;
	s24 =	sld [smem:$0x3FFE];
	[sflag:s23] =	ssyncadd.s32 $0xFFFFFFFF  }
0xab: {  	s26 =	simm.s32 $execute0_lowered;
	[smem:$0x3FD2] =	sst s25  }
0xac: {  	s6 =	sshll.u32 s26, $0x1;
	_ =	strace $0x80000046;
	[dreg:$0x1] =	wrdreg $0xFFFFFFFF  }
0xad: {  	s28 =	simm.s32 $_size_execute0_lowered;
	s4 =	sadd.s32 s4, s6;
	[dreg:$0x0] =	wrdreg $0x0  }
0xae: {  	s6 =	sshll.u32 s28, $0x1;
	[dreg:$0x2] =	wrdreg s4  }
0xaf: {  	[dreg:$0x3] =	wrdreg s6  }
0xb0: {  	[dreg:$0x4] =	wrdreg $0xC0  }
0xb1: {  	_ =	task [dreg:s8], $0x5FFFF  }
0xb2: {  	[dreg:$0x1] =	wrdreg $0xFFFFFFFF  }
0xb3: {  	[dreg:$0x0] =	wrdreg $0x60  }
0xb4: {  	[dreg:$0x2] =	wrdreg s16  }
0xb5: {  	[dreg:$0x3] =	wrdreg s17  }
0xb6: {  	[dreg:$0x4] =	wrdreg s24  }
0xb7: {  	[dreg:$0x5] =	wrdreg $0x9  }
0xb8: {  	_ =	task.clear_ibuf [dreg:s8], $0x6FFFF;
	_ =	strace $0x90000046  }
0xb9: {  	s29 =	simm.s32 $0x9;
	_ =	strace $0x80000048  }
0xba: {  	_ =	swait.ge [sflag:s29], $0x1  }
0xbb: {  	[sflag:s29] =	ssyncadd.s32 $0xFFFFFFFF  }
0xbc: {  	_ =	strace $0x90000048  }
0xbd: {  	_ =	sfence  }
0xbe: {  	s30 =	sld [smem:$0x0];
	_ =	sdelay $0x2  }
0xbf: {  	s31 =	sshll.u32 s1, $0xD;
	s1 =	sshrl.u32 s1, $0x2  }
0xc0: {  	s3 =	sand.u32 $0x4000, s31;
	s1 =	sadd.s32 s1, s30  }
0xc1: {  	s0 =	sor.u32 s3, s0;
	s1 =	sshll.u32 s1, $0x11  }
0xc2: {  	s0 =	sor.u32 s1, s0  }
0xc3: {  	s0 =	sadd.s32 $0x8F2B, s0  }
0xc4: {  	[sflag:s0] =	ssyncadd.remote.s32 $0x1  }
0xc5: {  	_ =	sfence.sel $0xFFFF  }
0xc6: {  	[dreg:$0x0] =	wrdreg $0xFFFFFFFF;
	(pc) =	sbr.abs _section_cstart, $3  }
0xc7: {  	[dreg:$0x1] =	wrdreg $0xFFFFFFFF  }
0xc8: {  	_ =	task.clear_ibuf [dreg:s8], $0x2FFFF;
	_ =	strace $0x9FFFFFFF  }
0xc9: {  	(tm) =	ssettm $0x7FFFFFFF  }
tec
execute0_lowered:
.L_overlay_start_1:
0x0: {  	(tag) =	ssettag $0x1  }
0x1: {  	s3 =	rddreg [dreg:$0x0]  }
0x2: {  	s0 =	stileid.u32;
	s4 =	rddreg [dreg:$0x1]  }
0x3: {  	s1 =	srdreg.scid;
	s7 =	rddreg [dreg:$0x2];
	s12 =	simm.s32 $0x1300  }
0x4: {  	s13 =	simm.s32 $0x1380;
	s14 =	simm.s32 $0x0;
	s2 =	sshll.u32 s0, $0x1  }
0x5: {  	s5 =	sshrl.u32 s0, $0x2;
	s6 =	sand.u32 $0x1, s1;
	s1 =	rddreg [dreg:$0x3]  }
0x6: {  	s29 =	sand.u32 $0x6, s2;
	s8 =	smul.u32 $0x900, s5;
	s2 =	simm.s32 $0x0  }
0x7: {  	s5 =	smul.u32 $0x300, s5;
	s9 =	sor.u32 s6, s29;
	[smem:$0x7FF] =	sst s2  }
0x8: {  	s6 =	ssub.s32 $0x2, s6;
	s9 =	smul.u32 $0x60, s9;
	s10 =	sshrl.u32 s8, $0x3  }
0x9: {  	_ =	strace $0x80000047;
	s11 =	sshrl.u32 s6, $0x1;
	s10 =	sadd.s32 s10, s7  }
0xa: {  	s11 =	ssub.s32 s6, s11;
	s5 =	sadd.s32 s5, s9;
	s8 =	sadd.s32 s8, s9  }
0xb: {  	s6 =	sadd.s32 $0x600, s10;
	s9 =	smax.u32 s11, $0x1;
	s5 =	sshrl.u32 s5, $0x3  }
0xc: {  	s11 =	simm.s32 $0x80;
	s31 =	sshrl.u32 s8, $0x3;
	s30 =	sadd.s32 s5, s7  }
0xd: {  	s3 =	sadd.s32 s3, s31;
	s4 =	sadd.s32 s4, s31;
	s5 =	sadd.s32 $0xC00, s10  }
0xe: {  	s10 =	simm.s32 $0x1;
	s7 =	sadd.s32 $0x1200, s30;
	s8 =	sadd.s32 $0x1400, s30  }
.LBB2_1:
0xf: {  	[tilespmem:s2], [sflag:$0x1] =	stream.linear.gather [hbm4b:s3+s2], $0x60, $0x38;
	[tilespmem:$0x1400] =	vst v63  }
0x10: {  	_ =	swait.ge [sflag:s10], $0x60  }
0x11: {  	[sflag:s10] =	ssyncset.done $0x0  }
0x12: {  	[sflag:s10] =	ssyncadd.s32 $0xFFFFFFA0  }
0x13: {  	[tilespmem:s11], [sflag:$0x1] =	stream.linear.gather [hbm4b:s4+s2], $0x60, $0x38;
	[tilespmem:$0x1400] =	vst v63  }
0x14: {  	_ =	swait.ge [sflag:s10], $0x60  }
0x15: {  	[sflag:s10] =	ssyncset.done $0x0  }
0x16: {  	s15 =	simm.s32 $0x100;
	[sflag:s10] =	ssyncadd.s32 $0xFFFFFFA0  }
0x17: {  	[tilespmem:s15], [sflag:$0x1] =	stream.linear.gather [hbm4b:s5+s2], $0x900, $0x38;
	[tilespmem:$0x1400] =	vst v63  }
0x18: {  	_ =	swait.ge [sflag:s10], $0x900  }
0x19: {  	[sflag:s10] =	ssyncset.done $0x0  }
0x1a: {  	s16 =	simm.s32 $0xA00;
	[sflag:s10] =	ssyncadd.s32 $0xFFFFF700  }
0x1b: {  	[tilespmem:s16], [sflag:$0x1] =	stream.linear.gather [hbm4b:s6+s2], $0x900, $0x38;
	[tilespmem:$0x1400] =	vst v63  }
0x1c: {  	_ =	swait.ge [sflag:s10], $0x900  }
0x1d: {  	[sflag:s10] =	ssyncset.done $0x0  }
0x1e: {  	[sflag:s10] =	ssyncadd.s32 $0xFFFFF700  }
0x1f: {  	v0 =	vld [tilespmem:$0x0]  }
0x20: {  	v1 =	vld [tilespmem:$0x80]  }
0x21: {  	v2 =	vld [tilespmem:$0x10]  }
0x22: {  	v3 =	vld [tilespmem:$0x90]  }
0x23: {  	v9 =	vimm.f32 $+Inf;
	v8 =	vimm.s32 $0x0;
	v10 =	vimm.s32 $0x0;
	v4 =	vld [tilespmem:$0x20]  }
0x24: {  	s17 =	simm.s32 $0xF;
	v13 =	vimm.s32 $0x0;
	v11 =	vimm.f32 $+Inf;
	v12 =	vimm.f32 $+Inf;
	v5 =	vld [tilespmem:$0xA0]  }
.LBB2_2:
0x25: {  	v6 =	vld [tilespmem:s15+$0x0]  }
0x26: {  	v7 =	vld [tilespmem:s16+$0x0];
	_ =	sdelay $0x4  }
0x27: {  	v14 =	vbroadcast v6, $0x0;
	v15 =	vbroadcast v7, $0x0;
	_ =	sdelay $0x1  }
0x28: {  	v37 =	vbroadcast v6, $0x1;
	v16 =	vsub.f32 v0, v14;
	v17 =	vsub.f32 v1, v15  }
0x29: {  	v20 =	vbroadcast v7, $0x1;
	v18 =	vsub.f32 v2, v14;
	v19 =	vsub.f32 v3, v15  }
0x2a: {  	v14 =	vsub.f32 v4, v14;
	v15 =	vsub.f32 v5, v15  }
0x2b: {  	v45 =	vbroadcast v6, $0x2;
	v21 =	vsub.f32 v0, v37;
	v38 =	vsub.f32 v1, v20  }
0x2c: {  	v46 =	vbroadcast v7, $0x2;
	v41 =	vsub.f32 v2, v37;
	v22 =	vsub.f32 v3, v20  }
0x2d: {  	v44 =	vsub.f32 v5, v20;
	v48 =	vsub.f32 v0, v45  }
0x2e: {  	v58 =	vbroadcast v6, $0x3;
	v49 =	vsub.f32 v1, v46;
	v50 =	vsub.f32 v2, v45  }
0x2f: {  	v59 =	vbroadcast v7, $0x3;
	v23 =	vsub.f32 v3, v46;
	v55 =	vsub.f32 v4, v45  }
0x30: {  	v30 =	vbroadcast v6, $0x4;
	v56 =	vsub.f32 v5, v46;
	v60 =	vsub.f32 v0, v58  }
0x31: {  	v31 =	vbroadcast v7, $0x4;
	v61 =	vsub.f32 v1, v59;
	v62 =	vsub.f32 v2, v58  }
0x32: {  	v63 =	vsub.f32 v3, v59;
	v32 =	vsub.f32 v0, v30  }
0x33: {  	v33 =	vsub.f32 v1, v31;
	v16 =	vand.u32 $0x7FFFFFFF, v16;
	v17 =	vand.u32 $0x7FFFFFFF, v17  }
0x34: {  	v18 =	vand.u32 $0x7FFFFFFF, v18;
	v36 =	vand.u32 $0x7FFFFFFF, v19;
	v14 =	vand.u32 $0x7FFFFFFF, v14  }
0x35: {  	v15 =	vand.u32 $0x7FFFFFFF, v15;
	v21 =	vand.u32 $0x7FFFFFFF, v21;
	v42 =	vand.u32 $0x7FFFFFFF, v41  }
0x36: {  	v43 =	vand.u32 $0x7FFFFFFF, v22;
	v47 =	vand.u32 $0x7FFFFFFF, v44;
	v22 =	vand.u32 $0x7FFFFFFF, v50  }
0x37: {  	v23 =	vand.u32 $0x7FFFFFFF, v23;
	v57 =	vand.u32 $0x7FFFFFFF, v56;
	v25 =	vand.u32 $0x7FFFFFFF, v61  }
0x38: {  	v26 =	vand.u32 $0x7FFFFFFF, v62;
	v19 =	vsub.f32 v5, v31;
	v16 =	vadd.f32 $9.999999930e-09, v16  }
0x39: {  	v27 =	vand.u32 $0x7FFFFFFF, v63;
	v17 =	vadd.f32 $9.999999930e-09, v17;
	v35 =	vadd.f32 $9.999999930e-09, v18  }
0x3a: {  	v41 =	vbroadcast v6, $0x5;
	v18 =	vadd.f32 $9.999999930e-09, v36;
	v14 =	vadd.f32 $9.999999930e-09, v14  }
0x3b: {  	v50 =	vbroadcast v6, $0x6;
	v15 =	vadd.f32 $9.999999930e-09, v15;
	v21 =	vadd.f32 $9.999999930e-09, v21  }
0x3c: {  	v56 =	vbroadcast v6, $0x7;
	v51 =	vadd.f32 $9.999999930e-09, v23;
	v28 =	vadd.f32 $9.999999930e-09, v27  }
0x3d: {  	v36 =	vand.u32 $0x7FFFFFFF, v33;
	v19 =	vand.u32 $0x7FFFFFFF, v19;
	v16 =	vmul.f32 v16, v16  }
0x3e: {  	v62 =	vsub.f32 v2, v56;
	v17 =	vmul.f32 v17, v17;
	v18 =	vmul.f32 v18, v18  }
0x3f: {  	v23 =	vsub.f32 v4, v56;
	v14 =	vmul.f32 v14, v14;
	v15 =	vmul.f32 v15, v15  }
0x40: {  	v40 =	vmul.f32 v21, v21;
	v21 =	vand.u32 $0x7FFFFFFF, v49;
	v54 =	vmul.f32 v51, v51  }
0x41: {  	v20 =	vmul.f32 v28, v28;
	v19 =	vadd.f32 $9.999999930e-09, v19;
	v51 =	vbroadcast v7, $0x6  }
0x42: {  	v21 =	vadd.f32 $9.999999930e-09, v21;
	v16 =	vadd.f32 v17, v16;
	v17 =	vmul.f32 v35, v35  }
0x43: {  	v14 =	vadd.f32 v15, v14;
	v35 =	vand.u32 $0x7FFFFFFF, v32;
	v19 =	vmul.f32 v19, v19  }
0x44: {  	v53 =	vmul.f32 v21, v21;
	vm0 =	vlt.f32 v16, v12;
	v17 =	vadd.f32 v18, v17  }
0x45: {  	s18 =	sadd.s32 $0xFFFFFFF1, s17;
	v18 =	vand.u32 $0x7FFFFFFF, v38;
	v12 =	vmin.f32 v12, v16;
	vm8 =	vlt.f32 v14, v9  }
0x46: {  	v9 =	vmin.f32 v9, v14;
	v14 =	vsub.f32 v4, v37;
	v13 =	vsel vm0, s18, v13  }
0x47: {  	v39 =	vadd.f32 $9.999999930e-09, v18;
	v8 =	vsel vm8, s18, v8;
	v18 =	vand.u32 $0x7FFFFFFF, v48  }
0x48: {  	vm7 =	vlt.f32 v17, v11;
	v11 =	vmin.f32 v11, v17;
	v17 =	vadd.f32 $9.999999930e-09, v43  }
0x49: {  	v14 =	vand.u32 $0x7FFFFFFF, v14;
	v18 =	vadd.f32 $9.999999930e-09, v18;
	v43 =	vsub.f32 v0, v41  }
0x4a: {  	v16 =	vmul.f32 v39, v39;
	v10 =	vsel vm7, s18, v10;
	v14 =	vadd.f32 $9.999999930e-09, v14  }
0x4b: {  	v39 =	vsub.f32 v3, v31;
	v52 =	vmul.f32 v18, v18;
	v18 =	vsub.f32 v4, v58  }
0x4c: {  	v17 =	vmul.f32 v17, v17;
	v58 =	vsub.f32 v0, v56;
	v15 =	vadd.f32 v16, v40  }
0x4d: {  	v16 =	vadd.f32 $9.999999930e-09, v42;
	v14 =	vmul.f32 v14, v14;
	v40 =	vand.u32 $0x7FFFFFFF, v39  }
0x4e: {  	v42 =	vbroadcast v7, $0x5;
	v39 =	vbroadcast v7, $0x9;
	v29 =	vand.u32 $0x7FFFFFFF, v18  }
0x4f: {  	v18 =	vsub.f32 v4, v30;
	vm9 =	vlt.f32 v15, v12;
	v16 =	vmul.f32 v16, v16  }
0x50: {  	s30 =	sadd.s32 $0xFFFFFFF2, s17;
	v12 =	vmin.f32 v12, v15;
	v15 =	vadd.f32 $9.999999930e-09, v22;
	v44 =	vsub.f32 v1, v42  }
0x51: {  	v46 =	vsub.f32 v3, v42;
	v13 =	vsel vm9, s30, v13;
	v18 =	vand.u32 $0x7FFFFFFF, v18  }
0x52: {  	v16 =	vadd.f32 v17, v16;
	v17 =	vadd.f32 $9.999999930e-09, v47;
	v15 =	vmul.f32 v15, v15  }
0x53: {  	v18 =	vadd.f32 $9.999999930e-09, v18;
	v45 =	vand.u32 $0x7FFFFFFF, v44;
	v47 =	vsub.f32 v5, v42  }
0x54: {  	v17 =	vmul.f32 v17, v17;
	vm10 =	vlt.f32 v16, v11;
	v11 =	vmin.f32 v11, v16  }
0x55: {  	v15 =	vadd.f32 v54, v15;
	v16 =	vadd.f32 $9.999999930e-09, v57;
	v18 =	vmul.f32 v18, v18  }
0x56: {  	v49 =	vand.u32 $0x7FFFFFFF, v47;
	v54 =	vsub.f32 v3, v51;
	v57 =	vbroadcast v7, $0x7  }
0x57: {  	v10 =	vsel vm10, s30, v10;
	v14 =	vadd.f32 v17, v14;
	v17 =	vadd.f32 v53, v52  }
0x58: {  	vm13 =	vlt.f32 v15, v11;
	v11 =	vmin.f32 v11, v15;
	v15 =	vadd.f32 $9.999999930e-09, v26  }
0x59: {  	s31 =	sadd.s32 $0xFFFFFFF3, s17;
	v16 =	vmul.f32 v16, v16;
	v52 =	vsub.f32 v1, v51;
	v53 =	vsub.f32 v2, v50  }
0x5a: {  	v63 =	vsub.f32 v3, v57;
	v26 =	vbroadcast v7, $0x8;
	v10 =	vsel vm13, s31, v10  }
0x5b: {  	vm11 =	vlt.f32 v14, v9;
	vm12 =	vlt.f32 v17, v12;
	v9 =	vmin.f32 v9, v14  }
0x5c: {  	v14 =	vand.u32 $0x7FFFFFFF, v55;
	v12 =	vmin.f32 v12, v17;
	v17 =	vand.u32 $0x7FFFFFFF, v60  }
0x5d: {  	v15 =	vmul.f32 v15, v15;
	v60 =	vand.u32 $0x7FFFFFFF, v58;
	v22 =	vand.u32 $0x7FFFFFFF, v63  }
0x5e: {  	v28 =	vsub.f32 v1, v26;
	v33 =	vsub.f32 v3, v26;
	v8 =	vsel vm11, s30, v8  }
0x5f: {  	v13 =	vsel vm12, s31, v13;
	v14 =	vadd.f32 $9.999999930e-09, v14;
	v24 =	vadd.f32 $9.999999930e-09, v17  }
0x60: {  	v17 =	vadd.f32 $9.999999930e-09, v25;
	v25 =	vbroadcast v6, $0x8;
	v15 =	vadd.f32 v20, v15  }
0x61: {  	v20 =	vadd.f32 $9.999999930e-09, v36;
	v36 =	vsub.f32 v5, v26;
	v14 =	vmul.f32 v14, v14  }
0x62: {  	v17 =	vmul.f32 v17, v17;
	v27 =	vsub.f32 v0, v25;
	v32 =	vsub.f32 v2, v25  }
0x63: {  	vm4 =	vlt.f32 v15, v11;
	v11 =	vmin.f32 v11, v15;
	v15 =	vsub.f32 v2, v30  }
0x64: {  	v38 =	vmul.f32 v20, v20;
	v30 =	vand.u32 $0x7FFFFFFF, v28;
	v14 =	vadd.f32 v16, v14  }
0x65: {  	v20 =	vsub.f32 v5, v39;
	v16 =	vmul.f32 v24, v24;
	v24 =	vsub.f32 v5, v57  }
0x66: {  	v31 =	vadd.f32 $9.999999930e-09, v30;
	v15 =	vand.u32 $0x7FFFFFFF, v15;
	vm14 =	vlt.f32 v14, v9  }
0x67: {  	s19 =	sadd.s32 $0xFFFFFFF4, s17;
	v9 =	vmin.f32 v9, v14;
	v14 =	vsub.f32 v5, v59;
	v16 =	vadd.f32 v17, v16  }
0x68: {  	v10 =	vsel vm4, s19, v10;
	v17 =	vadd.f32 $9.999999930e-09, v29;
	v15 =	vadd.f32 $9.999999930e-09, v15  }
0x69: {  	v59 =	vsub.f32 v1, v57;
	v29 =	vand.u32 $0x7FFFFFFF, v27;
	v8 =	vsel vm14, s31, v8  }
0x6a: {  	v14 =	vand.u32 $0x7FFFFFFF, v14;
	vm15 =	vlt.f32 v16, v12;
	v12 =	vmin.f32 v12, v16  }
0x6b: {  	v34 =	vmul.f32 v17, v17;
	v17 =	vadd.f32 $9.999999930e-09, v35;
	v15 =	vmul.f32 v15, v15  }
0x6c: {  	v61 =	vand.u32 $0x7FFFFFFF, v59;
	v35 =	vand.u32 $0x7FFFFFFF, v33;
	v59 =	vbroadcast v6, $0xB  }
0x6d: {  	v33 =	vbroadcast v7, $0xC;
	v14 =	vadd.f32 $9.999999930e-09, v14;
	v37 =	vmul.f32 v17, v17  }
0x6e: {  	v13 =	vsel vm15, s19, v13;
	v17 =	vadd.f32 $9.999999930e-09, v40;
	v40 =	vsub.f32 v1, v39  }
0x6f: {  	v28 =	vsub.f32 v2, v59;
	v14 =	vmul.f32 v14, v14;
	v16 =	vadd.f32 v38, v37  }
0x70: {  	v30 =	vsub.f32 v4, v59;
	v17 =	vmul.f32 v17, v17;
	v37 =	vbroadcast v6, $0x9  }
0x71: {  	v14 =	vadd.f32 v14, v34;
	v34 =	vand.u32 $0x7FFFFFFF, v32;
	vm6 =	vlt.f32 v16, v12  }
0x72: {  	v15 =	vadd.f32 v17, v15;
	v12 =	vmin.f32 v12, v16;
	v16 =	vadd.f32 $9.999999930e-09, v45  }
0x73: {  	v32 =	vbroadcast v6, $0xC;
	v17 =	vsub.f32 v4, v41;
	v38 =	vsub.f32 v0, v37  }
0x74: {  	s20 =	sadd.s32 $0xFFFFFFF5, s17;
	v42 =	vsub.f32 v2, v37;
	vm5 =	vlt.f32 v14, v9;
	v9 =	vmin.f32 v9, v14  }
0x75: {  	v13 =	vsel vm6, s20, v13;
	v14 =	vadd.f32 v19, v18;
	v18 =	vand.u32 $0x7FFFFFFF, v46  }
0x76: {  	v19 =	vsub.f32 v4, v50;
	v8 =	vsel vm5, s19, v8;
	vm7 =	vlt.f32 v15, v11  }
0x77: {  	v11 =	vmin.f32 v11, v15;
	v15 =	vand.u32 $0x7FFFFFFF, v43;
	v16 =	vmul.f32 v16, v16  }
0x78: {  	v18 =	vadd.f32 $9.999999930e-09, v18;
	v17 =	vand.u32 $0x7FFFFFFF, v17;
	v43 =	vsub.f32 v3, v39  }
0x79: {  	v45 =	vand.u32 $0x7FFFFFFF, v42;
	v39 =	vsub.f32 v2, v32;
	v42 =	vbroadcast v6, $0xD  }
0x7a: {  	v10 =	vsel vm7, s20, v10;
	vm8 =	vlt.f32 v14, v9;
	v15 =	vadd.f32 $9.999999930e-09, v15  }
0x7b: {  	v9 =	vmin.f32 v9, v14;
	v14 =	vsub.f32 v2, v41;
	v48 =	vadd.f32 $9.999999930e-09, v17  }
0x7c: {  	v17 =	vadd.f32 $9.999999930e-09, v49;
	v55 =	vand.u32 $0x7FFFFFFF, v19;
	v41 =	vand.u32 $0x7FFFFFFF, v40  }
0x7d: {  	v19 =	vsub.f32 v4, v37;
	v49 =	vand.u32 $0x7FFFFFFF, v20;
	v40 =	vsub.f32 v3, v33  }
0x7e: {  	v8 =	vsel vm8, s20, v8;
	v44 =	vadd.f32 $9.999999930e-09, v41;
	v15 =	vmul.f32 v15, v15  }
0x7f: {  	v46 =	vand.u32 $0x7FFFFFFF, v43;
	v43 =	vsub.f32 v5, v33;
	v14 =	vand.u32 $0x7FFFFFFF, v14  }
0x80: {  	v18 =	vmul.f32 v18, v18;
	v14 =	vadd.f32 $9.999999930e-09, v14;
	v15 =	vadd.f32 v16, v15  }
0x81: {  	v17 =	vmul.f32 v17, v17;
	v16 =	vmul.f32 v48, v48;
	v48 =	vand.u32 $0x7FFFFFFF, v19  }
0x82: {  	v14 =	vmul.f32 v14, v14;
	vm9 =	vlt.f32 v15, v12;
	v12 =	vmin.f32 v12, v15  }
0x83: {  	s21 =	sadd.s32 $0xFFFFFFF6, s17;
	v15 =	vsub.f32 v0, v50;
	v16 =	vadd.f32 v17, v16;
	v17 =	vand.u32 $0x7FFFFFFF, v53  }
0x84: {  	v50 =	vbroadcast v6, $0xA;
	v14 =	vadd.f32 v18, v14;
	v13 =	vsel vm9, s21, v13  }
0x85: {  	v17 =	vadd.f32 $9.999999930e-09, v17;
	v18 =	vsub.f32 v5, v51;
	v51 =	vbroadcast v7, $0xA  }
0x86: {  	vm11 =	vlt.f32 v16, v9;
	v9 =	vmin.f32 v9, v16;
	vm10 =	vlt.f32 v14, v11  }
0x87: {  	v11 =	vmin.f32 v11, v14;
	v14 =	vand.u32 $0x7FFFFFFF, v15;
	v15 =	vand.u32 $0x7FFFFFFF, v52  }
0x88: {  	v16 =	vand.u32 $0x7FFFFFFF, v54;
	v14 =	vadd.f32 $9.999999930e-09, v14;
	v15 =	vadd.f32 $9.999999930e-09, v15  }
0x89: {  	v54 =	vsub.f32 v2, v50;
	v58 =	vsub.f32 v4, v50;
	v17 =	vmul.f32 v17, v17  }
0x8a: {  	v8 =	vsel vm11, s21, v8;
	v14 =	vmul.f32 v14, v14;
	v15 =	vmul.f32 v15, v15  }
0x8b: {  	v18 =	vand.u32 $0x7FFFFFFF, v18;
	v52 =	vsub.f32 v0, v50;
	v56 =	vsub.f32 v3, v51  }
0x8c: {  	v50 =	vbroadcast v6, $0xE;
	v18 =	vadd.f32 $9.999999930e-09, v18;
	v14 =	vadd.f32 v15, v14  }
0x8d: {  	v6 =	vbroadcast v6, $0xF;
	v15 =	vadd.f32 $9.999999930e-09, v16;
	v16 =	vadd.f32 $9.999999930e-09, v55  }
0x8e: {  	v10 =	vsel vm10, s21, v10;
	v53 =	vand.u32 $0x7FFFFFFF, v52;
	v18 =	vmul.f32 v18, v18  }
0x8f: {  	v55 =	vand.u32 $0x7FFFFFFF, v54;
	v15 =	vmul.f32 v15, v15;
	v16 =	vmul.f32 v16, v16  }
0x90: {  	v52 =	vsub.f32 v0, v50;
	v57 =	vadd.f32 $9.999999930e-09, v55;
	vm12 =	vlt.f32 v14, v12  }
0x91: {  	s22 =	sadd.s32 $0xFFFFFFF7, s17;
	v12 =	vmin.f32 v12, v14;
	v14 =	vadd.f32 v15, v17;
	v15 =	vadd.f32 v18, v16  }
0x92: {  	v13 =	vsel vm12, s22, v13;
	v16 =	vadd.f32 $9.999999930e-09, v60;
	v17 =	vadd.f32 $9.999999930e-09, v61  }
0x93: {  	v18 =	vand.u32 $0x7FFFFFFF, v24;
	v60 =	vbroadcast v7, $0xB;
	v61 =	vsub.f32 v0, v59  }
0x94: {  	v18 =	vadd.f32 $9.999999930e-09, v18;
	vm13 =	vlt.f32 v14, v11;
	vm14 =	vlt.f32 v15, v9  }
0x95: {  	v16 =	vmul.f32 v16, v16;
	v17 =	vmul.f32 v17, v17;
	v11 =	vmin.f32 v11, v14  }
0x96: {  	v14 =	vand.u32 $0x7FFFFFFF, v62;
	v9 =	vmin.f32 v9, v15;
	v15 =	vadd.f32 $9.999999930e-09, v22  }
0x97: {  	v62 =	vsub.f32 v1, v60;
	v24 =	vand.u32 $0x7FFFFFFF, v61;
	v14 =	vadd.f32 $9.999999930e-09, v14  }
0x98: {  	v10 =	vsel vm13, s22, v10;
	v8 =	vsel vm14, s22, v8;
	v16 =	vadd.f32 v17, v16  }
0x99: {  	v15 =	vmul.f32 v15, v15;
	v17 =	vand.u32 $0x7FFFFFFF, v23;
	v14 =	vmul.f32 v14, v14  }
0x9a: {  	v18 =	vmul.f32 v18, v18;
	v17 =	vadd.f32 $9.999999930e-09, v17;
	vm15 =	vlt.f32 v16, v12  }
0x9b: {  	v12 =	vmin.f32 v12, v16;
	v16 =	vmul.f32 v31, v31;
	v14 =	vadd.f32 v15, v14  }
0x9c: {  	s23 =	sadd.s32 $0xFFFFFFF8, s17;
	v31 =	vsub.f32 v5, v60;
	v15 =	vmul.f32 v17, v17;
	v17 =	vadd.f32 $9.999999930e-09, v29  }
0x9d: {  	v13 =	vsel vm15, s23, v13;
	v29 =	vand.u32 $0x7FFFFFFF, v28;
	vm4 =	vlt.f32 v14, v11  }
0x9e: {  	v15 =	vadd.f32 v18, v15;
	v17 =	vmul.f32 v17, v17;
	v18 =	vand.u32 $0x7FFFFFFF, v36  }
0x9f: {  	v11 =	vmin.f32 v11, v14;
	v10 =	vsel vm4, s23, v10;
	v18 =	vadd.f32 $9.999999930e-09, v18  }
0xa0: {  	vm5 =	vlt.f32 v15, v9;
	v14 =	vadd.f32 v16, v17;
	v16 =	vadd.f32 $9.999999930e-09, v34  }
0xa1: {  	v17 =	vadd.f32 $9.999999930e-09, v35;
	v9 =	vmin.f32 v9, v15;
	v15 =	vsub.f32 v4, v25  }
0xa2: {  	v25 =	vand.u32 $0x7FFFFFFF, v62;
	v34 =	vsub.f32 v0, v32;
	v35 =	vsub.f32 v1, v33  }
0xa3: {  	v62 =	vsub.f32 v2, v6;
	v8 =	vsel vm5, s23, v8;
	v21 =	vadd.f32 $9.999999930e-09, v25  }
0xa4: {  	vm6 =	vlt.f32 v14, v12;
	v16 =	vmul.f32 v16, v16;
	v17 =	vmul.f32 v17, v17  }
0xa5: {  	s24 =	sadd.s32 $0xFFFFFFF9, s17;
	v15 =	vand.u32 $0x7FFFFFFF, v15;
	v12 =	vmin.f32 v12, v14;
	v36 =	vand.u32 $0x7FFFFFFF, v34  }
0xa6: {  	v37 =	vand.u32 $0x7FFFFFFF, v35;
	v13 =	vsel vm6, s24, v13;
	v15 =	vadd.f32 $9.999999930e-09, v15  }
0xa7: {  	v27 =	vmul.f32 v21, v21;
	v21 =	vand.u32 $0x7FFFFFFF, v39;
	v16 =	vadd.f32 v17, v16  }
0xa8: {  	v17 =	vand.u32 $0x7FFFFFFF, v38;
	v38 =	vadd.f32 $9.999999930e-09, v37;
	v14 =	vmul.f32 v15, v15  }
0xa9: {  	v15 =	vmul.f32 v18, v18;
	v18 =	vadd.f32 $9.999999930e-09, v46;
	v46 =	vand.u32 $0x7FFFFFFF, v43  }
0xaa: {  	vm7 =	vlt.f32 v16, v11;
	v11 =	vmin.f32 v11, v16;
	v16 =	vmul.f32 v44, v44  }
0xab: {  	v44 =	vbroadcast v7, $0xD;
	v14 =	vadd.f32 v15, v14;
	v15 =	vadd.f32 $9.999999930e-09, v17  }
0xac: {  	v17 =	vadd.f32 $9.999999930e-09, v45;
	v47 =	vmul.f32 v18, v18;
	v18 =	vadd.f32 $9.999999930e-09, v49  }
0xad: {  	v10 =	vsel vm7, s24, v10;
	v45 =	vsub.f32 v0, v42;
	v49 =	vsub.f32 v3, v44  }
0xae: {  	v20 =	vsub.f32 v5, v44;
	vm8 =	vlt.f32 v14, v9;
	v15 =	vmul.f32 v15, v15  }
0xaf: {  	v9 =	vmin.f32 v9, v14;
	v18 =	vmul.f32 v18, v18;
	v22 =	vand.u32 $0x7FFFFFFF, v49  }
0xb0: {  	v14 =	vadd.f32 v16, v15;
	v15 =	vmul.f32 v17, v17;
	v17 =	vadd.f32 $9.999999930e-09, v48  }
0xb1: {  	v20 =	vand.u32 $0x7FFFFFFF, v20;
	v16 =	vsub.f32 v5, v51;
	v48 =	vsub.f32 v2, v42  }
0xb2: {  	v8 =	vsel vm8, s24, v8;
	v22 =	vadd.f32 $9.999999930e-09, v22;
	v20 =	vadd.f32 $9.999999930e-09, v20  }
0xb3: {  	vm9 =	vlt.f32 v14, v12;
	v15 =	vadd.f32 v47, v15;
	v17 =	vmul.f32 v17, v17  }
0xb4: {  	v12 =	vmin.f32 v12, v14;
	v14 =	vsub.f32 v1, v51;
	v16 =	vand.u32 $0x7FFFFFFF, v16  }
0xb5: {  	s25 =	sadd.s32 $0xFFFFFFFA, s17;
	v47 =	vsub.f32 v1, v44;
	v51 =	vmul.f32 v22, v22;
	v20 =	vmul.f32 v20, v20  }
0xb6: {  	v13 =	vsel vm9, s25, v13;
	v16 =	vadd.f32 $9.999999930e-09, v16;
	vm10 =	vlt.f32 v15, v11  }
0xb7: {  	v17 =	vadd.f32 v18, v17;
	v18 =	vadd.f32 $9.999999930e-09, v53;
	v14 =	vand.u32 $0x7FFFFFFF, v14  }
0xb8: {  	v11 =	vmin.f32 v11, v15;
	v19 =	vand.u32 $0x7FFFFFFF, v47;
	v53 =	vand.u32 $0x7FFFFFFF, v52  }
0xb9: {  	v10 =	vsel vm10, s25, v10;
	v14 =	vadd.f32 $9.999999930e-09, v14;
	v16 =	vmul.f32 v16, v16  }
0xba: {  	v19 =	vadd.f32 $9.999999930e-09, v19;
	vm11 =	vlt.f32 v17, v9;
	v15 =	vmul.f32 v18, v18  }
0xbb: {  	v9 =	vmin.f32 v9, v17;
	v17 =	vmul.f32 v57, v57;
	v18 =	vand.u32 $0x7FFFFFFF, v58  }
0xbc: {  	v58 =	vsub.f32 v0, v6;
	v6 =	vsub.f32 v4, v6;
	v14 =	vmul.f32 v14, v14  }
0xbd: {  	v8 =	vsel vm11, s25, v8;
	v18 =	vadd.f32 $9.999999930e-09, v18;
	v19 =	vmul.f32 v19, v19  }
0xbe: {  	v6 =	vand.u32 $0x7FFFFFFF, v6;
	v14 =	vadd.f32 v14, v15;
	v15 =	vand.u32 $0x7FFFFFFF, v56  }
0xbf: {  	v63 =	vmul.f32 v18, v18;
	v18 =	vadd.f32 $9.999999930e-09, v24;
	v24 =	vbroadcast v7, $0xE  }
0xc0: {  	v56 =	vsub.f32 v4, v50;
	v7 =	vbroadcast v7, $0xF;
	v6 =	vadd.f32 $9.999999930e-09, v6  }
0xc1: {  	v15 =	vadd.f32 $9.999999930e-09, v15;
	vm12 =	vlt.f32 v14, v12;
	v12 =	vmin.f32 v12, v14  }
0xc2: {  	v14 =	vadd.f32 v16, v63;
	v26 =	vmul.f32 v18, v18;
	v18 =	vand.u32 $0x7FFFFFFF, v31  }
0xc3: {  	v25 =	vsub.f32 v1, v24;
	v55 =	vsub.f32 v3, v24;
	v15 =	vmul.f32 v15, v15  }
0xc4: {  	v57 =	vand.u32 $0x7FFFFFFF, v56;
	v59 =	vsub.f32 v1, v7;
	v63 =	vsub.f32 v3, v7  }
0xc5: {  	s26 =	sadd.s32 $0xFFFFFFFB, s17;
	v7 =	vsub.f32 v5, v7;
	v6 =	vmul.f32 v6, v6;
	v15 =	vadd.f32 v15, v17  }
0xc6: {  	v13 =	vsel vm12, s26, v13;
	v18 =	vadd.f32 $9.999999930e-09, v18;
	vm14 =	vlt.f32 v14, v9  }
0xc7: {  	vm13 =	vlt.f32 v15, v11;
	v11 =	vmin.f32 v11, v15;
	v15 =	vsub.f32 v3, v60  }
0xc8: {  	v16 =	vadd.f32 v27, v26;
	v9 =	vmin.f32 v9, v14;
	v14 =	vadd.f32 $9.999999930e-09, v29  }
0xc9: {  	v54 =	vand.u32 $0x7FFFFFFF, v25;
	v7 =	vand.u32 $0x7FFFFFFF, v7;
	v15 =	vand.u32 $0x7FFFFFFF, v15  }
0xca: {  	v8 =	vsel vm14, s26, v8;
	v17 =	vand.u32 $0x7FFFFFFF, v30;
	v15 =	vadd.f32 $9.999999930e-09, v15  }
0xcb: {  	v18 =	vmul.f32 v18, v18;
	v7 =	vadd.f32 $9.999999930e-09, v7;
	vm15 =	vlt.f32 v16, v12  }
0xcc: {  	v14 =	vmul.f32 v14, v14;
	v17 =	vadd.f32 $9.999999930e-09, v17;
	v15 =	vmul.f32 v15, v15  }
0xcd: {  	v12 =	vmin.f32 v12, v16;
	v16 =	vmul.f32 v38, v38;
	v7 =	vmul.f32 v7, v7  }
0xce: {  	s28 =	sadd.s32 $0xFFFFFFFC, s17;
	v14 =	vadd.f32 v15, v14;
	v15 =	vmul.f32 v17, v17;
	v17 =	vadd.f32 $9.999999930e-09, v36  }
0xcf: {  	v13 =	vsel vm15, s28, v13;
	v10 =	vsel vm13, s26, v10;
	v6 =	vadd.f32 v7, v6  }
0xd0: {  	vm2 =	vlt.f32 v14, v11;
	v15 =	vadd.f32 v18, v15;
	v17 =	vmul.f32 v17, v17  }
0xd1: {  	v11 =	vmin.f32 v11, v14;
	v14 =	vadd.f32 $9.999999930e-09, v21;
	v18 =	vand.u32 $0x7FFFFFFF, v40  }
0xd2: {  	v21 =	vand.u32 $0x7FFFFFFF, v48;
	v41 =	vadd.f32 $9.999999930e-09, v18;
	v18 =	vsub.f32 v4, v42  }
0xd3: {  	v21 =	vadd.f32 $9.999999930e-09, v21;
	vm1 =	vlt.f32 v15, v9;
	v16 =	vadd.f32 v16, v17  }
0xd4: {  	v9 =	vmin.f32 v9, v15;
	v14 =	vmul.f32 v14, v14;
	v15 =	vsub.f32 v4, v32  }
0xd5: {  	v17 =	vmul.f32 v41, v41;
	v18 =	vand.u32 $0x7FFFFFFF, v18;
	vm4 =	vlt.f32 v16, v12  }
0xd6: {  	v15 =	vand.u32 $0x7FFFFFFF, v15;
	v12 =	vmin.f32 v12, v16;
	v18 =	vadd.f32 $9.999999930e-09, v18  }
0xd7: {  	v16 =	vand.u32 $0x7FFFFFFF, v45;
	v15 =	vadd.f32 $9.999999930e-09, v15;
	v14 =	vadd.f32 v17, v14  }
0xd8: {  	v21 =	vmul.f32 v21, v21;
	v17 =	vadd.f32 $9.999999930e-09, v46;
	v16 =	vadd.f32 $9.999999930e-09, v16  }
0xd9: {  	v10 =	vsel vm2, s28, v10;
	v18 =	vmul.f32 v18, v18;
	v15 =	vmul.f32 v15, v15  }
0xda: {  	v17 =	vmul.f32 v17, v17;
	v16 =	vmul.f32 v16, v16;
	vm5 =	vlt.f32 v14, v11  }
0xdb: {  	v11 =	vmin.f32 v11, v14;
	v14 =	vsub.f32 v2, v50;
	v18 =	vadd.f32 v20, v18  }
0xdc: {  	v8 =	vsel vm1, s28, v8;
	v20 =	vadd.f32 $9.999999930e-09, v54;
	v15 =	vadd.f32 v17, v15  }
0xdd: {  	v16 =	vadd.f32 v19, v16;
	v17 =	vadd.f32 v51, v21;
	v14 =	vand.u32 $0x7FFFFFFF, v14  }
0xde: {  	v19 =	vadd.f32 $9.999999930e-09, v53;
	v21 =	vand.u32 $0x7FFFFFFF, v55;
	v14 =	vadd.f32 $9.999999930e-09, v14  }
0xdf: {  	s29 =	sadd.s32 $0xFFFFFFFD, s17;
	vm6 =	vlt.f32 v15, v9;
	v9 =	vmin.f32 v9, v15;
	v15 =	vadd.f32 $9.999999930e-09, v21  }
0xe0: {  	v13 =	vsel vm4, s29, v13;
	v20 =	vmul.f32 v20, v20;
	v19 =	vmul.f32 v19, v19  }
0xe1: {  	v10 =	vsel vm5, s29, v10;
	v14 =	vmul.f32 v14, v14;
	v15 =	vmul.f32 v15, v15  }
0xe2: {  	vm7 =	vlt.f32 v16, v12;
	v12 =	vmin.f32 v12, v16;
	vm8 =	vlt.f32 v17, v11  }
0xe3: {  	v21 =	vand.u32 $0x7FFFFFFF, v59;
	v14 =	vadd.f32 v15, v14;
	v15 =	vsub.f32 v5, v24  }
0xe4: {  	v16 =	vadd.f32 $9.999999930e-09, v57;
	v11 =	vmin.f32 v11, v17;
	v61 =	vadd.f32 $9.999999930e-09, v21  }
0xe5: {  	s30 =	sadd.s32 $0xFFFFFFFE, s17;
	v8 =	vsel vm6, s29, v8;
	vm9 =	vlt.f32 v18, v9;
	v15 =	vand.u32 $0x7FFFFFFF, v15  }
0xe6: {  	v9 =	vmin.f32 v9, v18;
	v13 =	vsel vm7, s30, v13;
	v15 =	vadd.f32 $9.999999930e-09, v15  }
0xe7: {  	v18 =	vand.u32 $0x7FFFFFFF, v63;
	v19 =	vadd.f32 v20, v19;
	v20 =	vand.u32 $0x7FFFFFFF, v58  }
0xe8: {  	v16 =	vmul.f32 v16, v16;
	v60 =	vadd.f32 $9.999999930e-09, v20;
	v15 =	vmul.f32 v15, v15  }
0xe9: {  	v10 =	vsel vm8, s30, v10;
	v18 =	vadd.f32 $9.999999930e-09, v18;
	v20 =	vmul.f32 v61, v61  }
0xea: {  	v17 =	vmul.f32 v60, v60;
	v15 =	vadd.f32 v15, v16;
	v16 =	vand.u32 $0x7FFFFFFF, v62  }
0xeb: {  	v8 =	vsel vm9, s30, v8;
	vm10 =	vlt.f32 v19, v12;
	v16 =	vadd.f32 $9.999999930e-09, v16  }
0xec: {  	s31 =	sadd.s32 $0xFFFFFFFF, s17;
	v12 =	vmin.f32 v12, v19;
	v18 =	vmul.f32 v18, v18;
	v17 =	vadd.f32 v20, v17  }
0xed: {  	p0 =	sne.s32 s17, $0x8FF;
	v13 =	vsel vm10, s31, v13;
	vm11 =	vlt.f32 v14, v11;
	v16 =	vmul.f32 v16, v16  }
.Ltmp0:
0xee: {  	v7 =	vmin.f32 v11, v14;
	v10 =	vsel vm11, s31, v10;
	vm13 =	vlt.f32 v17, v12;
	(pc) =	sbr.rel @p0 .LBB2_2-.Ltmp0, $4  }
0xef: {  	v12 =	vmin.f32 v12, v17;
	vm12 =	vlt.f32 v15, v9;
	v16 =	vadd.f32 v18, v16  }
0xf0: {  	v13 =	vsel vm13, s17, v13;
	v9 =	vmin.f32 v9, v15;
	v8 =	vsel vm12, s31, v8  }
0xf1: {  	vm15 =	vlt.f32 v6, v9;
	v9 =	vmin.f32 v9, v6;
	vm14 =	vlt.f32 v16, v7  }
0xf2: {  	s15 =	sadd.s32 $0x10, s15;
	s16 =	sadd.s32 $0x10, s16;
	v8 =	vsel vm15, s17, v8;
	v11 =	vmin.f32 v7, v16;
	v10 =	vsel vm14, s17, v10;
	s17 =	sadd.s32 $0x10, s17  }
0xf3: {  	[tilespmem:$0x1300] =	vst v12;
	v0 =	vld [tilespmem:$0x30]  }
0xf4: {  	[tilespmem:$0x1380] =	vst v13;
	v1 =	vld [tilespmem:$0xB0]  }
0xf5: {  	[tilespmem:$0x1310] =	vst v11;
	v2 =	vld [tilespmem:$0x40]  }
0xf6: {  	[tilespmem:$0x1390] =	vst v10;
	v3 =	vld [tilespmem:$0xC0]  }
0xf7: {  	[tilespmem:$0x1320] =	vst v9;
	v4 =	vld [tilespmem:$0x50];
	v10 =	vimm.f32 $+Inf;
	v9 =	vimm.s32 $0x0;
	v11 =	vimm.s32 $0x0  }
0xf8: {  	[tilespmem:$0x13A0] =	vst v8;
	s15 =	simm.s32 $0xF;
	s16 =	simm.s32 $0x100;
	s17 =	simm.s32 $0xA00;
	v5 =	vld [tilespmem:$0xD0];
	v13 =	vimm.s32 $0x0;
	v8 =	vimm.f32 $+Inf;
	v12 =	vimm.f32 $+Inf  }
.LBB2_4:
0xf9: {  	v6 =	vld [tilespmem:s16+$0x0]  }
0xfa: {  	v7 =	vld [tilespmem:s17+$0x0];
	_ =	sdelay $0x4  }
0xfb: {  	v14 =	vbroadcast v6, $0x0;
	v15 =	vbroadcast v7, $0x0;
	_ =	sdelay $0x1  }
0xfc: {  	v37 =	vbroadcast v6, $0x1;
	v16 =	vsub.f32 v0, v14;
	v17 =	vsub.f32 v1, v15  }
0xfd: {  	v20 =	vbroadcast v7, $0x1;
	v18 =	vsub.f32 v2, v14;
	v19 =	vsub.f32 v3, v15  }
0xfe: {  	v14 =	vsub.f32 v4, v14;
	v15 =	vsub.f32 v5, v15  }
0xff: {  	v45 =	vbroadcast v6, $0x2;
	v21 =	vsub.f32 v0, v37;
	v38 =	vsub.f32 v1, v20  }
0x100: {  	v46 =	vbroadcast v7, $0x2;
	v41 =	vsub.f32 v2, v37;
	v22 =	vsub.f32 v3, v20  }
0x101: {  	v44 =	vsub.f32 v5, v20;
	v48 =	vsub.f32 v0, v45  }
0x102: {  	v58 =	vbroadcast v6, $0x3;
	v49 =	vsub.f32 v1, v46;
	v50 =	vsub.f32 v2, v45  }
0x103: {  	v59 =	vbroadcast v7, $0x3;
	v23 =	vsub.f32 v3, v46;
	v55 =	vsub.f32 v4, v45  }
0x104: {  	v30 =	vbroadcast v6, $0x4;
	v56 =	vsub.f32 v5, v46;
	v60 =	vsub.f32 v0, v58  }
0x105: {  	v31 =	vbroadcast v7, $0x4;
	v61 =	vsub.f32 v1, v59;
	v62 =	vsub.f32 v2, v58  }
0x106: {  	v63 =	vsub.f32 v3, v59;
	v32 =	vsub.f32 v0, v30  }
0x107: {  	v33 =	vsub.f32 v1, v31;
	v16 =	vand.u32 $0x7FFFFFFF, v16;
	v17 =	vand.u32 $0x7FFFFFFF, v17  }
0x108: {  	v18 =	vand.u32 $0x7FFFFFFF, v18;
	v36 =	vand.u32 $0x7FFFFFFF, v19;
	v14 =	vand.u32 $0x7FFFFFFF, v14  }
0x109: {  	v15 =	vand.u32 $0x7FFFFFFF, v15;
	v21 =	vand.u32 $0x7FFFFFFF, v21;
	v42 =	vand.u32 $0x7FFFFFFF, v41  }
0x10a: {  	v43 =	vand.u32 $0x7FFFFFFF, v22;
	v47 =	vand.u32 $0x7FFFFFFF, v44;
	v22 =	vand.u32 $0x7FFFFFFF, v50  }
0x10b: {  	v23 =	vand.u32 $0x7FFFFFFF, v23;
	v57 =	vand.u32 $0x7FFFFFFF, v56;
	v25 =	vand.u32 $0x7FFFFFFF, v61  }
0x10c: {  	v26 =	vand.u32 $0x7FFFFFFF, v62;
	v19 =	vsub.f32 v5, v31;
	v16 =	vadd.f32 $9.999999930e-09, v16  }
0x10d: {  	v27 =	vand.u32 $0x7FFFFFFF, v63;
	v17 =	vadd.f32 $9.999999930e-09, v17;
	v35 =	vadd.f32 $9.999999930e-09, v18  }
0x10e: {  	v41 =	vbroadcast v6, $0x5;
	v18 =	vadd.f32 $9.999999930e-09, v36;
	v14 =	vadd.f32 $9.999999930e-09, v14  }
0x10f: {  	v50 =	vbroadcast v6, $0x6;
	v15 =	vadd.f32 $9.999999930e-09, v15;
	v21 =	vadd.f32 $9.999999930e-09, v21  }
0x110: {  	v56 =	vbroadcast v6, $0x7;
	v51 =	vadd.f32 $9.999999930e-09, v23;
	v28 =	vadd.f32 $9.999999930e-09, v27  }
0x111: {  	v36 =	vand.u32 $0x7FFFFFFF, v33;
	v19 =	vand.u32 $0x7FFFFFFF, v19;
	v16 =	vmul.f32 v16, v16  }
0x112: {  	v62 =	vsub.f32 v2, v56;
	v17 =	vmul.f32 v17, v17;
	v18 =	vmul.f32 v18, v18  }
0x113: {  	v23 =	vsub.f32 v4, v56;
	v14 =	vmul.f32 v14, v14;
	v15 =	vmul.f32 v15, v15  }
0x114: {  	v40 =	vmul.f32 v21, v21;
	v21 =	vand.u32 $0x7FFFFFFF, v49;
	v54 =	vmul.f32 v51, v51  }
0x115: {  	v20 =	vmul.f32 v28, v28;
	v19 =	vadd.f32 $9.999999930e-09, v19;
	v51 =	vbroadcast v7, $0x6  }
0x116: {  	v21 =	vadd.f32 $9.999999930e-09, v21;
	v16 =	vadd.f32 v17, v16;
	v17 =	vmul.f32 v35, v35  }
0x117: {  	v14 =	vadd.f32 v15, v14;
	v35 =	vand.u32 $0x7FFFFFFF, v32;
	v19 =	vmul.f32 v19, v19  }
0x118: {  	v53 =	vmul.f32 v21, v21;
	vm0 =	vlt.f32 v16, v12;
	v17 =	vadd.f32 v18, v17  }
0x119: {  	s18 =	sadd.s32 $0xFFFFFFF1, s15;
	v18 =	vand.u32 $0x7FFFFFFF, v38;
	v12 =	vmin.f32 v12, v16;
	vm8 =	vlt.f32 v14, v10  }
0x11a: {  	v10 =	vmin.f32 v10, v14;
	v14 =	vsub.f32 v4, v37;
	v13 =	vsel vm0, s18, v13  }
0x11b: {  	v39 =	vadd.f32 $9.999999930e-09, v18;
	v9 =	vsel vm8, s18, v9;
	v18 =	vand.u32 $0x7FFFFFFF, v48  }
0x11c: {  	vm7 =	vlt.f32 v17, v8;
	v8 =	vmin.f32 v8, v17;
	v17 =	vadd.f32 $9.999999930e-09, v43  }
0x11d: {  	v14 =	vand.u32 $0x7FFFFFFF, v14;
	v18 =	vadd.f32 $9.999999930e-09, v18;
	v43 =	vsub.f32 v0, v41  }
0x11e: {  	v16 =	vmul.f32 v39, v39;
	v11 =	vsel vm7, s18, v11;
	v14 =	vadd.f32 $9.999999930e-09, v14  }
0x11f: {  	v39 =	vsub.f32 v3, v31;
	v52 =	vmul.f32 v18, v18;
	v18 =	vsub.f32 v4, v58  }
0x120: {  	v17 =	vmul.f32 v17, v17;
	v58 =	vsub.f32 v0, v56;
	v15 =	vadd.f32 v16, v40  }
0x121: {  	v16 =	vadd.f32 $9.999999930e-09, v42;
	v14 =	vmul.f32 v14, v14;
	v40 =	vand.u32 $0x7FFFFFFF, v39  }
0x122: {  	v42 =	vbroadcast v7, $0x5;
	v39 =	vbroadcast v7, $0x9;
	v29 =	vand.u32 $0x7FFFFFFF, v18  }
0x123: {  	v18 =	vsub.f32 v4, v30;
	vm9 =	vlt.f32 v15, v12;
	v16 =	vmul.f32 v16, v16  }
0x124: {  	s30 =	sadd.s32 $0xFFFFFFF2, s15;
	v12 =	vmin.f32 v12, v15;
	v15 =	vadd.f32 $9.999999930e-09, v22;
	v44 =	vsub.f32 v1, v42  }
0x125: {  	v46 =	vsub.f32 v3, v42;
	v13 =	vsel vm9, s30, v13;
	v18 =	vand.u32 $0x7FFFFFFF, v18  }
0x126: {  	v16 =	vadd.f32 v17, v16;
	v17 =	vadd.f32 $9.999999930e-09, v47;
	v15 =	vmul.f32 v15, v15  }
0x127: {  	v18 =	vadd.f32 $9.999999930e-09, v18;
	v45 =	vand.u32 $0x7FFFFFFF, v44;
	v47 =	vsub.f32 v5, v42  }
0x128: {  	v17 =	vmul.f32 v17, v17;
	vm10 =	vlt.f32 v16, v8;
	v8 =	vmin.f32 v8, v16  }
0x129: {  	v15 =	vadd.f32 v54, v15;
	v16 =	vadd.f32 $9.999999930e-09, v57;
	v18 =	vmul.f32 v18, v18  }
0x12a: {  	v49 =	vand.u32 $0x7FFFFFFF, v47;
	v54 =	vsub.f32 v3, v51;
	v57 =	vbroadcast v7, $0x7  }
0x12b: {  	v11 =	vsel vm10, s30, v11;
	v14 =	vadd.f32 v17, v14;
	v17 =	vadd.f32 v53, v52  }
0x12c: {  	vm13 =	vlt.f32 v15, v8;
	v8 =	vmin.f32 v8, v15;
	v15 =	vadd.f32 $9.999999930e-09, v26  }
0x12d: {  	s31 =	sadd.s32 $0xFFFFFFF3, s15;
	v16 =	vmul.f32 v16, v16;
	v52 =	vsub.f32 v1, v51;
	v53 =	vsub.f32 v2, v50  }
0x12e: {  	v63 =	vsub.f32 v3, v57;
	v26 =	vbroadcast v7, $0x8;
	v11 =	vsel vm13, s31, v11  }
0x12f: {  	vm11 =	vlt.f32 v14, v10;
	vm12 =	vlt.f32 v17, v12;
	v10 =	vmin.f32 v10, v14  }
0x130: {  	v14 =	vand.u32 $0x7FFFFFFF, v55;
	v12 =	vmin.f32 v12, v17;
	v17 =	vand.u32 $0x7FFFFFFF, v60  }
0x131: {  	v15 =	vmul.f32 v15, v15;
	v60 =	vand.u32 $0x7FFFFFFF, v58;
	v22 =	vand.u32 $0x7FFFFFFF, v63  }
0x132: {  	v28 =	vsub.f32 v1, v26;
	v33 =	vsub.f32 v3, v26;
	v9 =	vsel vm11, s30, v9  }
0x133: {  	v13 =	vsel vm12, s31, v13;
	v14 =	vadd.f32 $9.999999930e-09, v14;
	v24 =	vadd.f32 $9.999999930e-09, v17  }
0x134: {  	v17 =	vadd.f32 $9.999999930e-09, v25;
	v25 =	vbroadcast v6, $0x8;
	v15 =	vadd.f32 v20, v15  }
0x135: {  	v20 =	vadd.f32 $9.999999930e-09, v36;
	v36 =	vsub.f32 v5, v26;
	v14 =	vmul.f32 v14, v14  }
0x136: {  	v17 =	vmul.f32 v17, v17;
	v27 =	vsub.f32 v0, v25;
	v32 =	vsub.f32 v2, v25  }
0x137: {  	vm4 =	vlt.f32 v15, v8;
	v8 =	vmin.f32 v8, v15;
	v15 =	vsub.f32 v2, v30  }
0x138: {  	v38 =	vmul.f32 v20, v20;
	v30 =	vand.u32 $0x7FFFFFFF, v28;
	v14 =	vadd.f32 v16, v14  }
0x139: {  	v20 =	vsub.f32 v5, v39;
	v16 =	vmul.f32 v24, v24;
	v24 =	vsub.f32 v5, v57  }
0x13a: {  	v31 =	vadd.f32 $9.999999930e-09, v30;
	v15 =	vand.u32 $0x7FFFFFFF, v15;
	vm14 =	vlt.f32 v14, v10  }
0x13b: {  	s19 =	sadd.s32 $0xFFFFFFF4, s15;
	v10 =	vmin.f32 v10, v14;
	v14 =	vsub.f32 v5, v59;
	v16 =	vadd.f32 v17, v16  }
0x13c: {  	v11 =	vsel vm4, s19, v11;
	v17 =	vadd.f32 $9.999999930e-09, v29;
	v15 =	vadd.f32 $9.999999930e-09, v15  }
0x13d: {  	v59 =	vsub.f32 v1, v57;
	v29 =	vand.u32 $0x7FFFFFFF, v27;
	v9 =	vsel vm14, s31, v9  }
0x13e: {  	v14 =	vand.u32 $0x7FFFFFFF, v14;
	vm15 =	vlt.f32 v16, v12;
	v12 =	vmin.f32 v12, v16  }
0x13f: {  	v34 =	vmul.f32 v17, v17;
	v17 =	vadd.f32 $9.999999930e-09, v35;
	v15 =	vmul.f32 v15, v15  }
0x140: {  	v61 =	vand.u32 $0x7FFFFFFF, v59;
	v35 =	vand.u32 $0x7FFFFFFF, v33;
	v59 =	vbroadcast v6, $0xB  }
0x141: {  	v33 =	vbroadcast v7, $0xC;
	v14 =	vadd.f32 $9.999999930e-09, v14;
	v37 =	vmul.f32 v17, v17  }
0x142: {  	v13 =	vsel vm15, s19, v13;
	v17 =	vadd.f32 $9.999999930e-09, v40;
	v40 =	vsub.f32 v1, v39  }
0x143: {  	v28 =	vsub.f32 v2, v59;
	v14 =	vmul.f32 v14, v14;
	v16 =	vadd.f32 v38, v37  }
0x144: {  	v30 =	vsub.f32 v4, v59;
	v17 =	vmul.f32 v17, v17;
	v37 =	vbroadcast v6, $0x9  }
0x145: {  	v14 =	vadd.f32 v14, v34;
	v34 =	vand.u32 $0x7FFFFFFF, v32;
	vm6 =	vlt.f32 v16, v12  }
0x146: {  	v15 =	vadd.f32 v17, v15;
	v12 =	vmin.f32 v12, v16;
	v16 =	vadd.f32 $9.999999930e-09, v45  }
0x147: {  	v32 =	vbroadcast v6, $0xC;
	v17 =	vsub.f32 v4, v41;
	v38 =	vsub.f32 v0, v37  }
0x148: {  	s20 =	sadd.s32 $0xFFFFFFF5, s15;
	v42 =	vsub.f32 v2, v37;
	vm5 =	vlt.f32 v14, v10;
	v10 =	vmin.f32 v10, v14  }
0x149: {  	v13 =	vsel vm6, s20, v13;
	v14 =	vadd.f32 v19, v18;
	v18 =	vand.u32 $0x7FFFFFFF, v46  }
0x14a: {  	v19 =	vsub.f32 v4, v50;
	v9 =	vsel vm5, s19, v9;
	vm7 =	vlt.f32 v15, v8  }
0x14b: {  	v8 =	vmin.f32 v8, v15;
	v15 =	vand.u32 $0x7FFFFFFF, v43;
	v16 =	vmul.f32 v16, v16  }
0x14c: {  	v18 =	vadd.f32 $9.999999930e-09, v18;
	v17 =	vand.u32 $0x7FFFFFFF, v17;
	v43 =	vsub.f32 v3, v39  }
0x14d: {  	v45 =	vand.u32 $0x7FFFFFFF, v42;
	v39 =	vsub.f32 v2, v32;
	v42 =	vbroadcast v6, $0xD  }
0x14e: {  	v11 =	vsel vm7, s20, v11;
	vm8 =	vlt.f32 v14, v10;
	v15 =	vadd.f32 $9.999999930e-09, v15  }
0x14f: {  	v10 =	vmin.f32 v10, v14;
	v14 =	vsub.f32 v2, v41;
	v48 =	vadd.f32 $9.999999930e-09, v17  }
0x150: {  	v17 =	vadd.f32 $9.999999930e-09, v49;
	v55 =	vand.u32 $0x7FFFFFFF, v19;
	v41 =	vand.u32 $0x7FFFFFFF, v40  }
0x151: {  	v19 =	vsub.f32 v4, v37;
	v49 =	vand.u32 $0x7FFFFFFF, v20;
	v40 =	vsub.f32 v3, v33  }
0x152: {  	v9 =	vsel vm8, s20, v9;
	v44 =	vadd.f32 $9.999999930e-09, v41;
	v15 =	vmul.f32 v15, v15  }
0x153: {  	v46 =	vand.u32 $0x7FFFFFFF, v43;
	v43 =	vsub.f32 v5, v33;
	v14 =	vand.u32 $0x7FFFFFFF, v14  }
0x154: {  	v18 =	vmul.f32 v18, v18;
	v14 =	vadd.f32 $9.999999930e-09, v14;
	v15 =	vadd.f32 v16, v15  }
0x155: {  	v17 =	vmul.f32 v17, v17;
	v16 =	vmul.f32 v48, v48;
	v48 =	vand.u32 $0x7FFFFFFF, v19  }
0x156: {  	v14 =	vmul.f32 v14, v14;
	vm9 =	vlt.f32 v15, v12;
	v12 =	vmin.f32 v12, v15  }
0x157: {  	s21 =	sadd.s32 $0xFFFFFFF6, s15;
	v15 =	vsub.f32 v0, v50;
	v16 =	vadd.f32 v17, v16;
	v17 =	vand.u32 $0x7FFFFFFF, v53  }
0x158: {  	v50 =	vbroadcast v6, $0xA;
	v14 =	vadd.f32 v18, v14;
	v13 =	vsel vm9, s21, v13  }
0x159: {  	v17 =	vadd.f32 $9.999999930e-09, v17;
	v18 =	vsub.f32 v5, v51;
	v51 =	vbroadcast v7, $0xA  }
0x15a: {  	vm11 =	vlt.f32 v16, v10;
	v10 =	vmin.f32 v10, v16;
	vm10 =	vlt.f32 v14, v8  }
0x15b: {  	v8 =	vmin.f32 v8, v14;
	v14 =	vand.u32 $0x7FFFFFFF, v15;
	v15 =	vand.u32 $0x7FFFFFFF, v52  }
0x15c: {  	v16 =	vand.u32 $0x7FFFFFFF, v54;
	v14 =	vadd.f32 $9.999999930e-09, v14;
	v15 =	vadd.f32 $9.999999930e-09, v15  }
0x15d: {  	v54 =	vsub.f32 v2, v50;
	v58 =	vsub.f32 v4, v50;
	v17 =	vmul.f32 v17, v17  }
0x15e: {  	v9 =	vsel vm11, s21, v9;
	v14 =	vmul.f32 v14, v14;
	v15 =	vmul.f32 v15, v15  }
0x15f: {  	v18 =	vand.u32 $0x7FFFFFFF, v18;
	v52 =	vsub.f32 v0, v50;
	v56 =	vsub.f32 v3, v51  }
0x160: {  	v50 =	vbroadcast v6, $0xE;
	v18 =	vadd.f32 $9.999999930e-09, v18;
	v14 =	vadd.f32 v15, v14  }
0x161: {  	v6 =	vbroadcast v6, $0xF;
	v15 =	vadd.f32 $9.999999930e-09, v16;
	v16 =	vadd.f32 $9.999999930e-09, v55  }
0x162: {  	v11 =	vsel vm10, s21, v11;
	v53 =	vand.u32 $0x7FFFFFFF, v52;
	v18 =	vmul.f32 v18, v18  }
0x163: {  	v55 =	vand.u32 $0x7FFFFFFF, v54;
	v15 =	vmul.f32 v15, v15;
	v16 =	vmul.f32 v16, v16  }
0x164: {  	v52 =	vsub.f32 v0, v50;
	v57 =	vadd.f32 $9.999999930e-09, v55;
	vm12 =	vlt.f32 v14, v12  }
0x165: {  	s22 =	sadd.s32 $0xFFFFFFF7, s15;
	v12 =	vmin.f32 v12, v14;
	v14 =	vadd.f32 v15, v17;
	v15 =	vadd.f32 v18, v16  }
0x166: {  	v13 =	vsel vm12, s22, v13;
	v16 =	vadd.f32 $9.999999930e-09, v60;
	v17 =	vadd.f32 $9.999999930e-09, v61  }
0x167: {  	v18 =	vand.u32 $0x7FFFFFFF, v24;
	v60 =	vbroadcast v7, $0xB;
	v61 =	vsub.f32 v0, v59  }
0x168: {  	v18 =	vadd.f32 $9.999999930e-09, v18;
	vm13 =	vlt.f32 v14, v8;
	vm14 =	vlt.f32 v15, v10  }
0x169: {  	v16 =	vmul.f32 v16, v16;
	v17 =	vmul.f32 v17, v17;
	v8 =	vmin.f32 v8, v14  }
0x16a: {  	v14 =	vand.u32 $0x7FFFFFFF, v62;
	v10 =	vmin.f32 v10, v15;
	v15 =	vadd.f32 $9.999999930e-09, v22  }
0x16b: {  	v62 =	vsub.f32 v1, v60;
	v24 =	vand.u32 $0x7FFFFFFF, v61;
	v14 =	vadd.f32 $9.999999930e-09, v14  }
0x16c: {  	v11 =	vsel vm13, s22, v11;
	v9 =	vsel vm14, s22, v9;
	v16 =	vadd.f32 v17, v16  }
0x16d: {  	v15 =	vmul.f32 v15, v15;
	v17 =	vand.u32 $0x7FFFFFFF, v23;
	v14 =	vmul.f32 v14, v14  }
0x16e: {  	v18 =	vmul.f32 v18, v18;
	v17 =	vadd.f32 $9.999999930e-09, v17;
	vm15 =	vlt.f32 v16, v12  }
0x16f: {  	v12 =	vmin.f32 v12, v16;
	v16 =	vmul.f32 v31, v31;
	v14 =	vadd.f32 v15, v14  }
0x170: {  	s23 =	sadd.s32 $0xFFFFFFF8, s15;
	v31 =	vsub.f32 v5, v60;
	v15 =	vmul.f32 v17, v17;
	v17 =	vadd.f32 $9.999999930e-09, v29  }
0x171: {  	v13 =	vsel vm15, s23, v13;
	v29 =	vand.u32 $0x7FFFFFFF, v28;
	vm4 =	vlt.f32 v14, v8  }
0x172: {  	v15 =	vadd.f32 v18, v15;
	v17 =	vmul.f32 v17, v17;
	v18 =	vand.u32 $0x7FFFFFFF, v36  }
0x173: {  	v8 =	vmin.f32 v8, v14;
	v11 =	vsel vm4, s23, v11;
	v18 =	vadd.f32 $9.999999930e-09, v18  }
0x174: {  	vm5 =	vlt.f32 v15, v10;
	v14 =	vadd.f32 v16, v17;
	v16 =	vadd.f32 $9.999999930e-09, v34  }
0x175: {  	v17 =	vadd.f32 $9.999999930e-09, v35;
	v10 =	vmin.f32 v10, v15;
	v15 =	vsub.f32 v4, v25  }
0x176: {  	v25 =	vand.u32 $0x7FFFFFFF, v62;
	v34 =	vsub.f32 v0, v32;
	v35 =	vsub.f32 v1, v33  }
0x177: {  	v62 =	vsub.f32 v2, v6;
	v9 =	vsel vm5, s23, v9;
	v21 =	vadd.f32 $9.999999930e-09, v25  }
0x178: {  	vm6 =	vlt.f32 v14, v12;
	v16 =	vmul.f32 v16, v16;
	v17 =	vmul.f32 v17, v17  }
0x179: {  	s24 =	sadd.s32 $0xFFFFFFF9, s15;
	v15 =	vand.u32 $0x7FFFFFFF, v15;
	v12 =	vmin.f32 v12, v14;
	v36 =	vand.u32 $0x7FFFFFFF, v34  }
0x17a: {  	v37 =	vand.u32 $0x7FFFFFFF, v35;
	v13 =	vsel vm6, s24, v13;
	v15 =	vadd.f32 $9.999999930e-09, v15  }
0x17b: {  	v27 =	vmul.f32 v21, v21;
	v21 =	vand.u32 $0x7FFFFFFF, v39;
	v16 =	vadd.f32 v17, v16  }
0x17c: {  	v17 =	vand.u32 $0x7FFFFFFF, v38;
	v38 =	vadd.f32 $9.999999930e-09, v37;
	v14 =	vmul.f32 v15, v15  }
0x17d: {  	v15 =	vmul.f32 v18, v18;
	v18 =	vadd.f32 $9.999999930e-09, v46;
	v46 =	vand.u32 $0x7FFFFFFF, v43  }
0x17e: {  	vm7 =	vlt.f32 v16, v8;
	v8 =	vmin.f32 v8, v16;
	v16 =	vmul.f32 v44, v44  }
0x17f: {  	v44 =	vbroadcast v7, $0xD;
	v14 =	vadd.f32 v15, v14;
	v15 =	vadd.f32 $9.999999930e-09, v17  }
0x180: {  	v17 =	vadd.f32 $9.999999930e-09, v45;
	v47 =	vmul.f32 v18, v18;
	v18 =	vadd.f32 $9.999999930e-09, v49  }
0x181: {  	v11 =	vsel vm7, s24, v11;
	v45 =	vsub.f32 v0, v42;
	v49 =	vsub.f32 v3, v44  }
0x182: {  	v20 =	vsub.f32 v5, v44;
	vm8 =	vlt.f32 v14, v10;
	v15 =	vmul.f32 v15, v15  }
0x183: {  	v10 =	vmin.f32 v10, v14;
	v18 =	vmul.f32 v18, v18;
	v22 =	vand.u32 $0x7FFFFFFF, v49  }
0x184: {  	v14 =	vadd.f32 v16, v15;
	v15 =	vmul.f32 v17, v17;
	v17 =	vadd.f32 $9.999999930e-09, v48  }
0x185: {  	v20 =	vand.u32 $0x7FFFFFFF, v20;
	v16 =	vsub.f32 v5, v51;
	v48 =	vsub.f32 v2, v42  }
0x186: {  	v9 =	vsel vm8, s24, v9;
	v22 =	vadd.f32 $9.999999930e-09, v22;
	v20 =	vadd.f32 $9.999999930e-09, v20  }
0x187: {  	vm9 =	vlt.f32 v14, v12;
	v15 =	vadd.f32 v47, v15;
	v17 =	vmul.f32 v17, v17  }
0x188: {  	v12 =	vmin.f32 v12, v14;
	v14 =	vsub.f32 v1, v51;
	v16 =	vand.u32 $0x7FFFFFFF, v16  }
0x189: {  	s25 =	sadd.s32 $0xFFFFFFFA, s15;
	v47 =	vsub.f32 v1, v44;
	v51 =	vmul.f32 v22, v22;
	v20 =	vmul.f32 v20, v20  }
0x18a: {  	v13 =	vsel vm9, s25, v13;
	v16 =	vadd.f32 $9.999999930e-09, v16;
	vm10 =	vlt.f32 v15, v8  }
0x18b: {  	v17 =	vadd.f32 v18, v17;
	v18 =	vadd.f32 $9.999999930e-09, v53;
	v14 =	vand.u32 $0x7FFFFFFF, v14  }
0x18c: {  	v8 =	vmin.f32 v8, v15;
	v19 =	vand.u32 $0x7FFFFFFF, v47;
	v53 =	vand.u32 $0x7FFFFFFF, v52  }
0x18d: {  	v11 =	vsel vm10, s25, v11;
	v14 =	vadd.f32 $9.999999930e-09, v14;
	v16 =	vmul.f32 v16, v16  }
0x18e: {  	v19 =	vadd.f32 $9.999999930e-09, v19;
	vm11 =	vlt.f32 v17, v10;
	v15 =	vmul.f32 v18, v18  }
0x18f: {  	v10 =	vmin.f32 v10, v17;
	v17 =	vmul.f32 v57, v57;
	v18 =	vand.u32 $0x7FFFFFFF, v58  }
0x190: {  	v58 =	vsub.f32 v0, v6;
	v6 =	vsub.f32 v4, v6;
	v14 =	vmul.f32 v14, v14  }
0x191: {  	v9 =	vsel vm11, s25, v9;
	v18 =	vadd.f32 $9.999999930e-09, v18;
	v19 =	vmul.f32 v19, v19  }
0x192: {  	v6 =	vand.u32 $0x7FFFFFFF, v6;
	v14 =	vadd.f32 v14, v15;
	v15 =	vand.u32 $0x7FFFFFFF, v56  }
0x193: {  	v63 =	vmul.f32 v18, v18;
	v18 =	vadd.f32 $9.999999930e-09, v24;
	v24 =	vbroadcast v7, $0xE  }
0x194: {  	v56 =	vsub.f32 v4, v50;
	v7 =	vbroadcast v7, $0xF;
	v6 =	vadd.f32 $9.999999930e-09, v6  }
0x195: {  	v15 =	vadd.f32 $9.999999930e-09, v15;
	vm12 =	vlt.f32 v14, v12;
	v12 =	vmin.f32 v12, v14  }
0x196: {  	v14 =	vadd.f32 v16, v63;
	v26 =	vmul.f32 v18, v18;
	v18 =	vand.u32 $0x7FFFFFFF, v31  }
0x197: {  	v25 =	vsub.f32 v1, v24;
	v55 =	vsub.f32 v3, v24;
	v15 =	vmul.f32 v15, v15  }
0x198: {  	v57 =	vand.u32 $0x7FFFFFFF, v56;
	v59 =	vsub.f32 v1, v7;
	v63 =	vsub.f32 v3, v7  }
0x199: {  	s26 =	sadd.s32 $0xFFFFFFFB, s15;
	v7 =	vsub.f32 v5, v7;
	v6 =	vmul.f32 v6, v6;
	v15 =	vadd.f32 v15, v17  }
0x19a: {  	v13 =	vsel vm12, s26, v13;
	v18 =	vadd.f32 $9.999999930e-09, v18;
	vm14 =	vlt.f32 v14, v10  }
0x19b: {  	vm13 =	vlt.f32 v15, v8;
	v8 =	vmin.f32 v8, v15;
	v15 =	vsub.f32 v3, v60  }
0x19c: {  	v16 =	vadd.f32 v27, v26;
	v10 =	vmin.f32 v10, v14;
	v14 =	vadd.f32 $9.999999930e-09, v29  }
0x19d: {  	v54 =	vand.u32 $0x7FFFFFFF, v25;
	v7 =	vand.u32 $0x7FFFFFFF, v7;
	v15 =	vand.u32 $0x7FFFFFFF, v15  }
0x19e: {  	v9 =	vsel vm14, s26, v9;
	v17 =	vand.u32 $0x7FFFFFFF, v30;
	v15 =	vadd.f32 $9.999999930e-09, v15  }
0x19f: {  	v18 =	vmul.f32 v18, v18;
	v7 =	vadd.f32 $9.999999930e-09, v7;
	vm15 =	vlt.f32 v16, v12  }
0x1a0: {  	v14 =	vmul.f32 v14, v14;
	v17 =	vadd.f32 $9.999999930e-09, v17;
	v15 =	vmul.f32 v15, v15  }
0x1a1: {  	v12 =	vmin.f32 v12, v16;
	v16 =	vmul.f32 v38, v38;
	v7 =	vmul.f32 v7, v7  }
0x1a2: {  	s28 =	sadd.s32 $0xFFFFFFFC, s15;
	v14 =	vadd.f32 v15, v14;
	v15 =	vmul.f32 v17, v17;
	v17 =	vadd.f32 $9.999999930e-09, v36  }
0x1a3: {  	v13 =	vsel vm15, s28, v13;
	v11 =	vsel vm13, s26, v11;
	v6 =	vadd.f32 v7, v6  }
0x1a4: {  	vm2 =	vlt.f32 v14, v8;
	v15 =	vadd.f32 v18, v15;
	v17 =	vmul.f32 v17, v17  }
0x1a5: {  	v8 =	vmin.f32 v8, v14;
	v14 =	vadd.f32 $9.999999930e-09, v21;
	v18 =	vand.u32 $0x7FFFFFFF, v40  }
0x1a6: {  	v21 =	vand.u32 $0x7FFFFFFF, v48;
	v41 =	vadd.f32 $9.999999930e-09, v18;
	v18 =	vsub.f32 v4, v42  }
0x1a7: {  	v21 =	vadd.f32 $9.999999930e-09, v21;
	vm1 =	vlt.f32 v15, v10;
	v16 =	vadd.f32 v16, v17  }
0x1a8: {  	v10 =	vmin.f32 v10, v15;
	v14 =	vmul.f32 v14, v14;
	v15 =	vsub.f32 v4, v32  }
0x1a9: {  	v17 =	vmul.f32 v41, v41;
	v18 =	vand.u32 $0x7FFFFFFF, v18;
	vm4 =	vlt.f32 v16, v12  }
0x1aa: {  	v15 =	vand.u32 $0x7FFFFFFF, v15;
	v12 =	vmin.f32 v12, v16;
	v18 =	vadd.f32 $9.999999930e-09, v18  }
0x1ab: {  	v16 =	vand.u32 $0x7FFFFFFF, v45;
	v15 =	vadd.f32 $9.999999930e-09, v15;
	v14 =	vadd.f32 v17, v14  }
0x1ac: {  	v21 =	vmul.f32 v21, v21;
	v17 =	vadd.f32 $9.999999930e-09, v46;
	v16 =	vadd.f32 $9.999999930e-09, v16  }
0x1ad: {  	v11 =	vsel vm2, s28, v11;
	v18 =	vmul.f32 v18, v18;
	v15 =	vmul.f32 v15, v15  }
0x1ae: {  	v17 =	vmul.f32 v17, v17;
	v16 =	vmul.f32 v16, v16;
	vm5 =	vlt.f32 v14, v8  }
0x1af: {  	v8 =	vmin.f32 v8, v14;
	v14 =	vsub.f32 v2, v50;
	v18 =	vadd.f32 v20, v18  }
0x1b0: {  	v9 =	vsel vm1, s28, v9;
	v20 =	vadd.f32 $9.999999930e-09, v54;
	v15 =	vadd.f32 v17, v15  }
0x1b1: {  	v16 =	vadd.f32 v19, v16;
	v17 =	vadd.f32 v51, v21;
	v14 =	vand.u32 $0x7FFFFFFF, v14  }
0x1b2: {  	v19 =	vadd.f32 $9.999999930e-09, v53;
	v21 =	vand.u32 $0x7FFFFFFF, v55;
	v14 =	vadd.f32 $9.999999930e-09, v14  }
0x1b3: {  	s29 =	sadd.s32 $0xFFFFFFFD, s15;
	vm6 =	vlt.f32 v15, v10;
	v10 =	vmin.f32 v10, v15;
	v15 =	vadd.f32 $9.999999930e-09, v21  }
0x1b4: {  	v13 =	vsel vm4, s29, v13;
	v20 =	vmul.f32 v20, v20;
	v19 =	vmul.f32 v19, v19  }
0x1b5: {  	v11 =	vsel vm5, s29, v11;
	v14 =	vmul.f32 v14, v14;
	v15 =	vmul.f32 v15, v15  }
0x1b6: {  	vm7 =	vlt.f32 v16, v12;
	v12 =	vmin.f32 v12, v16;
	vm8 =	vlt.f32 v17, v8  }
0x1b7: {  	v21 =	vand.u32 $0x7FFFFFFF, v59;
	v14 =	vadd.f32 v15, v14;
	v15 =	vsub.f32 v5, v24  }
0x1b8: {  	v16 =	vadd.f32 $9.999999930e-09, v57;
	v8 =	vmin.f32 v8, v17;
	v61 =	vadd.f32 $9.999999930e-09, v21  }
0x1b9: {  	s30 =	sadd.s32 $0xFFFFFFFE, s15;
	v9 =	vsel vm6, s29, v9;
	vm9 =	vlt.f32 v18, v10;
	v15 =	vand.u32 $0x7FFFFFFF, v15  }
0x1ba: {  	v10 =	vmin.f32 v10, v18;
	v13 =	vsel vm7, s30, v13;
	v15 =	vadd.f32 $9.999999930e-09, v15  }
0x1bb: {  	v18 =	vand.u32 $0x7FFFFFFF, v63;
	v19 =	vadd.f32 v20, v19;
	v20 =	vand.u32 $0x7FFFFFFF, v58  }
0x1bc: {  	v16 =	vmul.f32 v16, v16;
	v60 =	vadd.f32 $9.999999930e-09, v20;
	v15 =	vmul.f32 v15, v15  }
0x1bd: {  	v11 =	vsel vm8, s30, v11;
	v18 =	vadd.f32 $9.999999930e-09, v18;
	v20 =	vmul.f32 v61, v61  }
0x1be: {  	v17 =	vmul.f32 v60, v60;
	v15 =	vadd.f32 v15, v16;
	v16 =	vand.u32 $0x7FFFFFFF, v62  }
0x1bf: {  	v9 =	vsel vm9, s30, v9;
	vm10 =	vlt.f32 v19, v12;
	v16 =	vadd.f32 $9.999999930e-09, v16  }
0x1c0: {  	s31 =	sadd.s32 $0xFFFFFFFF, s15;
	v12 =	vmin.f32 v12, v19;
	v18 =	vmul.f32 v18, v18;
	v17 =	vadd.f32 v20, v17  }
0x1c1: {  	p0 =	sne.s32 s15, $0x8FF;
	v13 =	vsel vm10, s31, v13;
	vm11 =	vlt.f32 v14, v8;
	v16 =	vmul.f32 v16, v16  }
.Ltmp1:
0x1c2: {  	v7 =	vmin.f32 v8, v14;
	v11 =	vsel vm11, s31, v11;
	vm13 =	vlt.f32 v17, v12;
	(pc) =	sbr.rel @p0 .LBB2_4-.Ltmp1, $4  }
0x1c3: {  	v12 =	vmin.f32 v12, v17;
	vm12 =	vlt.f32 v15, v10;
	v16 =	vadd.f32 v18, v16  }
0x1c4: {  	v13 =	vsel vm13, s15, v13;
	v10 =	vmin.f32 v10, v15;
	v8 =	vsel vm12, s31, v9  }
0x1c5: {  	vm15 =	vlt.f32 v6, v10;
	v10 =	vmin.f32 v10, v6;
	vm14 =	vlt.f32 v16, v7  }
0x1c6: {  	s16 =	sadd.s32 $0x10, s16;
	s17 =	sadd.s32 $0x10, s17;
	v9 =	vsel vm15, s15, v8;
	v8 =	vmin.f32 v7, v16;
	v11 =	vsel vm14, s15, v11;
	s15 =	sadd.s32 $0x10, s15  }
0x1c7: {  	[tilespmem:$0x1330] =	vst v12  }
0x1c8: {  	[tilespmem:$0x13B0] =	vst v13  }
0x1c9: {  	[tilespmem:$0x1340] =	vst v8  }
0x1ca: {  	[tilespmem:$0x13C0] =	vst v11  }
0x1cb: {  	[tilespmem:$0x1350] =	vst v10  }
0x1cc: {  	[tilespmem:$0x13D0] =	vst v9  }
0x1cd: {  	[hbm4b:s7+s2] =	stream.linear.scatter [tilespmem:s12], [sflag:$0x1], $0x60, $0x38;
	[tilespmem:$0x1400] =	vst v63  }
0x1ce: {  	s14 =	sadd.s32 $0x1, s14;
	_ =	swait.ge [sflag:s10], $0x60  }
0x1cf: {  	p0 =	sne.s32 s14, s9;
	[sflag:s10] =	ssyncset.done $0x0  }
.Ltmp2:
0x1d0: {  	[sflag:s10] =	ssyncadd.s32 $0xFFFFFFA0;
	(pc) =	sbr.rel @p0 .LBB2_1-.Ltmp2, $4  }
0x1d1: {  	[hbm4b:s8+s2] =	stream.linear.scatter [tilespmem:s13], [sflag:$0x1], $0x60, $0x38;
	[tilespmem:$0x1400] =	vst v63  }
0x1d2: {  	_ =	swait.ge [sflag:s10], $0x60  }
0x1d3: {  	[sflag:s10] =	ssyncset.done $0x0  }
0x1d4: {  	[sflag:s10] =	ssyncadd.s32 $0xFFFFFFA0  }
0x1d5: {  	_ =	sfence.sel $0x180000  }
0x1d6: {  	[bflag:$0x0] =	sbarrier.arrive $0xFFFF  }
0x1d7: {  	p0 =	sne.s32 s0, $0x0;
	_ =	strace $0x90000047  }
0x1d8: {  	s0 =	sadd.s32 @!p0 $0x100000, s1;
	[bflag:$0x2] =	sbarrier.arrive $0xFFFF  }
0x1d9: {  	[sflag:s0] =	ssyncadd.tile.s32 @!p0 $0x1;
	_ =	shalt  }
.Lfunc_end2:
_tile_overlayer_lowered:
.L_overlay_start_2:
0x1da: {  	(tag) =	ssettag $0x2  }
0x1db: {  	s0 =	rddreg [dreg:$0x0];
	s2 =	stileid.u32  }
0x1dc: {  	s1 =	rddreg [dreg:$0x1];
	p0 =	sne.s32 s2, $0x0  }
0x1dd: {  	s3 =	rddreg [dreg:$0x2];
	[bflag:$0x3] =	sbarrier.arrive $0xFFFF;
	s2 =	simm.s32 @!p0 $0x1C01  }
0x1de: {  	[timem:s3], [sflag:s2] =	dma.local @!p0 [hbm:s0], s1  }
0x1df: {  	s0 =	simm.s32 @!p0 $0x1  }
0x1e0: {  	_ =	swait.ge @!p0 [sflag:s0], s1  }
0x1e1: {  	s1 =	ssub.s32 @!p0 $0x0, s1;
	[sflag:s0] =	ssyncset.done @!p0 $0x0  }
0x1e2: {  	[sflag:s0] =	ssyncadd.s32 @!p0 s1  }
0x1e3: {  	[bflag:$0x3] =	sbarrier.arrive $0xFFFF  }
0x1e4: {  	_ =	shalt  }

</sc_bundles>
